<compile_context>
chip_gen: v7x
topology: tpu7x:2x2x1
jax: 0.10.2.dev20260603
libtpu: 0.0.44.dev20260713+nightly
codegen_flags: <defaults>
</compile_context>

<pallas_src>
import functools
import math

import jax
import jax.numpy as jnp
from jax import lax
from jax.experimental import pallas as pl
from jax.experimental.pallas import tpu as pltpu
from jax.experimental.pallas import tpu_sc as plsc

D_MODEL = 512
SCALE = math.sqrt(float(D_MODEL))


@functools.cache
def _make_sc_embed(V, D, R, W):
    info = plsc.get_sparse_core_info()
    NC, NS, L = info.num_cores, info.num_subcores, info.num_lanes
    NW = NC * NS
    B = R * W
    assert B % NW == 0
    b_per_w = B // NW
    w_per_row = W // b_per_w
    CH = 32
    NB = 4
    assert b_per_w % CH == 0
    NCHUNK = b_per_w // CH
    assert NCHUNK % NB == 0
    NG = NCHUNK // NB

    mesh = plsc.VectorSubcoreMesh(core_axis_name="c", subcore_axis_name="s")

    @functools.partial(
        pl.kernel,
        mesh=mesh,
        out_type=jax.ShapeDtypeStruct((R, W, D), jnp.float32),
        scratch_types=[
            pltpu.VMEM((b_per_w,), jnp.int32),
            pltpu.VMEM((CH, D), jnp.float32),
            pltpu.VMEM((CH, D), jnp.float32),
            pltpu.VMEM((CH, D), jnp.float32),
            pltpu.VMEM((CH, D), jnp.float32),
            pltpu.SemaphoreType.DMA,
            pltpu.SemaphoreType.DMA,
            pltpu.SemaphoreType.DMA,
            pltpu.SemaphoreType.DMA,
            pltpu.SemaphoreType.DMA,
            pltpu.SemaphoreType.DMA,
            pltpu.SemaphoreType.DMA,
            pltpu.SemaphoreType.DMA,
        ],
    )
    def k(idx_hbm, table_hbm, out_hbm, idx_v,
          buf0, buf1, buf2, buf3, gs0, gs1, gs2, gs3, os0, os1, os2, os3):
        wid = lax.axis_index("s") * NC + lax.axis_index("c")
        row = wid // w_per_row
        col = (wid % w_per_row) * b_per_w
        pltpu.sync_copy(idx_hbm.at[row, pl.ds(col, b_per_w)], idx_v)

        bufs = (buf0, buf1, buf2, buf3)
        gsems = (gs0, gs1, gs2, gs3)
        osems = (os0, os1, os2, os3)

        def gather_desc(c, b):
            off = pl.multiple_of(c * CH, CH)
            return pltpu.make_async_copy(
                table_hbm.at[idx_v.at[pl.ds(off, CH)]], bufs[b], gsems[b])

        def out_desc(c, b):
            off = pl.multiple_of(col + c * CH, CH)
            return pltpu.make_async_copy(
                bufs[b], out_hbm.at[row, pl.ds(off, CH)], osems[b])

        for b in range(NB):
            gather_desc(b, b).start()

        def chunk_body(g, c, b):
            def drain_and_prefetch():
                out_desc(c - 2, (b + 2) % NB).wait()
                gather_desc(c + 2, (b + 2) % NB).start()

            if b >= 2:
                out_desc(c - 2, (b + 2) % NB).wait()

                @pl.when(g < NG - 1)
                def _():
                    gather_desc(c + 2, (b + 2) % NB).start()
            else:
                @pl.when(g >= 1)
                def _():
                    drain_and_prefetch()

            gather_desc(c, b).wait()
            buf = bufs[b]

            def scale_row(r, carry):
                for j in range(D // L):
                    buf[r, pl.ds(j * L, L)] = buf[r, pl.ds(j * L, L)] * SCALE
                return carry

            lax.fori_loop(0, CH, scale_row, 0)
            out_desc(c, b).start()

        def group_body(g, carry):
            for b in range(NB):
                chunk_body(g, g * NB + b, b)
            return carry

        lax.fori_loop(0, NG, group_body, 0)
        out_desc(NCHUNK - 2, (NCHUNK - 2) % NB).wait()
        out_desc(NCHUNK - 1, (NCHUNK - 1) % NB).wait()

    return k


def kernel(x, lut):
    R, W = x.shape
    V, D = lut.shape
    k = _make_sc_embed(V, D, R, W)
    return k(x, lut)

# --- scband reference (transcript-rebuilt; emitter-appended) ---
"""Pipeline reference for scband-embeddings-68143951118344 (READ-ONLY COPY).

The authoritative reference and input builder live on the scoring server;
editing this copy changes nothing except your own understanding.
"""

import jax, jax.numpy as jnp
import numpy as np
import math

D_MODEL = 512
SRC_VOCAB_SIZE = 25002

def setup_inputs(seed: int = 0) -> dict:
    key = jax.random.key(seed)
    k1, k2 = jax.random.split(key)
    x = jax.random.randint(k1, (4, 8192), 0, SRC_VOCAB_SIZE, dtype=jnp.int64 if jax.config.jax_enable_x64 else jnp.int32)
    lut = jax.random.normal(k2, (SRC_VOCAB_SIZE, D_MODEL), dtype=jnp.float32)
    return {"x": x, "lut": lut}

def reference(x, lut):
    # Faithful translation: nn.Embedding lookup scaled by sqrt(d_model)
    emb = jnp.take(lut, x, axis=0)
    return emb * math.sqrt(D_MODEL)

if __name__ == "__main__":
    import jax
    _d = setup_inputs()
    print(jax.jit(kernel)(*tuple(_d.values())))

</pallas_src>

<mosaic_0001>
#map = affine_map<(d0, d1) -> (0, 0)>
#map1 = affine_map<(d0, d1) -> (0, 0, 0)>
module attributes {stable_mosaic.version = 14 : i64} {
  func.func @k(%arg0: i32, %arg1: i32, %arg2: memref<4x8192xi32, #tpu.memory_space<hbm>>, %arg3: memref<25002x512xf32, #tpu.memory_space<hbm>>, %arg4: memref<4x8192x512xf32, #tpu.memory_space<hbm>>, %arg5: memref<1024xi32, #tpu.memory_space<vmem>>, %arg6: memref<32x512xf32, #tpu.memory_space<vmem>>, %arg7: memref<32x512xf32, #tpu.memory_space<vmem>>, %arg8: memref<32x512xf32, #tpu.memory_space<vmem>>, %arg9: memref<32x512xf32, #tpu.memory_space<vmem>>, %arg10: memref<!tpu.dma_semaphore, #tpu.memory_space<semaphore_mem>>, %arg11: memref<!tpu.dma_semaphore, #tpu.memory_space<semaphore_mem>>, %arg12: memref<!tpu.dma_semaphore, #tpu.memory_space<semaphore_mem>>, %arg13: memref<!tpu.dma_semaphore, #tpu.memory_space<semaphore_mem>>, %arg14: memref<!tpu.dma_semaphore, #tpu.memory_space<semaphore_mem>>, %arg15: memref<!tpu.dma_semaphore, #tpu.memory_space<semaphore_mem>>, %arg16: memref<!tpu.dma_semaphore, #tpu.memory_space<semaphore_mem>>, %arg17: memref<!tpu.dma_semaphore, #tpu.memory_space<semaphore_mem>>) attributes {dimension_semantics = [#tpu.dimension_semantics<core_parallel>, #tpu.dimension_semantics<subcore_parallel>], iteration_bounds = array<i64: 2, 16>, scalar_prefetch = 0 : i64, scratch_operands = 13 : i64, tpu.core_type = #tpu.core_type<sc_vector_subcore>, window_params = [{transform_indices = #map}, {transform_indices = #map}, {transform_indices = #map1}]} {
    %mul3A = arith.constant 2 : i32
    %mul3A_0 = arith.muli %arg1, %mul3A : i32
    %add3A = arith.addi %mul3A_0, %arg0 : i32
    %jit3A = arith.constant 8 : i32
    %div3A = arith.divsi %add3A, %jit3A : i32
    %sign3A = arith.constant 0 : i32
    %sign3A_1 = arith.cmpi sgt, %add3A, %sign3A : i32
    %sign3A_2 = arith.extui %sign3A_1 : i1 to i32
    %sign3A_3 = arith.constant 0 : i32
    %sign3A_4 = arith.cmpi slt, %add3A, %sign3A_3 : i32
    %sign3A_5 = arith.extui %sign3A_4 : i1 to i32
    %sign3A_6 = arith.subi %sign3A_2, %sign3A_5 : i32
    %sign3A_7 = arith.constant 0 : i32
    %sign3A_8 = arith.cmpi sgt, %jit3A, %sign3A_7 : i32
    %sign3A_9 = arith.extui %sign3A_8 : i1 to i32
    %sign3A_10 = arith.constant 0 : i32
    %sign3A_11 = arith.cmpi slt, %jit3A, %sign3A_10 : i32
    %sign3A_12 = arith.extui %sign3A_11 : i1 to i32
    %sign3A_13 = arith.subi %sign3A_9, %sign3A_12 : i32
    %ne3A = arith.cmpi ne, %sign3A_6, %sign3A_13 : i32
    %rem3A = arith.remsi %add3A, %jit3A : i32
    %ne3A_14 = arith.constant 0 : i32
    %ne3A_15 = arith.cmpi ne, %rem3A, %ne3A_14 : i32
    %and3A = arith.andi %ne3A, %ne3A_15 : i1
    %sub3A = arith.constant 1 : i32
    %sub3A_16 = arith.subi %div3A, %sub3A : i32
    %select_n3A = arith.select %and3A, %sub3A_16, %div3A : i32
    %jit3A_17 = arith.constant 8 : i32
    %eq3A = arith.constant 0 : i32
    %eq3A_18 = arith.cmpi eq, %jit3A_17, %eq3A : i32
    %jit3A_19 = arith.constant 1 : i32
    %select_n3A_20 = arith.select %eq3A_18, %jit3A_19, %jit3A_17 : i32
    %rem3A_21 = arith.remsi %add3A, %select_n3A_20 : i32
    %ne3A_22 = arith.constant 0 : i32
    %ne3A_23 = arith.cmpi ne, %rem3A_21, %ne3A_22 : i32
    %lt3A = arith.constant 0 : i32
    %lt3A_24 = arith.cmpi slt, %rem3A_21, %lt3A : i32
    %lt3A_25 = arith.constant 0 : i32
    %lt3A_26 = arith.cmpi slt, %select_n3A_20, %lt3A_25 : i32
    %ne3A_27 = arith.xori %lt3A_24, %lt3A_26 : i1
    %and3A_28 = arith.andi %ne3A_27, %ne3A_23 : i1
    %add3A_29 = arith.addi %rem3A_21, %select_n3A_20 : i32
    %select_n3A_30 = arith.select %and3A_28, %add3A_29, %rem3A_21 : i32
    %mul3A_31 = arith.constant 1024 : i32
    %mul3A_32 = arith.muli %select_n3A_30, %mul3A_31 : i32
    "tpu.region"() ({
      %run_scoped3A = tpu.sem_alloc : memref<!tpu.dma_semaphore, #tpu.memory_space<semaphore_mem>>
      %dma_start3A_77 = tpu.memref_slice %arg2[%select_n3A, %mul3A_32] : memref<4x8192xi32, #tpu.memory_space<hbm>> -> memref<1x1024xi32, #tpu.memory_space<hbm>>
      %dma_start3A_78 = tpu.memref_squeeze %dma_start3A_77 : memref<1x1024xi32, #tpu.memory_space<hbm>> -> memref<1024xi32, #tpu.memory_space<hbm>>
      %dma_start3A_79 = tpu.memref_slice %arg2[%select_n3A, %mul3A_32] : memref<4x8192xi32, #tpu.memory_space<hbm>> -> memref<1x1024xi32, #tpu.memory_space<hbm>>
      %dma_start3A_80 = tpu.memref_squeeze %dma_start3A_79 : memref<1x1024xi32, #tpu.memory_space<hbm>> -> memref<1024xi32, #tpu.memory_space<hbm>>
      tpu.enqueue_dma source(%dma_start3A_80 : memref<1024xi32, #tpu.memory_space<hbm>>) target(%arg5 : memref<1024xi32, #tpu.memory_space<vmem>>) target_semaphore(%run_scoped3A : memref<!tpu.dma_semaphore, #tpu.memory_space<semaphore_mem>>)
      %dma_wait3A_81 = tpu.memref_slice %arg2[%select_n3A, %mul3A_32] : memref<4x8192xi32, #tpu.memory_space<hbm>> -> memref<1x1024xi32, #tpu.memory_space<hbm>>
      %dma_wait3A_82 = tpu.memref_squeeze %dma_wait3A_81 : memref<1x1024xi32, #tpu.memory_space<hbm>> -> memref<1024xi32, #tpu.memory_space<hbm>>
      %dma_wait3A_83 = tpu.memref_slice %arg2[%select_n3A, %mul3A_32] : memref<4x8192xi32, #tpu.memory_space<hbm>> -> memref<1x1024xi32, #tpu.memory_space<hbm>>
      %dma_wait3A_84 = tpu.memref_squeeze %dma_wait3A_83 : memref<1x1024xi32, #tpu.memory_space<hbm>> -> memref<1024xi32, #tpu.memory_space<hbm>>
      tpu.wait_dma2 semaphore(%run_scoped3A : memref<!tpu.dma_semaphore, #tpu.memory_space<semaphore_mem>>) src(%dma_wait3A_84 : memref<1024xi32, #tpu.memory_space<hbm>>) dst(%arg5 : memref<1024xi32, #tpu.memory_space<vmem>>)
      tpu.yield
    }) : () -> ()
    %multiple_of3A = arith.constant 0 : i32
    %multiple_of3A_33 = tpu.assume_multiple %multiple_of3A, 32 : i32
    %dma_start3A = tpu.memref_slice %arg5[%multiple_of3A_33] : memref<1024xi32, #tpu.memory_space<vmem>> -> memref<32xi32, #tpu.memory_space<vmem>>
    %dma_start3A_34 = arith.constant 0 : i32
    %dma_start3A_35 = arith.constant 0 : i32
    %dma_start3A_36 = tpu.memref_slice %arg3[%dma_start3A_34, %dma_start3A_35] : memref<25002x512xf32, #tpu.memory_space<hbm>> -> memref<25002x512xf32, #tpu.memory_space<hbm>>
    tpu.enqueue_indirect_dma source(%dma_start3A_36 : memref<25002x512xf32, #tpu.memory_space<hbm>>) target(%arg6 : memref<32x512xf32, #tpu.memory_space<vmem>>) offsets(%dma_start3A : memref<32xi32, #tpu.memory_space<vmem>>) semaphore(%arg10 : memref<!tpu.dma_semaphore, #tpu.memory_space<semaphore_mem>>)
    %multiple_of3A_37 = arith.constant 32 : i32
    %multiple_of3A_38 = tpu.assume_multiple %multiple_of3A_37, 32 : i32
    %dma_start3A_39 = tpu.memref_slice %arg5[%multiple_of3A_38] : memref<1024xi32, #tpu.memory_space<vmem>> -> memref<32xi32, #tpu.memory_space<vmem>>
    %dma_start3A_40 = arith.constant 0 : i32
    %dma_start3A_41 = arith.constant 0 : i32
    %dma_start3A_42 = tpu.memref_slice %arg3[%dma_start3A_40, %dma_start3A_41] : memref<25002x512xf32, #tpu.memory_space<hbm>> -> memref<25002x512xf32, #tpu.memory_space<hbm>>
    tpu.enqueue_indirect_dma source(%dma_start3A_42 : memref<25002x512xf32, #tpu.memory_space<hbm>>) target(%arg7 : memref<32x512xf32, #tpu.memory_space<vmem>>) offsets(%dma_start3A_39 : memref<32xi32, #tpu.memory_space<vmem>>) semaphore(%arg11 : memref<!tpu.dma_semaphore, #tpu.memory_space<semaphore_mem>>)
    %multiple_of3A_43 = arith.constant 64 : i32
    %multiple_of3A_44 = tpu.assume_multiple %multiple_of3A_43, 32 : i32
    %dma_start3A_45 = tpu.memref_slice %arg5[%multiple_of3A_44] : memref<1024xi32, #tpu.memory_space<vmem>> -> memref<32xi32, #tpu.memory_space<vmem>>
    %dma_start3A_46 = arith.constant 0 : i32
    %dma_start3A_47 = arith.constant 0 : i32
    %dma_start3A_48 = tpu.memref_slice %arg3[%dma_start3A_46, %dma_start3A_47] : memref<25002x512xf32, #tpu.memory_space<hbm>> -> memref<25002x512xf32, #tpu.memory_space<hbm>>
    tpu.enqueue_indirect_dma source(%dma_start3A_48 : memref<25002x512xf32, #tpu.memory_space<hbm>>) target(%arg8 : memref<32x512xf32, #tpu.memory_space<vmem>>) offsets(%dma_start3A_45 : memref<32xi32, #tpu.memory_space<vmem>>) semaphore(%arg12 : memref<!tpu.dma_semaphore, #tpu.memory_space<semaphore_mem>>)
    %multiple_of3A_49 = arith.constant 96 : i32
    %multiple_of3A_50 = tpu.assume_multiple %multiple_of3A_49, 32 : i32
    %dma_start3A_51 = tpu.memref_slice %arg5[%multiple_of3A_50] : memref<1024xi32, #tpu.memory_space<vmem>> -> memref<32xi32, #tpu.memory_space<vmem>>
    %dma_start3A_52 = arith.constant 0 : i32
    %dma_start3A_53 = arith.constant 0 : i32
    %dma_start3A_54 = tpu.memref_slice %arg3[%dma_start3A_52, %dma_start3A_53] : memref<25002x512xf32, #tpu.memory_space<hbm>> -> memref<25002x512xf32, #tpu.memory_space<hbm>>
    tpu.enqueue_indirect_dma source(%dma_start3A_54 : memref<25002x512xf32, #tpu.memory_space<hbm>>) target(%arg9 : memref<32x512xf32, #tpu.memory_space<vmem>>) offsets(%dma_start3A_51 : memref<32xi32, #tpu.memory_space<vmem>>) semaphore(%arg13 : memref<!tpu.dma_semaphore, #tpu.memory_space<semaphore_mem>>)
    %scan3A = arith.constant 0 : i32
    %scan3A_55 = arith.constant 0 : i32
    %scan3A_56 = arith.constant 8 : i32
    %scan3A_57 = arith.addi %scan3A_55, %scan3A_56 : i32
    %scan3A_58 = arith.constant 1 : i32
    scf.for %scan3A_77 = %scan3A_55 to %scan3A_57 step %scan3A_58  : i32 {
      %mul3A_78 = arith.constant 4 : i32
      %mul3A_79 = arith.muli %scan3A_77, %mul3A_78 : i32
      %add3A_80 = arith.constant 0 : i32
      %add3A_81 = arith.addi %mul3A_79, %add3A_80 : i32
      %ge3A = arith.constant 1 : i32
      %ge3A_82 = arith.cmpi sge, %scan3A_77, %ge3A : i32
      %convert_element_type3A = arith.extui %ge3A_82 : i1 to i32
      %cond3A = arith.constant 0 : i32
      %cond3A_83 = arith.cmpi ne, %convert_element_type3A, %cond3A : i32
      scf.if %cond3A_83 {
        %sub3A_227 = arith.constant 2 : i32
        %sub3A_228 = arith.subi %add3A_81, %sub3A_227 : i32
        %mul3A_229 = arith.constant 32 : i32
        %mul3A_230 = arith.muli %sub3A_228, %mul3A_229 : i32
        %add3A_231 = arith.addi %mul3A_32, %mul3A_230 : i32
        %multiple_of3A_232 = tpu.assume_multiple %add3A_231, 32 : i32
        %dma_wait3A_233 = arith.constant 0 : i32
        %dma_wait3A_234 = tpu.memref_slice %arg4[%select_n3A, %multiple_of3A_232, %dma_wait3A_233] : memref<4x8192x512xf32, #tpu.memory_space<hbm>> -> memref<1x32x512xf32, #tpu.memory_space<hbm>>
        %dma_wait3A_235 = tpu.memref_squeeze %dma_wait3A_234 : memref<1x32x512xf32, #tpu.memory_space<hbm>> -> memref<32x512xf32, #tpu.memory_space<hbm>>
        %dma_wait3A_236 = arith.constant 0 : i32
        %dma_wait3A_237 = tpu.memref_slice %arg4[%select_n3A, %multiple_of3A_232, %dma_wait3A_236] : memref<4x8192x512xf32, #tpu.memory_space<hbm>> -> memref<1x32x512xf32, #tpu.memory_space<hbm>>
        %dma_wait3A_238 = tpu.memref_squeeze %dma_wait3A_237 : memref<1x32x512xf32, #tpu.memory_space<hbm>> -> memref<32x512xf32, #tpu.memory_space<hbm>>
        tpu.wait_dma2 semaphore(%arg16 : memref<!tpu.dma_semaphore, #tpu.memory_space<semaphore_mem>>) src(%arg8 : memref<32x512xf32, #tpu.memory_space<vmem>>) dst(%dma_wait3A_238 : memref<32x512xf32, #tpu.memory_space<hbm>>)
        %add3A_239 = arith.constant 2 : i32
        %add3A_240 = arith.addi %add3A_81, %add3A_239 : i32
        %mul3A_241 = arith.constant 32 : i32
        %mul3A_242 = arith.muli %add3A_240, %mul3A_241 : i32
        %multiple_of3A_243 = tpu.assume_multiple %mul3A_242, 32 : i32
        %dma_start3A_244 = tpu.memref_slice %arg5[%multiple_of3A_243] : memref<1024xi32, #tpu.memory_space<vmem>> -> memref<32xi32, #tpu.memory_space<vmem>>
        %dma_start3A_245 = arith.constant 0 : i32
        %dma_start3A_246 = arith.constant 0 : i32
        %dma_start3A_247 = tpu.memref_slice %arg3[%dma_start3A_245, %dma_start3A_246] : memref<25002x512xf32, #tpu.memory_space<hbm>> -> memref<25002x512xf32, #tpu.memory_space<hbm>>
        tpu.enqueue_indirect_dma source(%dma_start3A_247 : memref<25002x512xf32, #tpu.memory_space<hbm>>) target(%arg8 : memref<32x512xf32, #tpu.memory_space<vmem>>) offsets(%dma_start3A_244 : memref<32xi32, #tpu.memory_space<vmem>>) semaphore(%arg12 : memref<!tpu.dma_semaphore, #tpu.memory_space<semaphore_mem>>)
      } else {
      }
      %mul3A_84 = arith.constant 32 : i32
      %mul3A_85 = arith.muli %add3A_81, %mul3A_84 : i32
      %multiple_of3A_86 = tpu.assume_multiple %mul3A_85, 32 : i32
      %dma_wait3A_87 = tpu.memref_slice %arg5[%multiple_of3A_86] : memref<1024xi32, #tpu.memory_space<vmem>> -> memref<32xi32, #tpu.memory_space<vmem>>
      %dma_wait3A_88 = arith.constant 0 : i32
      %dma_wait3A_89 = arith.constant 0 : i32
      %dma_wait3A_90 = tpu.memref_slice %arg3[%dma_wait3A_88, %dma_wait3A_89] : memref<25002x512xf32, #tpu.memory_space<hbm>> -> memref<25002x512xf32, #tpu.memory_space<hbm>>
      tpu.wait_indirect_dma semaphore(%arg10 : memref<!tpu.dma_semaphore, #tpu.memory_space<semaphore_mem>>) src(%dma_wait3A_90 : memref<25002x512xf32, #tpu.memory_space<hbm>>) dst(%arg6 : memref<32x512xf32, #tpu.memory_space<vmem>>)
      %scan3A_91 = arith.constant 0 : i32
      %scan3A_92 = arith.constant 0 : i32
      %scan3A_93 = arith.constant 32 : i32
      %scan3A_94 = arith.addi %scan3A_92, %scan3A_93 : i32
      %scan3A_95 = arith.constant 1 : i32
      scf.for %scan3A_227 = %scan3A_92 to %scan3A_94 step %scan3A_95  : i32 {
        %get3A = arith.index_cast %scan3A_227 : i32 to index
        %get3A_228 = arith.constant 0 : index
        %get3A_229 = tpu.vector_load %arg6[%get3A, %get3A_228] {strides = array<i32>} : memref<32x512xf32, #tpu.memory_space<vmem>>, vector<1x16xf32>,
        %get3A_230 = vector.shape_cast %get3A_229 : vector<1x16xf32> to vector<16xf32>
        %mul3A_231 = arith.constant 22.6274166 : f32
        %mul3A_232 = vector.broadcast %mul3A_231 : f32 to vector<16xf32>
        %mul3A_233 = arith.mulf %get3A_230, %mul3A_232 : vector<16xf32>
        %swap3A = arith.index_cast %scan3A_227 : i32 to index
        %swap3A_234 = arith.constant 0 : index
        %swap3A_235 = tpu.vector_load %arg6[%swap3A, %swap3A_234] {strides = array<i32>} : memref<32x512xf32, #tpu.memory_space<vmem>>, vector<1x16xf32>,
        %swap3A_236 = vector.shape_cast %swap3A_235 : vector<1x16xf32> to vector<16xf32>
        %swap3A_237 = vector.shape_cast %mul3A_233 : vector<16xf32> to vector<1x16xf32>
        tpu.vector_store %arg6[%swap3A, %swap3A_234], %swap3A_237 {strides = array<i32>} : memref<32x512xf32, #tpu.memory_space<vmem>>, vector<1x16xf32>,
        %get3A_238 = arith.index_cast %scan3A_227 : i32 to index
        %get3A_239 = arith.constant 16 : index
        %get3A_240 = tpu.vector_load %arg6[%get3A_238, %get3A_239] {strides = array<i32>} : memref<32x512xf32, #tpu.memory_space<vmem>>, vector<1x16xf32>,
        %get3A_241 = vector.shape_cast %get3A_240 : vector<1x16xf32> to vector<16xf32>
        %mul3A_242 = arith.constant 22.6274166 : f32
        %mul3A_243 = vector.broadcast %mul3A_242 : f32 to vector<16xf32>
        %mul3A_244 = arith.mulf %get3A_241, %mul3A_243 : vector<16xf32>
        %swap3A_245 = arith.index_cast %scan3A_227 : i32 to index
        %swap3A_246 = arith.constant 16 : index
        %swap3A_247 = tpu.vector_load %arg6[%swap3A_245, %swap3A_246] {strides = array<i32>} : memref<32x512xf32, #tpu.memory_space<vmem>>, vector<1x16xf32>,
        %swap3A_248 = vector.shape_cast %swap3A_247 : vector<1x16xf32> to vector<16xf32>
        %swap3A_249 = vector.shape_cast %mul3A_244 : vector<16xf32> to vector<1x16xf32>
        tpu.vector_store %arg6[%swap3A_245, %swap3A_246], %swap3A_249 {strides = array<i32>} : memref<32x512xf32, #tpu.memory_space<vmem>>, vector<1x16xf32>,
        %get3A_250 = arith.index_cast %scan3A_227 : i32 to index
        %get3A_251 = arith.constant 32 : index
        %get3A_252 = tpu.vector_load %arg6[%get3A_250, %get3A_251] {strides = array<i32>} : memref<32x512xf32, #tpu.memory_space<vmem>>, vector<1x16xf32>,
        %get3A_253 = vector.shape_cast %get3A_252 : vector<1x16xf32> to vector<16xf32>
        %mul3A_254 = arith.constant 22.6274166 : f32
        %mul3A_255 = vector.broadcast %mul3A_254 : f32 to vector<16xf32>
        %mul3A_256 = arith.mulf %get3A_253, %mul3A_255 : vector<16xf32>
        %swap3A_257 = arith.index_cast %scan3A_227 : i32 to index
        %swap3A_258 = arith.constant 32 : index
        %swap3A_259 = tpu.vector_load %arg6[%swap3A_257, %swap3A_258] {strides = array<i32>} : memref<32x512xf32, #tpu.memory_space<vmem>>, vector<1x16xf32>,
        %swap3A_260 = vector.shape_cast %swap3A_259 : vector<1x16xf32> to vector<16xf32>
        %swap3A_261 = vector.shape_cast %mul3A_256 : vector<16xf32> to vector<1x16xf32>
        tpu.vector_store %arg6[%swap3A_257, %swap3A_258], %swap3A_261 {strides = array<i32>} : memref<32x512xf32, #tpu.memory_space<vmem>>, vector<1x16xf32>,
        %get3A_262 = arith.index_cast %scan3A_227 : i32 to index
        %get3A_263 = arith.constant 48 : index
        %get3A_264 = tpu.vector_load %arg6[%get3A_262, %get3A_263] {strides = array<i32>} : memref<32x512xf32, #tpu.memory_space<vmem>>, vector<1x16xf32>,
        %get3A_265 = vector.shape_cast %get3A_264 : vector<1x16xf32> to vector<16xf32>
        %mul3A_266 = arith.constant 22.6274166 : f32
        %mul3A_267 = vector.broadcast %mul3A_266 : f32 to vector<16xf32>
        %mul3A_268 = arith.mulf %get3A_265, %mul3A_267 : vector<16xf32>
        %swap3A_269 = arith.index_cast %scan3A_227 : i32 to index
        %swap3A_270 = arith.constant 48 : index
        %swap3A_271 = tpu.vector_load %arg6[%swap3A_269, %swap3A_270] {strides = array<i32>} : memref<32x512xf32, #tpu.memory_space<vmem>>, vector<1x16xf32>,
        %swap3A_272 = vector.shape_cast %swap3A_271 : vector<1x16xf32> to vector<16xf32>
        %swap3A_273 = vector.shape_cast %mul3A_268 : vector<16xf32> to vector<1x16xf32>
        tpu.vector_store %arg6[%swap3A_269, %swap3A_270], %swap3A_273 {strides = array<i32>} : memref<32x512xf32, #tpu.memory_space<vmem>>, vector<1x16xf32>,
        %get3A_274 = arith.index_cast %scan3A_227 : i32 to index
        %get3A_275 = arith.constant 64 : index
        %get3A_276 = tpu.vector_load %arg6[%get3A_274, %get3A_275] {strides = array<i32>} : memref<32x512xf32, #tpu.memory_space<vmem>>, vector<1x16xf32>,
        %get3A_277 = vector.shape_cast %get3A_276 : vector<1x16xf32> to vector<16xf32>
        %mul3A_278 = arith.constant 22.6274166 : f32
        %mul3A_279 = vector.broadcast %mul3A_278 : f32 to vector<16xf32>
        %mul3A_280 = arith.mulf %get3A_277, %mul3A_279 : vector<16xf32>
        %swap3A_281 = arith.index_cast %scan3A_227 : i32 to index
        %swap3A_282 = arith.constant 64 : index
        %swap3A_283 = tpu.vector_load %arg6[%swap3A_281, %swap3A_282] {strides = array<i32>} : memref<32x512xf32, #tpu.memory_space<vmem>>, vector<1x16xf32>,
        %swap3A_284 = vector.shape_cast %swap3A_283 : vector<1x16xf32> to vector<16xf32>
        %swap3A_285 = vector.shape_cast %mul3A_280 : vector<16xf32> to vector<1x16xf32>
        tpu.vector_store %arg6[%swap3A_281, %swap3A_282], %swap3A_285 {strides = array<i32>} : memref<32x512xf32, #tpu.memory_space<vmem>>, vector<1x16xf32>,
        %get3A_286 = arith.index_cast %scan3A_227 : i32 to index
        %get3A_287 = arith.constant 80 : index
        %get3A_288 = tpu.vector_load %arg6[%get3A_286, %get3A_287] {strides = array<i32>} : memref<32x512xf32, #tpu.memory_space<vmem>>, vector<1x16xf32>,
        %get3A_289 = vector.shape_cast %get3A_288 : vector<1x16xf32> to vector<16xf32>
        %mul3A_290 = arith.constant 22.6274166 : f32
        %mul3A_291 = vector.broadcast %mul3A_290 : f32 to vector<16xf32>
        %mul3A_292 = arith.mulf %get3A_289, %mul3A_291 : vector<16xf32>
        %swap3A_293 = arith.index_cast %scan3A_227 : i32 to index
        %swap3A_294 = arith.constant 80 : index
        %swap3A_295 = tpu.vector_load %arg6[%swap3A_293, %swap3A_294] {strides = array<i32>} : memref<32x512xf32, #tpu.memory_space<vmem>>, vector<1x16xf32>,
        %swap3A_296 = vector.shape_cast %swap3A_295 : vector<1x16xf32> to vector<16xf32>
        %swap3A_297 = vector.shape_cast %mul3A_292 : vector<16xf32> to vector<1x16xf32>
        tpu.vector_store %arg6[%swap3A_293, %swap3A_294], %swap3A_297 {strides = array<i32>} : memref<32x512xf32, #tpu.memory_space<vmem>>, vector<1x16xf32>,
        %get3A_298 = arith.index_cast %scan3A_227 : i32 to index
        %get3A_299 = arith.constant 96 : index
        %get3A_300 = tpu.vector_load %arg6[%get3A_298, %get3A_299] {strides = array<i32>} : memref<32x512xf32, #tpu.memory_space<vmem>>, vector<1x16xf32>,
        %get3A_301 = vector.shape_cast %get3A_300 : vector<1x16xf32> to vector<16xf32>
        %mul3A_302 = arith.constant 22.6274166 : f32
        %mul3A_303 = vector.broadcast %mul3A_302 : f32 to vector<16xf32>
        %mul3A_304 = arith.mulf %get3A_301, %mul3A_303 : vector<16xf32>
        %swap3A_305 = arith.index_cast %scan3A_227 : i32 to index
        %swap3A_306 = arith.constant 96 : index
        %swap3A_307 = tpu.vector_load %arg6[%swap3A_305, %swap3A_306] {strides = array<i32>} : memref<32x512xf32, #tpu.memory_space<vmem>>, vector<1x16xf32>,
        %swap3A_308 = vector.shape_cast %swap3A_307 : vector<1x16xf32> to vector<16xf32>
        %swap3A_309 = vector.shape_cast %mul3A_304 : vector<16xf32> to vector<1x16xf32>
        tpu.vector_store %arg6[%swap3A_305, %swap3A_306], %swap3A_309 {strides = array<i32>} : memref<32x512xf32, #tpu.memory_space<vmem>>, vector<1x16xf32>,
        %get3A_310 = arith.index_cast %scan3A_227 : i32 to index
        %get3A_311 = arith.constant 112 : index
        %get3A_312 = tpu.vector_load %arg6[%get3A_310, %get3A_311] {strides = array<i32>} : memref<32x512xf32, #tpu.memory_space<vmem>>, vector<1x16xf32>,
        %get3A_313 = vector.shape_cast %get3A_312 : vector<1x16xf32> to vector<16xf32>
        %mul3A_314 = arith.constant 22.6274166 : f32
        %mul3A_315 = vector.broadcast %mul3A_314 : f32 to vector<16xf32>
        %mul3A_316 = arith.mulf %get3A_313, %mul3A_315 : vector<16xf32>
        %swap3A_317 = arith.index_cast %scan3A_227 : i32 to index
        %swap3A_318 = arith.constant 112 : index
        %swap3A_319 = tpu.vector_load %arg6[%swap3A_317, %swap3A_318] {strides = array<i32>} : memref<32x512xf32, #tpu.memory_space<vmem>>, vector<1x16xf32>,
        %swap3A_320 = vector.shape_cast %swap3A_319 : vector<1x16xf32> to vector<16xf32>
        %swap3A_321 = vector.shape_cast %mul3A_316 : vector<16xf32> to vector<1x16xf32>
        tpu.vector_store %arg6[%swap3A_317, %swap3A_318], %swap3A_321 {strides = array<i32>} : memref<32x512xf32, #tpu.memory_space<vmem>>, vector<1x16xf32>,
        %get3A_322 = arith.index_cast %scan3A_227 : i32 to index
        %get3A_323 = arith.constant 128 : index
        %get3A_324 = tpu.vector_load %arg6[%get3A_322, %get3A_323] {strides = array<i32>} : memref<32x512xf32, #tpu.memory_space<vmem>>, vector<1x16xf32>,
        %get3A_325 = vector.shape_cast %get3A_324 : vector<1x16xf32> to vector<16xf32>
        %mul3A_326 = arith.constant 22.6274166 : f32
        %mul3A_327 = vector.broadcast %mul3A_326 : f32 to vector<16xf32>
        %mul3A_328 = arith.mulf %get3A_325, %mul3A_327 : vector<16xf32>
        %swap3A_329 = arith.index_cast %scan3A_227 : i32 to index
        %swap3A_330 = arith.constant 128 : index
        %swap3A_331 = tpu.vector_load %arg6[%swap3A_329, %swap3A_330] {strides = array<i32>} : memref<32x512xf32, #tpu.memory_space<vmem>>, vector<1x16xf32>,
        %swap3A_332 = vector.shape_cast %swap3A_331 : vector<1x16xf32> to vector<16xf32>
        %swap3A_333 = vector.shape_cast %mul3A_328 : vector<16xf32> to vector<1x16xf32>
        tpu.vector_store %arg6[%swap3A_329, %swap3A_330], %swap3A_333 {strides = array<i32>} : memref<32x512xf32, #tpu.memory_space<vmem>>, vector<1x16xf32>,
        %get3A_334 = arith.index_cast %scan3A_227 : i32 to index
        %get3A_335 = arith.constant 144 : index
        %get3A_336 = tpu.vector_load %arg6[%get3A_334, %get3A_335] {strides = array<i32>} : memref<32x512xf32, #tpu.memory_space<vmem>>, vector<1x16xf32>,
        %get3A_337 = vector.shape_cast %get3A_336 : vector<1x16xf32> to vector<16xf32>
        %mul3A_338 = arith.constant 22.6274166 : f32
        %mul3A_339 = vector.broadcast %mul3A_338 : f32 to vector<16xf32>
        %mul3A_340 = arith.mulf %get3A_337, %mul3A_339 : vector<16xf32>
        %swap3A_341 = arith.index_cast %scan3A_227 : i32 to index
        %swap3A_342 = arith.constant 144 : index
        %swap3A_343 = tpu.vector_load %arg6[%swap3A_341, %swap3A_342] {strides = array<i32>} : memref<32x512xf32, #tpu.memory_space<vmem>>, vector<1x16xf32>,
        %swap3A_344 = vector.shape_cast %swap3A_343 : vector<1x16xf32> to vector<16xf32>
        %swap3A_345 = vector.shape_cast %mul3A_340 : vector<16xf32> to vector<1x16xf32>
        tpu.vector_store %arg6[%swap3A_341, %swap3A_342], %swap3A_345 {strides = array<i32>} : memref<32x512xf32, #tpu.memory_space<vmem>>, vector<1x16xf32>,
        %get3A_346 = arith.index_cast %scan3A_227 : i32 to index
        %get3A_347 = arith.constant 160 : index
        %get3A_348 = tpu.vector_load %arg6[%get3A_346, %get3A_347] {strides = array<i32>} : memref<32x512xf32, #tpu.memory_space<vmem>>, vector<1x16xf32>,
        %get3A_349 = vector.shape_cast %get3A_348 : vector<1x16xf32> to vector<16xf32>
        %mul3A_350 = arith.constant 22.6274166 : f32
        %mul3A_351 = vector.broadcast %mul3A_350 : f32 to vector<16xf32>
        %mul3A_352 = arith.mulf %get3A_349, %mul3A_351 : vector<16xf32>
        %swap3A_353 = arith.index_cast %scan3A_227 : i32 to index
        %swap3A_354 = arith.constant 160 : index
        %swap3A_355 = tpu.vector_load %arg6[%swap3A_353, %swap3A_354] {strides = array<i32>} : memref<32x512xf32, #tpu.memory_space<vmem>>, vector<1x16xf32>,
        %swap3A_356 = vector.shape_cast %swap3A_355 : vector<1x16xf32> to vector<16xf32>
        %swap3A_357 = vector.shape_cast %mul3A_352 : vector<16xf32> to vector<1x16xf32>
        tpu.vector_store %arg6[%swap3A_353, %swap3A_354], %swap3A_357 {strides = array<i32>} : memref<32x512xf32, #tpu.memory_space<vmem>>, vector<1x16xf32>,
        %get3A_358 = arith.index_cast %scan3A_227 : i32 to index
        %get3A_359 = arith.constant 176 : index
        %get3A_360 = tpu.vector_load %arg6[%get3A_358, %get3A_359] {strides = array<i32>} : memref<32x512xf32, #tpu.memory_space<vmem>>, vector<1x16xf32>,
        %get3A_361 = vector.shape_cast %get3A_360 : vector<1x16xf32> to vector<16xf32>
        %mul3A_362 = arith.constant 22.6274166 : f32
        %mul3A_363 = vector.broadcast %mul3A_362 : f32 to vector<16xf32>
        %mul3A_364 = arith.mulf %get3A_361, %mul3A_363 : vector<16xf32>
        %swap3A_365 = arith.index_cast %scan3A_227 : i32 to index
        %swap3A_366 = arith.constant 176 : index
        %swap3A_367 = tpu.vector_load %arg6[%swap3A_365, %swap3A_366] {strides = array<i32>} : memref<32x512xf32, #tpu.memory_space<vmem>>, vector<1x16xf32>,
        %swap3A_368 = vector.shape_cast %swap3A_367 : vector<1x16xf32> to vector<16xf32>
        %swap3A_369 = vector.shape_cast %mul3A_364 : vector<16xf32> to vector<1x16xf32>
        tpu.vector_store %arg6[%swap3A_365, %swap3A_366], %swap3A_369 {strides = array<i32>} : memref<32x512xf32, #tpu.memory_space<vmem>>, vector<1x16xf32>,
        %get3A_370 = arith.index_cast %scan3A_227 : i32 to index
        %get3A_371 = arith.constant 192 : index
        %get3A_372 = tpu.vector_load %arg6[%get3A_370, %get3A_371] {strides = array<i32>} : memref<32x512xf32, #tpu.memory_space<vmem>>, vector<1x16xf32>,
        %get3A_373 = vector.shape_cast %get3A_372 : vector<1x16xf32> to vector<16xf32>
        %mul3A_374 = arith.constant 22.6274166 : f32
        %mul3A_375 = vector.broadcast %mul3A_374 : f32 to vector<16xf32>
        %mul3A_376 = arith.mulf %get3A_373, %mul3A_375 : vector<16xf32>
        %swap3A_377 = arith.index_cast %scan3A_227 : i32 to index
        %swap3A_378 = arith.constant 192 : index
        %swap3A_379 = tpu.vector_load %arg6[%swap3A_377, %swap3A_378] {strides = array<i32>} : memref<32x512xf32, #tpu.memory_space<vmem>>, vector<1x16xf32>,
        %swap3A_380 = vector.shape_cast %swap3A_379 : vector<1x16xf32> to vector<16xf32>
        %swap3A_381 = vector.shape_cast %mul3A_376 : vector<16xf32> to vector<1x16xf32>
        tpu.vector_store %arg6[%swap3A_377, %swap3A_378], %swap3A_381 {strides = array<i32>} : memref<32x512xf32, #tpu.memory_space<vmem>>, vector<1x16xf32>,
        %get3A_382 = arith.index_cast %scan3A_227 : i32 to index
        %get3A_383 = arith.constant 208 : index
        %get3A_384 = tpu.vector_load %arg6[%get3A_382, %get3A_383] {strides = array<i32>} : memref<32x512xf32, #tpu.memory_space<vmem>>, vector<1x16xf32>,
        %get3A_385 = vector.shape_cast %get3A_384 : vector<1x16xf32> to vector<16xf32>
        %mul3A_386 = arith.constant 22.6274166 : f32
        %mul3A_387 = vector.broadcast %mul3A_386 : f32 to vector<16xf32>
        %mul3A_388 = arith.mulf %get3A_385, %mul3A_387 : vector<16xf32>
        %swap3A_389 = arith.index_cast %scan3A_227 : i32 to index
        %swap3A_390 = arith.constant 208 : index
        %swap3A_391 = tpu.vector_load %arg6[%swap3A_389, %swap3A_390] {strides = array<i32>} : memref<32x512xf32, #tpu.memory_space<vmem>>, vector<1x16xf32>,
        %swap3A_392 = vector.shape_cast %swap3A_391 : vector<1x16xf32> to vector<16xf32>
        %swap3A_393 = vector.shape_cast %mul3A_388 : vector<16xf32> to vector<1x16xf32>
        tpu.vector_store %arg6[%swap3A_389, %swap3A_390], %swap3A_393 {strides = array<i32>} : memref<32x512xf32, #tpu.memory_space<vmem>>, vector<1x16xf32>,
        %get3A_394 = arith.index_cast %scan3A_227 : i32 to index
        %get3A_395 = arith.constant 224 : index
        %get3A_396 = tpu.vector_load %arg6[%get3A_394, %get3A_395] {strides = array<i32>} : memref<32x512xf32, #tpu.memory_space<vmem>>, vector<1x16xf32>,
        %get3A_397 = vector.shape_cast %get3A_396 : vector<1x16xf32> to vector<16xf32>
        %mul3A_398 = arith.constant 22.6274166 : f32
        %mul3A_399 = vector.broadcast %mul3A_398 : f32 to vector<16xf32>
        %mul3A_400 = arith.mulf %get3A_397, %mul3A_399 : vector<16xf32>
        %swap3A_401 = arith.index_cast %scan3A_227 : i32 to index
        %swap3A_402 = arith.constant 224 : index
        %swap3A_403 = tpu.vector_load %arg6[%swap3A_401, %swap3A_402] {strides = array<i32>} : memref<32x512xf32, #tpu.memory_space<vmem>>, vector<1x16xf32>,
        %swap3A_404 = vector.shape_cast %swap3A_403 : vector<1x16xf32> to vector<16xf32>
        %swap3A_405 = vector.shape_cast %mul3A_400 : vector<16xf32> to vector<1x16xf32>
        tpu.vector_store %arg6[%swap3A_401, %swap3A_402], %swap3A_405 {strides = array<i32>} : memref<32x512xf32, #tpu.memory_space<vmem>>, vector<1x16xf32>,
        %get3A_406 = arith.index_cast %scan3A_227 : i32 to index
        %get3A_407 = arith.constant 240 : index
        %get3A_408 = tpu.vector_load %arg6[%get3A_406, %get3A_407] {strides = array<i32>} : memref<32x512xf32, #tpu.memory_space<vmem>>, vector<1x16xf32>,
        %get3A_409 = vector.shape_cast %get3A_408 : vector<1x16xf32> to vector<16xf32>
        %mul3A_410 = arith.constant 22.6274166 : f32
        %mul3A_411 = vector.broadcast %mul3A_410 : f32 to vector<16xf32>
        %mul3A_412 = arith.mulf %get3A_409, %mul3A_411 : vector<16xf32>
        %swap3A_413 = arith.index_cast %scan3A_227 : i32 to index
        %swap3A_414 = arith.constant 240 : index
        %swap3A_415 = tpu.vector_load %arg6[%swap3A_413, %swap3A_414] {strides = array<i32>} : memref<32x512xf32, #tpu.memory_space<vmem>>, vector<1x16xf32>,
        %swap3A_416 = vector.shape_cast %swap3A_415 : vector<1x16xf32> to vector<16xf32>
        %swap3A_417 = vector.shape_cast %mul3A_412 : vector<16xf32> to vector<1x16xf32>
        tpu.vector_store %arg6[%swap3A_413, %swap3A_414], %swap3A_417 {strides = array<i32>} : memref<32x512xf32, #tpu.memory_space<vmem>>, vector<1x16xf32>,
        %get3A_418 = arith.index_cast %scan3A_227 : i32 to index
        %get3A_419 = arith.constant 256 : index
        %get3A_420 = tpu.vector_load %arg6[%get3A_418, %get3A_419] {strides = array<i32>} : memref<32x512xf32, #tpu.memory_space<vmem>>, vector<1x16xf32>,
        %get3A_421 = vector.shape_cast %get3A_420 : vector<1x16xf32> to vector<16xf32>
        %mul3A_422 = arith.constant 22.6274166 : f32
        %mul3A_423 = vector.broadcast %mul3A_422 : f32 to vector<16xf32>
        %mul3A_424 = arith.mulf %get3A_421, %mul3A_423 : vector<16xf32>
        %swap3A_425 = arith.index_cast %scan3A_227 : i32 to index
        %swap3A_426 = arith.constant 256 : index
        %swap3A_427 = tpu.vector_load %arg6[%swap3A_425, %swap3A_426] {strides = array<i32>} : memref<32x512xf32, #tpu.memory_space<vmem>>, vector<1x16xf32>,
        %swap3A_428 = vector.shape_cast %swap3A_427 : vector<1x16xf32> to vector<16xf32>
        %swap3A_429 = vector.shape_cast %mul3A_424 : vector<16xf32> to vector<1x16xf32>
        tpu.vector_store %arg6[%swap3A_425, %swap3A_426], %swap3A_429 {strides = array<i32>} : memref<32x512xf32, #tpu.memory_space<vmem>>, vector<1x16xf32>,
        %get3A_430 = arith.index_cast %scan3A_227 : i32 to index
        %get3A_431 = arith.constant 272 : index
        %get3A_432 = tpu.vector_load %arg6[%get3A_430, %get3A_431] {strides = array<i32>} : memref<32x512xf32, #tpu.memory_space<vmem>>, vector<1x16xf32>,
        %get3A_433 = vector.shape_cast %get3A_432 : vector<1x16xf32> to vector<16xf32>
        %mul3A_434 = arith.constant 22.6274166 : f32
        %mul3A_435 = vector.broadcast %mul3A_434 : f32 to vector<16xf32>
        %mul3A_436 = arith.mulf %get3A_433, %mul3A_435 : vector<16xf32>
        %swap3A_437 = arith.index_cast %scan3A_227 : i32 to index
        %swap3A_438 = arith.constant 272 : index
        %swap3A_439 = tpu.vector_load %arg6[%swap3A_437, %swap3A_438] {strides = array<i32>} : memref<32x512xf32, #tpu.memory_space<vmem>>, vector<1x16xf32>,
        %swap3A_440 = vector.shape_cast %swap3A_439 : vector<1x16xf32> to vector<16xf32>
        %swap3A_441 = vector.shape_cast %mul3A_436 : vector<16xf32> to vector<1x16xf32>
        tpu.vector_store %arg6[%swap3A_437, %swap3A_438], %swap3A_441 {strides = array<i32>} : memref<32x512xf32, #tpu.memory_space<vmem>>, vector<1x16xf32>,
        %get3A_442 = arith.index_cast %scan3A_227 : i32 to index
        %get3A_443 = arith.constant 288 : index
        %get3A_444 = tpu.vector_load %arg6[%get3A_442, %get3A_443] {strides = array<i32>} : memref<32x512xf32, #tpu.memory_space<vmem>>, vector<1x16xf32>,
        %get3A_445 = vector.shape_cast %get3A_444 : vector<1x16xf32> to vector<16xf32>
        %mul3A_446 = arith.constant 22.6274166 : f32
        %mul3A_447 = vector.broadcast %mul3A_446 : f32 to vector<16xf32>
        %mul3A_448 = arith.mulf %get3A_445, %mul3A_447 : vector<16xf32>
        %swap3A_449 = arith.index_cast %scan3A_227 : i32 to index
        %swap3A_450 = arith.constant 288 : index
        %swap3A_451 = tpu.vector_load %arg6[%swap3A_449, %swap3A_450] {strides = array<i32>} : memref<32x512xf32, #tpu.memory_space<vmem>>, vector<1x16xf32>,
        %swap3A_452 = vector.shape_cast %swap3A_451 : vector<1x16xf32> to vector<16xf32>
        %swap3A_453 = vector.shape_cast %mul3A_448 : vector<16xf32> to vector<1x16xf32>
        tpu.vector_store %arg6[%swap3A_449, %swap3A_450], %swap3A_453 {strides = array<i32>} : memref<32x512xf32, #tpu.memory_space<vmem>>, vector<1x16xf32>,
        %get3A_454 = arith.index_cast %scan3A_227 : i32 to index
        %get3A_455 = arith.constant 304 : index
        %get3A_456 = tpu.vector_load %arg6[%get3A_454, %get3A_455] {strides = array<i32>} : memref<32x512xf32, #tpu.memory_space<vmem>>, vector<1x16xf32>,
        %get3A_457 = vector.shape_cast %get3A_456 : vector<1x16xf32> to vector<16xf32>
        %mul3A_458 = arith.constant 22.6274166 : f32
        %mul3A_459 = vector.broadcast %mul3A_458 : f32 to vector<16xf32>
        %mul3A_460 = arith.mulf %get3A_457, %mul3A_459 : vector<16xf32>
        %swap3A_461 = arith.index_cast %scan3A_227 : i32 to index
        %swap3A_462 = arith.constant 304 : index
        %swap3A_463 = tpu.vector_load %arg6[%swap3A_461, %swap3A_462] {strides = array<i32>} : memref<32x512xf32, #tpu.memory_space<vmem>>, vector<1x16xf32>,
        %swap3A_464 = vector.shape_cast %swap3A_463 : vector<1x16xf32> to vector<16xf32>
        %swap3A_465 = vector.shape_cast %mul3A_460 : vector<16xf32> to vector<1x16xf32>
        tpu.vector_store %arg6[%swap3A_461, %swap3A_462], %swap3A_465 {strides = array<i32>} : memref<32x512xf32, #tpu.memory_space<vmem>>, vector<1x16xf32>,
        %get3A_466 = arith.index_cast %scan3A_227 : i32 to index
        %get3A_467 = arith.constant 320 : index
        %get3A_468 = tpu.vector_load %arg6[%get3A_466, %get3A_467] {strides = array<i32>} : memref<32x512xf32, #tpu.memory_space<vmem>>, vector<1x16xf32>,
        %get3A_469 = vector.shape_cast %get3A_468 : vector<1x16xf32> to vector<16xf32>
        %mul3A_470 = arith.constant 22.6274166 : f32
        %mul3A_471 = vector.broadcast %mul3A_470 : f32 to vector<16xf32>
        %mul3A_472 = arith.mulf %get3A_469, %mul3A_471 : vector<16xf32>
        %swap3A_473 = arith.index_cast %scan3A_227 : i32 to index
        %swap3A_474 = arith.constant 320 : index
        %swap3A_475 = tpu.vector_load %arg6[%swap3A_473, %swap3A_474] {strides = array<i32>} : memref<32x512xf32, #tpu.memory_space<vmem>>, vector<1x16xf32>,
        %swap3A_476 = vector.shape_cast %swap3A_475 : vector<1x16xf32> to vector<16xf32>
        %swap3A_477 = vector.shape_cast %mul3A_472 : vector<16xf32> to vector<1x16xf32>
        tpu.vector_store %arg6[%swap3A_473, %swap3A_474], %swap3A_477 {strides = array<i32>} : memref<32x512xf32, #tpu.memory_space<vmem>>, vector<1x16xf32>,
        %get3A_478 = arith.index_cast %scan3A_227 : i32 to index
        %get3A_479 = arith.constant 336 : index
        %get3A_480 = tpu.vector_load %arg6[%get3A_478, %get3A_479] {strides = array<i32>} : memref<32x512xf32, #tpu.memory_space<vmem>>, vector<1x16xf32>,
        %get3A_481 = vector.shape_cast %get3A_480 : vector<1x16xf32> to vector<16xf32>
        %mul3A_482 = arith.constant 22.6274166 : f32
        %mul3A_483 = vector.broadcast %mul3A_482 : f32 to vector<16xf32>
        %mul3A_484 = arith.mulf %get3A_481, %mul3A_483 : vector<16xf32>
        %swap3A_485 = arith.index_cast %scan3A_227 : i32 to index
        %swap3A_486 = arith.constant 336 : index
        %swap3A_487 = tpu.vector_load %arg6[%swap3A_485, %swap3A_486] {strides = array<i32>} : memref<32x512xf32, #tpu.memory_space<vmem>>, vector<1x16xf32>,
        %swap3A_488 = vector.shape_cast %swap3A_487 : vector<1x16xf32> to vector<16xf32>
        %swap3A_489 = vector.shape_cast %mul3A_484 : vector<16xf32> to vector<1x16xf32>
        tpu.vector_store %arg6[%swap3A_485, %swap3A_486], %swap3A_489 {strides = array<i32>} : memref<32x512xf32, #tpu.memory_space<vmem>>, vector<1x16xf32>,
        %get3A_490 = arith.index_cast %scan3A_227 : i32 to index
        %get3A_491 = arith.constant 352 : index
        %get3A_492 = tpu.vector_load %arg6[%get3A_490, %get3A_491] {strides = array<i32>} : memref<32x512xf32, #tpu.memory_space<vmem>>, vector<1x16xf32>,
        %get3A_493 = vector.shape_cast %get3A_492 : vector<1x16xf32> to vector<16xf32>
        %mul3A_494 = arith.constant 22.6274166 : f32
        %mul3A_495 = vector.broadcast %mul3A_494 : f32 to vector<16xf32>
        %mul3A_496 = arith.mulf %get3A_493, %mul3A_495 : vector<16xf32>
        %swap3A_497 = arith.index_cast %scan3A_227 : i32 to index
        %swap3A_498 = arith.constant 352 : index
        %swap3A_499 = tpu.vector_load %arg6[%swap3A_497, %swap3A_498] {strides = array<i32>} : memref<32x512xf32, #tpu.memory_space<vmem>>, vector<1x16xf32>,
        %swap3A_500 = vector.shape_cast %swap3A_499 : vector<1x16xf32> to vector<16xf32>
        %swap3A_501 = vector.shape_cast %mul3A_496 : vector<16xf32> to vector<1x16xf32>
        tpu.vector_store %arg6[%swap3A_497, %swap3A_498], %swap3A_501 {strides = array<i32>} : memref<32x512xf32, #tpu.memory_space<vmem>>, vector<1x16xf32>,
        %get3A_502 = arith.index_cast %scan3A_227 : i32 to index
        %get3A_503 = arith.constant 368 : index
        %get3A_504 = tpu.vector_load %arg6[%get3A_502, %get3A_503] {strides = array<i32>} : memref<32x512xf32, #tpu.memory_space<vmem>>, vector<1x16xf32>,
        %get3A_505 = vector.shape_cast %get3A_504 : vector<1x16xf32> to vector<16xf32>
        %mul3A_506 = arith.constant 22.6274166 : f32
        %mul3A_507 = vector.broadcast %mul3A_506 : f32 to vector<16xf32>
        %mul3A_508 = arith.mulf %get3A_505, %mul3A_507 : vector<16xf32>
        %swap3A_509 = arith.index_cast %scan3A_227 : i32 to index
        %swap3A_510 = arith.constant 368 : index
        %swap3A_511 = tpu.vector_load %arg6[%swap3A_509, %swap3A_510] {strides = array<i32>} : memref<32x512xf32, #tpu.memory_space<vmem>>, vector<1x16xf32>,
        %swap3A_512 = vector.shape_cast %swap3A_511 : vector<1x16xf32> to vector<16xf32>
        %swap3A_513 = vector.shape_cast %mul3A_508 : vector<16xf32> to vector<1x16xf32>
        tpu.vector_store %arg6[%swap3A_509, %swap3A_510], %swap3A_513 {strides = array<i32>} : memref<32x512xf32, #tpu.memory_space<vmem>>, vector<1x16xf32>,
        %get3A_514 = arith.index_cast %scan3A_227 : i32 to index
        %get3A_515 = arith.constant 384 : index
        %get3A_516 = tpu.vector_load %arg6[%get3A_514, %get3A_515] {strides = array<i32>} : memref<32x512xf32, #tpu.memory_space<vmem>>, vector<1x16xf32>,
        %get3A_517 = vector.shape_cast %get3A_516 : vector<1x16xf32> to vector<16xf32>
        %mul3A_518 = arith.constant 22.6274166 : f32
        %mul3A_519 = vector.broadcast %mul3A_518 : f32 to vector<16xf32>
        %mul3A_520 = arith.mulf %get3A_517, %mul3A_519 : vector<16xf32>
        %swap3A_521 = arith.index_cast %scan3A_227 : i32 to index
        %swap3A_522 = arith.constant 384 : index
        %swap3A_523 = tpu.vector_load %arg6[%swap3A_521, %swap3A_522] {strides = array<i32>} : memref<32x512xf32, #tpu.memory_space<vmem>>, vector<1x16xf32>,
        %swap3A_524 = vector.shape_cast %swap3A_523 : vector<1x16xf32> to vector<16xf32>
        %swap3A_525 = vector.shape_cast %mul3A_520 : vector<16xf32> to vector<1x16xf32>
        tpu.vector_store %arg6[%swap3A_521, %swap3A_522], %swap3A_525 {strides = array<i32>} : memref<32x512xf32, #tpu.memory_space<vmem>>, vector<1x16xf32>,
        %get3A_526 = arith.index_cast %scan3A_227 : i32 to index
        %get3A_527 = arith.constant 400 : index
        %get3A_528 = tpu.vector_load %arg6[%get3A_526, %get3A_527] {strides = array<i32>} : memref<32x512xf32, #tpu.memory_space<vmem>>, vector<1x16xf32>,
        %get3A_529 = vector.shape_cast %get3A_528 : vector<1x16xf32> to vector<16xf32>
        %mul3A_530 = arith.constant 22.6274166 : f32
        %mul3A_531 = vector.broadcast %mul3A_530 : f32 to vector<16xf32>
        %mul3A_532 = arith.mulf %get3A_529, %mul3A_531 : vector<16xf32>
        %swap3A_533 = arith.index_cast %scan3A_227 : i32 to index
        %swap3A_534 = arith.constant 400 : index
        %swap3A_535 = tpu.vector_load %arg6[%swap3A_533, %swap3A_534] {strides = array<i32>} : memref<32x512xf32, #tpu.memory_space<vmem>>, vector<1x16xf32>,
        %swap3A_536 = vector.shape_cast %swap3A_535 : vector<1x16xf32> to vector<16xf32>
        %swap3A_537 = vector.shape_cast %mul3A_532 : vector<16xf32> to vector<1x16xf32>
        tpu.vector_store %arg6[%swap3A_533, %swap3A_534], %swap3A_537 {strides = array<i32>} : memref<32x512xf32, #tpu.memory_space<vmem>>, vector<1x16xf32>,
        %get3A_538 = arith.index_cast %scan3A_227 : i32 to index
        %get3A_539 = arith.constant 416 : index
        %get3A_540 = tpu.vector_load %arg6[%get3A_538, %get3A_539] {strides = array<i32>} : memref<32x512xf32, #tpu.memory_space<vmem>>, vector<1x16xf32>,
        %get3A_541 = vector.shape_cast %get3A_540 : vector<1x16xf32> to vector<16xf32>
        %mul3A_542 = arith.constant 22.6274166 : f32
        %mul3A_543 = vector.broadcast %mul3A_542 : f32 to vector<16xf32>
        %mul3A_544 = arith.mulf %get3A_541, %mul3A_543 : vector<16xf32>
        %swap3A_545 = arith.index_cast %scan3A_227 : i32 to index
        %swap3A_546 = arith.constant 416 : index
        %swap3A_547 = tpu.vector_load %arg6[%swap3A_545, %swap3A_546] {strides = array<i32>} : memref<32x512xf32, #tpu.memory_space<vmem>>, vector<1x16xf32>,
        %swap3A_548 = vector.shape_cast %swap3A_547 : vector<1x16xf32> to vector<16xf32>
        %swap3A_549 = vector.shape_cast %mul3A_544 : vector<16xf32> to vector<1x16xf32>
        tpu.vector_store %arg6[%swap3A_545, %swap3A_546], %swap3A_549 {strides = array<i32>} : memref<32x512xf32, #tpu.memory_space<vmem>>, vector<1x16xf32>,
        %get3A_550 = arith.index_cast %scan3A_227 : i32 to index
        %get3A_551 = arith.constant 432 : index
        %get3A_552 = tpu.vector_load %arg6[%get3A_550, %get3A_551] {strides = array<i32>} : memref<32x512xf32, #tpu.memory_space<vmem>>, vector<1x16xf32>,
        %get3A_553 = vector.shape_cast %get3A_552 : vector<1x16xf32> to vector<16xf32>
        %mul3A_554 = arith.constant 22.6274166 : f32
        %mul3A_555 = vector.broadcast %mul3A_554 : f32 to vector<16xf32>
        %mul3A_556 = arith.mulf %get3A_553, %mul3A_555 : vector<16xf32>
        %swap3A_557 = arith.index_cast %scan3A_227 : i32 to index
        %swap3A_558 = arith.constant 432 : index
        %swap3A_559 = tpu.vector_load %arg6[%swap3A_557, %swap3A_558] {strides = array<i32>} : memref<32x512xf32, #tpu.memory_space<vmem>>, vector<1x16xf32>,
        %swap3A_560 = vector.shape_cast %swap3A_559 : vector<1x16xf32> to vector<16xf32>
        %swap3A_561 = vector.shape_cast %mul3A_556 : vector<16xf32> to vector<1x16xf32>
        tpu.vector_store %arg6[%swap3A_557, %swap3A_558], %swap3A_561 {strides = array<i32>} : memref<32x512xf32, #tpu.memory_space<vmem>>, vector<1x16xf32>,
        %get3A_562 = arith.index_cast %scan3A_227 : i32 to index
        %get3A_563 = arith.constant 448 : index
        %get3A_564 = tpu.vector_load %arg6[%get3A_562, %get3A_563] {strides = array<i32>} : memref<32x512xf32, #tpu.memory_space<vmem>>, vector<1x16xf32>,
        %get3A_565 = vector.shape_cast %get3A_564 : vector<1x16xf32> to vector<16xf32>
        %mul3A_566 = arith.constant 22.6274166 : f32
        %mul3A_567 = vector.broadcast %mul3A_566 : f32 to vector<16xf32>
        %mul3A_568 = arith.mulf %get3A_565, %mul3A_567 : vector<16xf32>
        %swap3A_569 = arith.index_cast %scan3A_227 : i32 to index
        %swap3A_570 = arith.constant 448 : index
        %swap3A_571 = tpu.vector_load %arg6[%swap3A_569, %swap3A_570] {strides = array<i32>} : memref<32x512xf32, #tpu.memory_space<vmem>>, vector<1x16xf32>,
        %swap3A_572 = vector.shape_cast %swap3A_571 : vector<1x16xf32> to vector<16xf32>
        %swap3A_573 = vector.shape_cast %mul3A_568 : vector<16xf32> to vector<1x16xf32>
        tpu.vector_store %arg6[%swap3A_569, %swap3A_570], %swap3A_573 {strides = array<i32>} : memref<32x512xf32, #tpu.memory_space<vmem>>, vector<1x16xf32>,
        %get3A_574 = arith.index_cast %scan3A_227 : i32 to index
        %get3A_575 = arith.constant 464 : index
        %get3A_576 = tpu.vector_load %arg6[%get3A_574, %get3A_575] {strides = array<i32>} : memref<32x512xf32, #tpu.memory_space<vmem>>, vector<1x16xf32>,
        %get3A_577 = vector.shape_cast %get3A_576 : vector<1x16xf32> to vector<16xf32>
        %mul3A_578 = arith.constant 22.6274166 : f32
        %mul3A_579 = vector.broadcast %mul3A_578 : f32 to vector<16xf32>
        %mul3A_580 = arith.mulf %get3A_577, %mul3A_579 : vector<16xf32>
        %swap3A_581 = arith.index_cast %scan3A_227 : i32 to index
        %swap3A_582 = arith.constant 464 : index
        %swap3A_583 = tpu.vector_load %arg6[%swap3A_581, %swap3A_582] {strides = array<i32>} : memref<32x512xf32, #tpu.memory_space<vmem>>, vector<1x16xf32>,
        %swap3A_584 = vector.shape_cast %swap3A_583 : vector<1x16xf32> to vector<16xf32>
        %swap3A_585 = vector.shape_cast %mul3A_580 : vector<16xf32> to vector<1x16xf32>
        tpu.vector_store %arg6[%swap3A_581, %swap3A_582], %swap3A_585 {strides = array<i32>} : memref<32x512xf32, #tpu.memory_space<vmem>>, vector<1x16xf32>,
        %get3A_586 = arith.index_cast %scan3A_227 : i32 to index
        %get3A_587 = arith.constant 480 : index
        %get3A_588 = tpu.vector_load %arg6[%get3A_586, %get3A_587] {strides = array<i32>} : memref<32x512xf32, #tpu.memory_space<vmem>>, vector<1x16xf32>,
        %get3A_589 = vector.shape_cast %get3A_588 : vector<1x16xf32> to vector<16xf32>
        %mul3A_590 = arith.constant 22.6274166 : f32
        %mul3A_591 = vector.broadcast %mul3A_590 : f32 to vector<16xf32>
        %mul3A_592 = arith.mulf %get3A_589, %mul3A_591 : vector<16xf32>
        %swap3A_593 = arith.index_cast %scan3A_227 : i32 to index
        %swap3A_594 = arith.constant 480 : index
        %swap3A_595 = tpu.vector_load %arg6[%swap3A_593, %swap3A_594] {strides = array<i32>} : memref<32x512xf32, #tpu.memory_space<vmem>>, vector<1x16xf32>,
        %swap3A_596 = vector.shape_cast %swap3A_595 : vector<1x16xf32> to vector<16xf32>
        %swap3A_597 = vector.shape_cast %mul3A_592 : vector<16xf32> to vector<1x16xf32>
        tpu.vector_store %arg6[%swap3A_593, %swap3A_594], %swap3A_597 {strides = array<i32>} : memref<32x512xf32, #tpu.memory_space<vmem>>, vector<1x16xf32>,
        %get3A_598 = arith.index_cast %scan3A_227 : i32 to index
        %get3A_599 = arith.constant 496 : index
        %get3A_600 = tpu.vector_load %arg6[%get3A_598, %get3A_599] {strides = array<i32>} : memref<32x512xf32, #tpu.memory_space<vmem>>, vector<1x16xf32>,
        %get3A_601 = vector.shape_cast %get3A_600 : vector<1x16xf32> to vector<16xf32>
        %mul3A_602 = arith.constant 22.6274166 : f32
        %mul3A_603 = vector.broadcast %mul3A_602 : f32 to vector<16xf32>
        %mul3A_604 = arith.mulf %get3A_601, %mul3A_603 : vector<16xf32>
        %swap3A_605 = arith.index_cast %scan3A_227 : i32 to index
        %swap3A_606 = arith.constant 496 : index
        %swap3A_607 = tpu.vector_load %arg6[%swap3A_605, %swap3A_606] {strides = array<i32>} : memref<32x512xf32, #tpu.memory_space<vmem>>, vector<1x16xf32>,
        %swap3A_608 = vector.shape_cast %swap3A_607 : vector<1x16xf32> to vector<16xf32>
        %swap3A_609 = vector.shape_cast %mul3A_604 : vector<16xf32> to vector<1x16xf32>
        tpu.vector_store %arg6[%swap3A_605, %swap3A_606], %swap3A_609 {strides = array<i32>} : memref<32x512xf32, #tpu.memory_space<vmem>>, vector<1x16xf32>,
      }
      %scan3A_96 = arith.constant 32 : i32
      %mul3A_97 = arith.constant 32 : i32
      %mul3A_98 = arith.muli %add3A_81, %mul3A_97 : i32
      %add3A_99 = arith.addi %mul3A_32, %mul3A_98 : i32
      %multiple_of3A_100 = tpu.assume_multiple %add3A_99, 32 : i32
      %dma_start3A_101 = arith.constant 0 : i32
      %dma_start3A_102 = tpu.memref_slice %arg4[%select_n3A, %multiple_of3A_100, %dma_start3A_101] : memref<4x8192x512xf32, #tpu.memory_space<hbm>> -> memref<1x32x512xf32, #tpu.memory_space<hbm>>
      %dma_start3A_103 = tpu.memref_squeeze %dma_start3A_102 : memref<1x32x512xf32, #tpu.memory_space<hbm>> -> memref<32x512xf32, #tpu.memory_space<hbm>>
      %dma_start3A_104 = arith.constant 0 : i32
      %dma_start3A_105 = tpu.memref_slice %arg4[%select_n3A, %multiple_of3A_100, %dma_start3A_104] : memref<4x8192x512xf32, #tpu.memory_space<hbm>> -> memref<1x32x512xf32, #tpu.memory_space<hbm>>
      %dma_start3A_106 = tpu.memref_squeeze %dma_start3A_105 : memref<1x32x512xf32, #tpu.memory_space<hbm>> -> memref<32x512xf32, #tpu.memory_space<hbm>>
      tpu.enqueue_dma source(%arg6 : memref<32x512xf32, #tpu.memory_space<vmem>>) target(%dma_start3A_106 : memref<32x512xf32, #tpu.memory_space<hbm>>) target_semaphore(%arg14 : memref<!tpu.dma_semaphore, #tpu.memory_space<semaphore_mem>>)
      %mul3A_107 = arith.constant 4 : i32
      %mul3A_108 = arith.muli %scan3A_77, %mul3A_107 : i32
      %add3A_109 = arith.constant 1 : i32
      %add3A_110 = arith.addi %mul3A_108, %add3A_109 : i32
      %ge3A_111 = arith.constant 1 : i32
      %ge3A_112 = arith.cmpi sge, %scan3A_77, %ge3A_111 : i32
      %convert_element_type3A_113 = arith.extui %ge3A_112 : i1 to i32
      %cond3A_114 = arith.constant 0 : i32
      %cond3A_115 = arith.cmpi ne, %convert_element_type3A_113, %cond3A_114 : i32
      scf.if %cond3A_115 {
        %sub3A_227 = arith.constant 2 : i32
        %sub3A_228 = arith.subi %add3A_110, %sub3A_227 : i32
        %mul3A_229 = arith.constant 32 : i32
        %mul3A_230 = arith.muli %sub3A_228, %mul3A_229 : i32
        %add3A_231 = arith.addi %mul3A_32, %mul3A_230 : i32
        %multiple_of3A_232 = tpu.assume_multiple %add3A_231, 32 : i32
        %dma_wait3A_233 = arith.constant 0 : i32
        %dma_wait3A_234 = tpu.memref_slice %arg4[%select_n3A, %multiple_of3A_232, %dma_wait3A_233] : memref<4x8192x512xf32, #tpu.memory_space<hbm>> -> memref<1x32x512xf32, #tpu.memory_space<hbm>>
        %dma_wait3A_235 = tpu.memref_squeeze %dma_wait3A_234 : memref<1x32x512xf32, #tpu.memory_space<hbm>> -> memref<32x512xf32, #tpu.memory_space<hbm>>
        %dma_wait3A_236 = arith.constant 0 : i32
        %dma_wait3A_237 = tpu.memref_slice %arg4[%select_n3A, %multiple_of3A_232, %dma_wait3A_236] : memref<4x8192x512xf32, #tpu.memory_space<hbm>> -> memref<1x32x512xf32, #tpu.memory_space<hbm>>
        %dma_wait3A_238 = tpu.memref_squeeze %dma_wait3A_237 : memref<1x32x512xf32, #tpu.memory_space<hbm>> -> memref<32x512xf32, #tpu.memory_space<hbm>>
        tpu.wait_dma2 semaphore(%arg17 : memref<!tpu.dma_semaphore, #tpu.memory_space<semaphore_mem>>) src(%arg9 : memref<32x512xf32, #tpu.memory_space<vmem>>) dst(%dma_wait3A_238 : memref<32x512xf32, #tpu.memory_space<hbm>>)
        %add3A_239 = arith.constant 2 : i32
        %add3A_240 = arith.addi %add3A_110, %add3A_239 : i32
        %mul3A_241 = arith.constant 32 : i32
        %mul3A_242 = arith.muli %add3A_240, %mul3A_241 : i32
        %multiple_of3A_243 = tpu.assume_multiple %mul3A_242, 32 : i32
        %dma_start3A_244 = tpu.memref_slice %arg5[%multiple_of3A_243] : memref<1024xi32, #tpu.memory_space<vmem>> -> memref<32xi32, #tpu.memory_space<vmem>>
        %dma_start3A_245 = arith.constant 0 : i32
        %dma_start3A_246 = arith.constant 0 : i32
        %dma_start3A_247 = tpu.memref_slice %arg3[%dma_start3A_245, %dma_start3A_246] : memref<25002x512xf32, #tpu.memory_space<hbm>> -> memref<25002x512xf32, #tpu.memory_space<hbm>>
        tpu.enqueue_indirect_dma source(%dma_start3A_247 : memref<25002x512xf32, #tpu.memory_space<hbm>>) target(%arg9 : memref<32x512xf32, #tpu.memory_space<vmem>>) offsets(%dma_start3A_244 : memref<32xi32, #tpu.memory_space<vmem>>) semaphore(%arg13 : memref<!tpu.dma_semaphore, #tpu.memory_space<semaphore_mem>>)
      } else {
      }
      %mul3A_116 = arith.constant 32 : i32
      %mul3A_117 = arith.muli %add3A_110, %mul3A_116 : i32
      %multiple_of3A_118 = tpu.assume_multiple %mul3A_117, 32 : i32
      %dma_wait3A_119 = tpu.memref_slice %arg5[%multiple_of3A_118] : memref<1024xi32, #tpu.memory_space<vmem>> -> memref<32xi32, #tpu.memory_space<vmem>>
      %dma_wait3A_120 = arith.constant 0 : i32
      %dma_wait3A_121 = arith.constant 0 : i32
      %dma_wait3A_122 = tpu.memref_slice %arg3[%dma_wait3A_120, %dma_wait3A_121] : memref<25002x512xf32, #tpu.memory_space<hbm>> -> memref<25002x512xf32, #tpu.memory_space<hbm>>
      tpu.wait_indirect_dma semaphore(%arg11 : memref<!tpu.dma_semaphore, #tpu.memory_space<semaphore_mem>>) src(%dma_wait3A_122 : memref<25002x512xf32, #tpu.memory_space<hbm>>) dst(%arg7 : memref<32x512xf32, #tpu.memory_space<vmem>>)
      %scan3A_123 = arith.constant 0 : i32
      %scan3A_124 = arith.constant 0 : i32
      %scan3A_125 = arith.constant 32 : i32
      %scan3A_126 = arith.addi %scan3A_124, %scan3A_125 : i32
      %scan3A_127 = arith.constant 1 : i32
      scf.for %scan3A_227 = %scan3A_124 to %scan3A_126 step %scan3A_127  : i32 {
        %get3A = arith.index_cast %scan3A_227 : i32 to index
        %get3A_228 = arith.constant 0 : index
        %get3A_229 = tpu.vector_load %arg7[%get3A, %get3A_228] {strides = array<i32>} : memref<32x512xf32, #tpu.memory_space<vmem>>, vector<1x16xf32>,
        %get3A_230 = vector.shape_cast %get3A_229 : vector<1x16xf32> to vector<16xf32>
        %mul3A_231 = arith.constant 22.6274166 : f32
        %mul3A_232 = vector.broadcast %mul3A_231 : f32 to vector<16xf32>
        %mul3A_233 = arith.mulf %get3A_230, %mul3A_232 : vector<16xf32>
        %swap3A = arith.index_cast %scan3A_227 : i32 to index
        %swap3A_234 = arith.constant 0 : index
        %swap3A_235 = tpu.vector_load %arg7[%swap3A, %swap3A_234] {strides = array<i32>} : memref<32x512xf32, #tpu.memory_space<vmem>>, vector<1x16xf32>,
        %swap3A_236 = vector.shape_cast %swap3A_235 : vector<1x16xf32> to vector<16xf32>
        %swap3A_237 = vector.shape_cast %mul3A_233 : vector<16xf32> to vector<1x16xf32>
        tpu.vector_store %arg7[%swap3A, %swap3A_234], %swap3A_237 {strides = array<i32>} : memref<32x512xf32, #tpu.memory_space<vmem>>, vector<1x16xf32>,
        %get3A_238 = arith.index_cast %scan3A_227 : i32 to index
        %get3A_239 = arith.constant 16 : index
        %get3A_240 = tpu.vector_load %arg7[%get3A_238, %get3A_239] {strides = array<i32>} : memref<32x512xf32, #tpu.memory_space<vmem>>, vector<1x16xf32>,
        %get3A_241 = vector.shape_cast %get3A_240 : vector<1x16xf32> to vector<16xf32>
        %mul3A_242 = arith.constant 22.6274166 : f32
        %mul3A_243 = vector.broadcast %mul3A_242 : f32 to vector<16xf32>
        %mul3A_244 = arith.mulf %get3A_241, %mul3A_243 : vector<16xf32>
        %swap3A_245 = arith.index_cast %scan3A_227 : i32 to index
        %swap3A_246 = arith.constant 16 : index
        %swap3A_247 = tpu.vector_load %arg7[%swap3A_245, %swap3A_246] {strides = array<i32>} : memref<32x512xf32, #tpu.memory_space<vmem>>, vector<1x16xf32>,
        %swap3A_248 = vector.shape_cast %swap3A_247 : vector<1x16xf32> to vector<16xf32>
        %swap3A_249 = vector.shape_cast %mul3A_244 : vector<16xf32> to vector<1x16xf32>
        tpu.vector_store %arg7[%swap3A_245, %swap3A_246], %swap3A_249 {strides = array<i32>} : memref<32x512xf32, #tpu.memory_space<vmem>>, vector<1x16xf32>,
        %get3A_250 = arith.index_cast %scan3A_227 : i32 to index
        %get3A_251 = arith.constant 32 : index
        %get3A_252 = tpu.vector_load %arg7[%get3A_250, %get3A_251] {strides = array<i32>} : memref<32x512xf32, #tpu.memory_space<vmem>>, vector<1x16xf32>,
        %get3A_253 = vector.shape_cast %get3A_252 : vector<1x16xf32> to vector<16xf32>
        %mul3A_254 = arith.constant 22.6274166 : f32
        %mul3A_255 = vector.broadcast %mul3A_254 : f32 to vector<16xf32>
        %mul3A_256 = arith.mulf %get3A_253, %mul3A_255 : vector<16xf32>
        %swap3A_257 = arith.index_cast %scan3A_227 : i32 to index
        %swap3A_258 = arith.constant 32 : index
        %swap3A_259 = tpu.vector_load %arg7[%swap3A_257, %swap3A_258] {strides = array<i32>} : memref<32x512xf32, #tpu.memory_space<vmem>>, vector<1x16xf32>,
        %swap3A_260 = vector.shape_cast %swap3A_259 : vector<1x16xf32> to vector<16xf32>
        %swap3A_261 = vector.shape_cast %mul3A_256 : vector<16xf32> to vector<1x16xf32>
        tpu.vector_store %arg7[%swap3A_257, %swap3A_258], %swap3A_261 {strides = array<i32>} : memref<32x512xf32, #tpu.memory_space<vmem>>, vector<1x16xf32>,
        %get3A_262 = arith.index_cast %scan3A_227 : i32 to index
        %get3A_263 = arith.constant 48 : index
        %get3A_264 = tpu.vector_load %arg7[%get3A_262, %get3A_263] {strides = array<i32>} : memref<32x512xf32, #tpu.memory_space<vmem>>, vector<1x16xf32>,
        %get3A_265 = vector.shape_cast %get3A_264 : vector<1x16xf32> to vector<16xf32>
        %mul3A_266 = arith.constant 22.6274166 : f32
        %mul3A_267 = vector.broadcast %mul3A_266 : f32 to vector<16xf32>
        %mul3A_268 = arith.mulf %get3A_265, %mul3A_267 : vector<16xf32>
        %swap3A_269 = arith.index_cast %scan3A_227 : i32 to index
        %swap3A_270 = arith.constant 48 : index
        %swap3A_271 = tpu.vector_load %arg7[%swap3A_269, %swap3A_270] {strides = array<i32>} : memref<32x512xf32, #tpu.memory_space<vmem>>, vector<1x16xf32>,
        %swap3A_272 = vector.shape_cast %swap3A_271 : vector<1x16xf32> to vector<16xf32>
        %swap3A_273 = vector.shape_cast %mul3A_268 : vector<16xf32> to vector<1x16xf32>
        tpu.vector_store %arg7[%swap3A_269, %swap3A_270], %swap3A_273 {strides = array<i32>} : memref<32x512xf32, #tpu.memory_space<vmem>>, vector<1x16xf32>,
        %get3A_274 = arith.index_cast %scan3A_227 : i32 to index
        %get3A_275 = arith.constant 64 : index
        %get3A_276 = tpu.vector_load %arg7[%get3A_274, %get3A_275] {strides = array<i32>} : memref<32x512xf32, #tpu.memory_space<vmem>>, vector<1x16xf32>,
        %get3A_277 = vector.shape_cast %get3A_276 : vector<1x16xf32> to vector<16xf32>
        %mul3A_278 = arith.constant 22.6274166 : f32
        %mul3A_279 = vector.broadcast %mul3A_278 : f32 to vector<16xf32>
        %mul3A_280 = arith.mulf %get3A_277, %mul3A_279 : vector<16xf32>
        %swap3A_281 = arith.index_cast %scan3A_227 : i32 to index
        %swap3A_282 = arith.constant 64 : index
        %swap3A_283 = tpu.vector_load %arg7[%swap3A_281, %swap3A_282] {strides = array<i32>} : memref<32x512xf32, #tpu.memory_space<vmem>>, vector<1x16xf32>,
        %swap3A_284 = vector.shape_cast %swap3A_283 : vector<1x16xf32> to vector<16xf32>
        %swap3A_285 = vector.shape_cast %mul3A_280 : vector<16xf32> to vector<1x16xf32>
        tpu.vector_store %arg7[%swap3A_281, %swap3A_282], %swap3A_285 {strides = array<i32>} : memref<32x512xf32, #tpu.memory_space<vmem>>, vector<1x16xf32>,
        %get3A_286 = arith.index_cast %scan3A_227 : i32 to index
        %get3A_287 = arith.constant 80 : index
        %get3A_288 = tpu.vector_load %arg7[%get3A_286, %get3A_287] {strides = array<i32>} : memref<32x512xf32, #tpu.memory_space<vmem>>, vector<1x16xf32>,
        %get3A_289 = vector.shape_cast %get3A_288 : vector<1x16xf32> to vector<16xf32>
        %mul3A_290 = arith.constant 22.6274166 : f32
        %mul3A_291 = vector.broadcast %mul3A_290 : f32 to vector<16xf32>
        %mul3A_292 = arith.mulf %get3A_289, %mul3A_291 : vector<16xf32>
        %swap3A_293 = arith.index_cast %scan3A_227 : i32 to index
        %swap3A_294 = arith.constant 80 : index
        %swap3A_295 = tpu.vector_load %arg7[%swap3A_293, %swap3A_294] {strides = array<i32>} : memref<32x512xf32, #tpu.memory_space<vmem>>, vector<1x16xf32>,
        %swap3A_296 = vector.shape_cast %swap3A_295 : vector<1x16xf32> to vector<16xf32>
        %swap3A_297 = vector.shape_cast %mul3A_292 : vector<16xf32> to vector<1x16xf32>
        tpu.vector_store %arg7[%swap3A_293, %swap3A_294], %swap3A_297 {strides = array<i32>} : memref<32x512xf32, #tpu.memory_space<vmem>>, vector<1x16xf32>,
        %get3A_298 = arith.index_cast %scan3A_227 : i32 to index
        %get3A_299 = arith.constant 96 : index
        %get3A_300 = tpu.vector_load %arg7[%get3A_298, %get3A_299] {strides = array<i32>} : memref<32x512xf32, #tpu.memory_space<vmem>>, vector<1x16xf32>,
        %get3A_301 = vector.shape_cast %get3A_300 : vector<1x16xf32> to vector<16xf32>
        %mul3A_302 = arith.constant 22.6274166 : f32
        %mul3A_303 = vector.broadcast %mul3A_302 : f32 to vector<16xf32>
        %mul3A_304 = arith.mulf %get3A_301, %mul3A_303 : vector<16xf32>
        %swap3A_305 = arith.index_cast %scan3A_227 : i32 to index
        %swap3A_306 = arith.constant 96 : index
        %swap3A_307 = tpu.vector_load %arg7[%swap3A_305, %swap3A_306] {strides = array<i32>} : memref<32x512xf32, #tpu.memory_space<vmem>>, vector<1x16xf32>,
        %swap3A_308 = vector.shape_cast %swap3A_307 : vector<1x16xf32> to vector<16xf32>
        %swap3A_309 = vector.shape_cast %mul3A_304 : vector<16xf32> to vector<1x16xf32>
        tpu.vector_store %arg7[%swap3A_305, %swap3A_306], %swap3A_309 {strides = array<i32>} : memref<32x512xf32, #tpu.memory_space<vmem>>, vector<1x16xf32>,
        %get3A_310 = arith.index_cast %scan3A_227 : i32 to index
        %get3A_311 = arith.constant 112 : index
        %get3A_312 = tpu.vector_load %arg7[%get3A_310, %get3A_311] {strides = array<i32>} : memref<32x512xf32, #tpu.memory_space<vmem>>, vector<1x16xf32>,
        %get3A_313 = vector.shape_cast %get3A_312 : vector<1x16xf32> to vector<16xf32>
        %mul3A_314 = arith.constant 22.6274166 : f32
        %mul3A_315 = vector.broadcast %mul3A_314 : f32 to vector<16xf32>
        %mul3A_316 = arith.mulf %get3A_313, %mul3A_315 : vector<16xf32>
        %swap3A_317 = arith.index_cast %scan3A_227 : i32 to index
        %swap3A_318 = arith.constant 112 : index
        %swap3A_319 = tpu.vector_load %arg7[%swap3A_317, %swap3A_318] {strides = array<i32>} : memref<32x512xf32, #tpu.memory_space<vmem>>, vector<1x16xf32>,
        %swap3A_320 = vector.shape_cast %swap3A_319 : vector<1x16xf32> to vector<16xf32>
        %swap3A_321 = vector.shape_cast %mul3A_316 : vector<16xf32> to vector<1x16xf32>
        tpu.vector_store %arg7[%swap3A_317, %swap3A_318], %swap3A_321 {strides = array<i32>} : memref<32x512xf32, #tpu.memory_space<vmem>>, vector<1x16xf32>,
        %get3A_322 = arith.index_cast %scan3A_227 : i32 to index
        %get3A_323 = arith.constant 128 : index
        %get3A_324 = tpu.vector_load %arg7[%get3A_322, %get3A_323] {strides = array<i32>} : memref<32x512xf32, #tpu.memory_space<vmem>>, vector<1x16xf32>,
        %get3A_325 = vector.shape_cast %get3A_324 : vector<1x16xf32> to vector<16xf32>
        %mul3A_326 = arith.constant 22.6274166 : f32
        %mul3A_327 = vector.broadcast %mul3A_326 : f32 to vector<16xf32>
        %mul3A_328 = arith.mulf %get3A_325, %mul3A_327 : vector<16xf32>
        %swap3A_329 = arith.index_cast %scan3A_227 : i32 to index
        %swap3A_330 = arith.constant 128 : index
        %swap3A_331 = tpu.vector_load %arg7[%swap3A_329, %swap3A_330] {strides = array<i32>} : memref<32x512xf32, #tpu.memory_space<vmem>>, vector<1x16xf32>,
        %swap3A_332 = vector.shape_cast %swap3A_331 : vector<1x16xf32> to vector<16xf32>
        %swap3A_333 = vector.shape_cast %mul3A_328 : vector<16xf32> to vector<1x16xf32>
        tpu.vector_store %arg7[%swap3A_329, %swap3A_330], %swap3A_333 {strides = array<i32>} : memref<32x512xf32, #tpu.memory_space<vmem>>, vector<1x16xf32>,
        %get3A_334 = arith.index_cast %scan3A_227 : i32 to index
        %get3A_335 = arith.constant 144 : index
        %get3A_336 = tpu.vector_load %arg7[%get3A_334, %get3A_335] {strides = array<i32>} : memref<32x512xf32, #tpu.memory_space<vmem>>, vector<1x16xf32>,
        %get3A_337 = vector.shape_cast %get3A_336 : vector<1x16xf32> to vector<16xf32>
        %mul3A_338 = arith.constant 22.6274166 : f32
        %mul3A_339 = vector.broadcast %mul3A_338 : f32 to vector<16xf32>
        %mul3A_340 = arith.mulf %get3A_337, %mul3A_339 : vector<16xf32>
        %swap3A_341 = arith.index_cast %scan3A_227 : i32 to index
        %swap3A_342 = arith.constant 144 : index
        %swap3A_343 = tpu.vector_load %arg7[%swap3A_341, %swap3A_342] {strides = array<i32>} : memref<32x512xf32, #tpu.memory_space<vmem>>, vector<1x16xf32>,
        %swap3A_344 = vector.shape_cast %swap3A_343 : vector<1x16xf32> to vector<16xf32>
        %swap3A_345 = vector.shape_cast %mul3A_340 : vector<16xf32> to vector<1x16xf32>
        tpu.vector_store %arg7[%swap3A_341, %swap3A_342], %swap3A_345 {strides = array<i32>} : memref<32x512xf32, #tpu.memory_space<vmem>>, vector<1x16xf32>,
        %get3A_346 = arith.index_cast %scan3A_227 : i32 to index
        %get3A_347 = arith.constant 160 : index
        %get3A_348 = tpu.vector_load %arg7[%get3A_346, %get3A_347] {strides = array<i32>} : memref<32x512xf32, #tpu.memory_space<vmem>>, vector<1x16xf32>,
        %get3A_349 = vector.shape_cast %get3A_348 : vector<1x16xf32> to vector<16xf32>
        %mul3A_350 = arith.constant 22.6274166 : f32
        %mul3A_351 = vector.broadcast %mul3A_350 : f32 to vector<16xf32>
        %mul3A_352 = arith.mulf %get3A_349, %mul3A_351 : vector<16xf32>
        %swap3A_353 = arith.index_cast %scan3A_227 : i32 to index
        %swap3A_354 = arith.constant 160 : index
        %swap3A_355 = tpu.vector_load %arg7[%swap3A_353, %swap3A_354] {strides = array<i32>} : memref<32x512xf32, #tpu.memory_space<vmem>>, vector<1x16xf32>,
        %swap3A_356 = vector.shape_cast %swap3A_355 : vector<1x16xf32> to vector<16xf32>
        %swap3A_357 = vector.shape_cast %mul3A_352 : vector<16xf32> to vector<1x16xf32>
        tpu.vector_store %arg7[%swap3A_353, %swap3A_354], %swap3A_357 {strides = array<i32>} : memref<32x512xf32, #tpu.memory_space<vmem>>, vector<1x16xf32>,
        %get3A_358 = arith.index_cast %scan3A_227 : i32 to index
        %get3A_359 = arith.constant 176 : index
        %get3A_360 = tpu.vector_load %arg7[%get3A_358, %get3A_359] {strides = array<i32>} : memref<32x512xf32, #tpu.memory_space<vmem>>, vector<1x16xf32>,
        %get3A_361 = vector.shape_cast %get3A_360 : vector<1x16xf32> to vector<16xf32>
        %mul3A_362 = arith.constant 22.6274166 : f32
        %mul3A_363 = vector.broadcast %mul3A_362 : f32 to vector<16xf32>
        %mul3A_364 = arith.mulf %get3A_361, %mul3A_363 : vector<16xf32>
        %swap3A_365 = arith.index_cast %scan3A_227 : i32 to index
        %swap3A_366 = arith.constant 176 : index
        %swap3A_367 = tpu.vector_load %arg7[%swap3A_365, %swap3A_366] {strides = array<i32>} : memref<32x512xf32, #tpu.memory_space<vmem>>, vector<1x16xf32>,
        %swap3A_368 = vector.shape_cast %swap3A_367 : vector<1x16xf32> to vector<16xf32>
        %swap3A_369 = vector.shape_cast %mul3A_364 : vector<16xf32> to vector<1x16xf32>
        tpu.vector_store %arg7[%swap3A_365, %swap3A_366], %swap3A_369 {strides = array<i32>} : memref<32x512xf32, #tpu.memory_space<vmem>>, vector<1x16xf32>,
        %get3A_370 = arith.index_cast %scan3A_227 : i32 to index
        %get3A_371 = arith.constant 192 : index
        %get3A_372 = tpu.vector_load %arg7[%get3A_370, %get3A_371] {strides = array<i32>} : memref<32x512xf32, #tpu.memory_space<vmem>>, vector<1x16xf32>,
        %get3A_373 = vector.shape_cast %get3A_372 : vector<1x16xf32> to vector<16xf32>
        %mul3A_374 = arith.constant 22.6274166 : f32
        %mul3A_375 = vector.broadcast %mul3A_374 : f32 to vector<16xf32>
        %mul3A_376 = arith.mulf %get3A_373, %mul3A_375 : vector<16xf32>
        %swap3A_377 = arith.index_cast %scan3A_227 : i32 to index
        %swap3A_378 = arith.constant 192 : index
        %swap3A_379 = tpu.vector_load %arg7[%swap3A_377, %swap3A_378] {strides = array<i32>} : memref<32x512xf32, #tpu.memory_space<vmem>>, vector<1x16xf32>,
        %swap3A_380 = vector.shape_cast %swap3A_379 : vector<1x16xf32> to vector<16xf32>
        %swap3A_381 = vector.shape_cast %mul3A_376 : vector<16xf32> to vector<1x16xf32>
        tpu.vector_store %arg7[%swap3A_377, %swap3A_378], %swap3A_381 {strides = array<i32>} : memref<32x512xf32, #tpu.memory_space<vmem>>, vector<1x16xf32>,
        %get3A_382 = arith.index_cast %scan3A_227 : i32 to index
        %get3A_383 = arith.constant 208 : index
        %get3A_384 = tpu.vector_load %arg7[%get3A_382, %get3A_383] {strides = array<i32>} : memref<32x512xf32, #tpu.memory_space<vmem>>, vector<1x16xf32>,
        %get3A_385 = vector.shape_cast %get3A_384 : vector<1x16xf32> to vector<16xf32>
        %mul3A_386 = arith.constant 22.6274166 : f32
        %mul3A_387 = vector.broadcast %mul3A_386 : f32 to vector<16xf32>
        %mul3A_388 = arith.mulf %get3A_385, %mul3A_387 : vector<16xf32>
        %swap3A_389 = arith.index_cast %scan3A_227 : i32 to index
        %swap3A_390 = arith.constant 208 : index
        %swap3A_391 = tpu.vector_load %arg7[%swap3A_389, %swap3A_390] {strides = array<i32>} : memref<32x512xf32, #tpu.memory_space<vmem>>, vector<1x16xf32>,
        %swap3A_392 = vector.shape_cast %swap3A_391 : vector<1x16xf32> to vector<16xf32>
        %swap3A_393 = vector.shape_cast %mul3A_388 : vector<16xf32> to vector<1x16xf32>
        tpu.vector_store %arg7[%swap3A_389, %swap3A_390], %swap3A_393 {strides = array<i32>} : memref<32x512xf32, #tpu.memory_space<vmem>>, vector<1x16xf32>,
        %get3A_394 = arith.index_cast %scan3A_227 : i32 to index
        %get3A_395 = arith.constant 224 : index
        %get3A_396 = tpu.vector_load %arg7[%get3A_394, %get3A_395] {strides = array<i32>} : memref<32x512xf32, #tpu.memory_space<vmem>>, vector<1x16xf32>,
        %get3A_397 = vector.shape_cast %get3A_396 : vector<1x16xf32> to vector<16xf32>
        %mul3A_398 = arith.constant 22.6274166 : f32
        %mul3A_399 = vector.broadcast %mul3A_398 : f32 to vector<16xf32>
        %mul3A_400 = arith.mulf %get3A_397, %mul3A_399 : vector<16xf32>
        %swap3A_401 = arith.index_cast %scan3A_227 : i32 to index
        %swap3A_402 = arith.constant 224 : index
        %swap3A_403 = tpu.vector_load %arg7[%swap3A_401, %swap3A_402] {strides = array<i32>} : memref<32x512xf32, #tpu.memory_space<vmem>>, vector<1x16xf32>,
        %swap3A_404 = vector.shape_cast %swap3A_403 : vector<1x16xf32> to vector<16xf32>
        %swap3A_405 = vector.shape_cast %mul3A_400 : vector<16xf32> to vector<1x16xf32>
        tpu.vector_store %arg7[%swap3A_401, %swap3A_402], %swap3A_405 {strides = array<i32>} : memref<32x512xf32, #tpu.memory_space<vmem>>, vector<1x16xf32>,
        %get3A_406 = arith.index_cast %scan3A_227 : i32 to index
        %get3A_407 = arith.constant 240 : index
        %get3A_408 = tpu.vector_load %arg7[%get3A_406, %get3A_407] {strides = array<i32>} : memref<32x512xf32, #tpu.memory_space<vmem>>, vector<1x16xf32>,
        %get3A_409 = vector.shape_cast %get3A_408 : vector<1x16xf32> to vector<16xf32>
        %mul3A_410 = arith.constant 22.6274166 : f32
        %mul3A_411 = vector.broadcast %mul3A_410 : f32 to vector<16xf32>
        %mul3A_412 = arith.mulf %get3A_409, %mul3A_411 : vector<16xf32>
        %swap3A_413 = arith.index_cast %scan3A_227 : i32 to index
        %swap3A_414 = arith.constant 240 : index
        %swap3A_415 = tpu.vector_load %arg7[%swap3A_413, %swap3A_414] {strides = array<i32>} : memref<32x512xf32, #tpu.memory_space<vmem>>, vector<1x16xf32>,
        %swap3A_416 = vector.shape_cast %swap3A_415 : vector<1x16xf32> to vector<16xf32>
        %swap3A_417 = vector.shape_cast %mul3A_412 : vector<16xf32> to vector<1x16xf32>
        tpu.vector_store %arg7[%swap3A_413, %swap3A_414], %swap3A_417 {strides = array<i32>} : memref<32x512xf32, #tpu.memory_space<vmem>>, vector<1x16xf32>,
        %get3A_418 = arith.index_cast %scan3A_227 : i32 to index
        %get3A_419 = arith.constant 256 : index
        %get3A_420 = tpu.vector_load %arg7[%get3A_418, %get3A_419] {strides = array<i32>} : memref<32x512xf32, #tpu.memory_space<vmem>>, vector<1x16xf32>,
        %get3A_421 = vector.shape_cast %get3A_420 : vector<1x16xf32> to vector<16xf32>
        %mul3A_422 = arith.constant 22.6274166 : f32
        %mul3A_423 = vector.broadcast %mul3A_422 : f32 to vector<16xf32>
        %mul3A_424 = arith.mulf %get3A_421, %mul3A_423 : vector<16xf32>
        %swap3A_425 = arith.index_cast %scan3A_227 : i32 to index
        %swap3A_426 = arith.constant 256 : index
        %swap3A_427 = tpu.vector_load %arg7[%swap3A_425, %swap3A_426] {strides = array<i32>} : memref<32x512xf32, #tpu.memory_space<vmem>>, vector<1x16xf32>,
        %swap3A_428 = vector.shape_cast %swap3A_427 : vector<1x16xf32> to vector<16xf32>
        %swap3A_429 = vector.shape_cast %mul3A_424 : vector<16xf32> to vector<1x16xf32>
        tpu.vector_store %arg7[%swap3A_425, %swap3A_426], %swap3A_429 {strides = array<i32>} : memref<32x512xf32, #tpu.memory_space<vmem>>, vector<1x16xf32>,
        %get3A_430 = arith.index_cast %scan3A_227 : i32 to index
        %get3A_431 = arith.constant 272 : index
        %get3A_432 = tpu.vector_load %arg7[%get3A_430, %get3A_431] {strides = array<i32>} : memref<32x512xf32, #tpu.memory_space<vmem>>, vector<1x16xf32>,
        %get3A_433 = vector.shape_cast %get3A_432 : vector<1x16xf32> to vector<16xf32>
        %mul3A_434 = arith.constant 22.6274166 : f32
        %mul3A_435 = vector.broadcast %mul3A_434 : f32 to vector<16xf32>
        %mul3A_436 = arith.mulf %get3A_433, %mul3A_435 : vector<16xf32>
        %swap3A_437 = arith.index_cast %scan3A_227 : i32 to index
        %swap3A_438 = arith.constant 272 : index
        %swap3A_439 = tpu.vector_load %arg7[%swap3A_437, %swap3A_438] {strides = array<i32>} : memref<32x512xf32, #tpu.memory_space<vmem>>, vector<1x16xf32>,
        %swap3A_440 = vector.shape_cast %swap3A_439 : vector<1x16xf32> to vector<16xf32>
        %swap3A_441 = vector.shape_cast %mul3A_436 : vector<16xf32> to vector<1x16xf32>
        tpu.vector_store %arg7[%swap3A_437, %swap3A_438], %swap3A_441 {strides = array<i32>} : memref<32x512xf32, #tpu.memory_space<vmem>>, vector<1x16xf32>,
        %get3A_442 = arith.index_cast %scan3A_227 : i32 to index
        %get3A_443 = arith.constant 288 : index
        %get3A_444 = tpu.vector_load %arg7[%get3A_442, %get3A_443] {strides = array<i32>} : memref<32x512xf32, #tpu.memory_space<vmem>>, vector<1x16xf32>,
        %get3A_445 = vector.shape_cast %get3A_444 : vector<1x16xf32> to vector<16xf32>
        %mul3A_446 = arith.constant 22.6274166 : f32
        %mul3A_447 = vector.broadcast %mul3A_446 : f32 to vector<16xf32>
        %mul3A_448 = arith.mulf %get3A_445, %mul3A_447 : vector<16xf32>
        %swap3A_449 = arith.index_cast %scan3A_227 : i32 to index
        %swap3A_450 = arith.constant 288 : index
        %swap3A_451 = tpu.vector_load %arg7[%swap3A_449, %swap3A_450] {strides = array<i32>} : memref<32x512xf32, #tpu.memory_space<vmem>>, vector<1x16xf32>,
        %swap3A_452 = vector.shape_cast %swap3A_451 : vector<1x16xf32> to vector<16xf32>
        %swap3A_453 = vector.shape_cast %mul3A_448 : vector<16xf32> to vector<1x16xf32>
        tpu.vector_store %arg7[%swap3A_449, %swap3A_450], %swap3A_453 {strides = array<i32>} : memref<32x512xf32, #tpu.memory_space<vmem>>, vector<1x16xf32>,
        %get3A_454 = arith.index_cast %scan3A_227 : i32 to index
        %get3A_455 = arith.constant 304 : index
        %get3A_456 = tpu.vector_load %arg7[%get3A_454, %get3A_455] {strides = array<i32>} : memref<32x512xf32, #tpu.memory_space<vmem>>, vector<1x16xf32>,
        %get3A_457 = vector.shape_cast %get3A_456 : vector<1x16xf32> to vector<16xf32>
        %mul3A_458 = arith.constant 22.6274166 : f32
        %mul3A_459 = vector.broadcast %mul3A_458 : f32 to vector<16xf32>
        %mul3A_460 = arith.mulf %get3A_457, %mul3A_459 : vector<16xf32>
        %swap3A_461 = arith.index_cast %scan3A_227 : i32 to index
        %swap3A_462 = arith.constant 304 : index
        %swap3A_463 = tpu.vector_load %arg7[%swap3A_461, %swap3A_462] {strides = array<i32>} : memref<32x512xf32, #tpu.memory_space<vmem>>, vector<1x16xf32>,
        %swap3A_464 = vector.shape_cast %swap3A_463 : vector<1x16xf32> to vector<16xf32>
        %swap3A_465 = vector.shape_cast %mul3A_460 : vector<16xf32> to vector<1x16xf32>
        tpu.vector_store %arg7[%swap3A_461, %swap3A_462], %swap3A_465 {strides = array<i32>} : memref<32x512xf32, #tpu.memory_space<vmem>>, vector<1x16xf32>,
        %get3A_466 = arith.index_cast %scan3A_227 : i32 to index
        %get3A_467 = arith.constant 320 : index
        %get3A_468 = tpu.vector_load %arg7[%get3A_466, %get3A_467] {strides = array<i32>} : memref<32x512xf32, #tpu.memory_space<vmem>>, vector<1x16xf32>,
        %get3A_469 = vector.shape_cast %get3A_468 : vector<1x16xf32> to vector<16xf32>
        %mul3A_470 = arith.constant 22.6274166 : f32
        %mul3A_471 = vector.broadcast %mul3A_470 : f32 to vector<16xf32>
        %mul3A_472 = arith.mulf %get3A_469, %mul3A_471 : vector<16xf32>
        %swap3A_473 = arith.index_cast %scan3A_227 : i32 to index
        %swap3A_474 = arith.constant 320 : index
        %swap3A_475 = tpu.vector_load %arg7[%swap3A_473, %swap3A_474] {strides = array<i32>} : memref<32x512xf32, #tpu.memory_space<vmem>>, vector<1x16xf32>,
        %swap3A_476 = vector.shape_cast %swap3A_475 : vector<1x16xf32> to vector<16xf32>
        %swap3A_477 = vector.shape_cast %mul3A_472 : vector<16xf32> to vector<1x16xf32>
        tpu.vector_store %arg7[%swap3A_473, %swap3A_474], %swap3A_477 {strides = array<i32>} : memref<32x512xf32, #tpu.memory_space<vmem>>, vector<1x16xf32>,
        %get3A_478 = arith.index_cast %scan3A_227 : i32 to index
        %get3A_479 = arith.constant 336 : index
        %get3A_480 = tpu.vector_load %arg7[%get3A_478, %get3A_479] {strides = array<i32>} : memref<32x512xf32, #tpu.memory_space<vmem>>, vector<1x16xf32>,
        %get3A_481 = vector.shape_cast %get3A_480 : vector<1x16xf32> to vector<16xf32>
        %mul3A_482 = arith.constant 22.6274166 : f32
        %mul3A_483 = vector.broadcast %mul3A_482 : f32 to vector<16xf32>
        %mul3A_484 = arith.mulf %get3A_481, %mul3A_483 : vector<16xf32>
        %swap3A_485 = arith.index_cast %scan3A_227 : i32 to index
        %swap3A_486 = arith.constant 336 : index
        %swap3A_487 = tpu.vector_load %arg7[%swap3A_485, %swap3A_486] {strides = array<i32>} : memref<32x512xf32, #tpu.memory_space<vmem>>, vector<1x16xf32>,
        %swap3A_488 = vector.shape_cast %swap3A_487 : vector<1x16xf32> to vector<16xf32>
        %swap3A_489 = vector.shape_cast %mul3A_484 : vector<16xf32> to vector<1x16xf32>
        tpu.vector_store %arg7[%swap3A_485, %swap3A_486], %swap3A_489 {strides = array<i32>} : memref<32x512xf32, #tpu.memory_space<vmem>>, vector<1x16xf32>,
        %get3A_490 = arith.index_cast %scan3A_227 : i32 to index
        %get3A_491 = arith.constant 352 : index
        %get3A_492 = tpu.vector_load %arg7[%get3A_490, %get3A_491] {strides = array<i32>} : memref<32x512xf32, #tpu.memory_space<vmem>>, vector<1x16xf32>,
        %get3A_493 = vector.shape_cast %get3A_492 : vector<1x16xf32> to vector<16xf32>
        %mul3A_494 = arith.constant 22.6274166 : f32
        %mul3A_495 = vector.broadcast %mul3A_494 : f32 to vector<16xf32>
        %mul3A_496 = arith.mulf %get3A_493, %mul3A_495 : vector<16xf32>
        %swap3A_497 = arith.index_cast %scan3A_227 : i32 to index
        %swap3A_498 = arith.constant 352 : index
        %swap3A_499 = tpu.vector_load %arg7[%swap3A_497, %swap3A_498] {strides = array<i32>} : memref<32x512xf32, #tpu.memory_space<vmem>>, vector<1x16xf32>,
        %swap3A_500 = vector.shape_cast %swap3A_499 : vector<1x16xf32> to vector<16xf32>
        %swap3A_501 = vector.shape_cast %mul3A_496 : vector<16xf32> to vector<1x16xf32>
        tpu.vector_store %arg7[%swap3A_497, %swap3A_498], %swap3A_501 {strides = array<i32>} : memref<32x512xf32, #tpu.memory_space<vmem>>, vector<1x16xf32>,
        %get3A_502 = arith.index_cast %scan3A_227 : i32 to index
        %get3A_503 = arith.constant 368 : index
        %get3A_504 = tpu.vector_load %arg7[%get3A_502, %get3A_503] {strides = array<i32>} : memref<32x512xf32, #tpu.memory_space<vmem>>, vector<1x16xf32>,
        %get3A_505 = vector.shape_cast %get3A_504 : vector<1x16xf32> to vector<16xf32>
        %mul3A_506 = arith.constant 22.6274166 : f32
        %mul3A_507 = vector.broadcast %mul3A_506 : f32 to vector<16xf32>
        %mul3A_508 = arith.mulf %get3A_505, %mul3A_507 : vector<16xf32>
        %swap3A_509 = arith.index_cast %scan3A_227 : i32 to index
        %swap3A_510 = arith.constant 368 : index
        %swap3A_511 = tpu.vector_load %arg7[%swap3A_509, %swap3A_510] {strides = array<i32>} : memref<32x512xf32, #tpu.memory_space<vmem>>, vector<1x16xf32>,
        %swap3A_512 = vector.shape_cast %swap3A_511 : vector<1x16xf32> to vector<16xf32>
        %swap3A_513 = vector.shape_cast %mul3A_508 : vector<16xf32> to vector<1x16xf32>
        tpu.vector_store %arg7[%swap3A_509, %swap3A_510], %swap3A_513 {strides = array<i32>} : memref<32x512xf32, #tpu.memory_space<vmem>>, vector<1x16xf32>,
        %get3A_514 = arith.index_cast %scan3A_227 : i32 to index
        %get3A_515 = arith.constant 384 : index
        %get3A_516 = tpu.vector_load %arg7[%get3A_514, %get3A_515] {strides = array<i32>} : memref<32x512xf32, #tpu.memory_space<vmem>>, vector<1x16xf32>,
        %get3A_517 = vector.shape_cast %get3A_516 : vector<1x16xf32> to vector<16xf32>
        %mul3A_518 = arith.constant 22.6274166 : f32
        %mul3A_519 = vector.broadcast %mul3A_518 : f32 to vector<16xf32>
        %mul3A_520 = arith.mulf %get3A_517, %mul3A_519 : vector<16xf32>
        %swap3A_521 = arith.index_cast %scan3A_227 : i32 to index
        %swap3A_522 = arith.constant 384 : index
        %swap3A_523 = tpu.vector_load %arg7[%swap3A_521, %swap3A_522] {strides = array<i32>} : memref<32x512xf32, #tpu.memory_space<vmem>>, vector<1x16xf32>,
        %swap3A_524 = vector.shape_cast %swap3A_523 : vector<1x16xf32> to vector<16xf32>
        %swap3A_525 = vector.shape_cast %mul3A_520 : vector<16xf32> to vector<1x16xf32>
        tpu.vector_store %arg7[%swap3A_521, %swap3A_522], %swap3A_525 {strides = array<i32>} : memref<32x512xf32, #tpu.memory_space<vmem>>, vector<1x16xf32>,
        %get3A_526 = arith.index_cast %scan3A_227 : i32 to index
        %get3A_527 = arith.constant 400 : index
        %get3A_528 = tpu.vector_load %arg7[%get3A_526, %get3A_527] {strides = array<i32>} : memref<32x512xf32, #tpu.memory_space<vmem>>, vector<1x16xf32>,
        %get3A_529 = vector.shape_cast %get3A_528 : vector<1x16xf32> to vector<16xf32>
        %mul3A_530 = arith.constant 22.6274166 : f32
        %mul3A_531 = vector.broadcast %mul3A_530 : f32 to vector<16xf32>
        %mul3A_532 = arith.mulf %get3A_529, %mul3A_531 : vector<16xf32>
        %swap3A_533 = arith.index_cast %scan3A_227 : i32 to index
        %swap3A_534 = arith.constant 400 : index
        %swap3A_535 = tpu.vector_load %arg7[%swap3A_533, %swap3A_534] {strides = array<i32>} : memref<32x512xf32, #tpu.memory_space<vmem>>, vector<1x16xf32>,
        %swap3A_536 = vector.shape_cast %swap3A_535 : vector<1x16xf32> to vector<16xf32>
        %swap3A_537 = vector.shape_cast %mul3A_532 : vector<16xf32> to vector<1x16xf32>
        tpu.vector_store %arg7[%swap3A_533, %swap3A_534], %swap3A_537 {strides = array<i32>} : memref<32x512xf32, #tpu.memory_space<vmem>>, vector<1x16xf32>,
        %get3A_538 = arith.index_cast %scan3A_227 : i32 to index
        %get3A_539 = arith.constant 416 : index
        %get3A_540 = tpu.vector_load %arg7[%get3A_538, %get3A_539] {strides = array<i32>} : memref<32x512xf32, #tpu.memory_space<vmem>>, vector<1x16xf32>,
        %get3A_541 = vector.shape_cast %get3A_540 : vector<1x16xf32> to vector<16xf32>
        %mul3A_542 = arith.constant 22.6274166 : f32
        %mul3A_543 = vector.broadcast %mul3A_542 : f32 to vector<16xf32>
        %mul3A_544 = arith.mulf %get3A_541, %mul3A_543 : vector<16xf32>
        %swap3A_545 = arith.index_cast %scan3A_227 : i32 to index
        %swap3A_546 = arith.constant 416 : index
        %swap3A_547 = tpu.vector_load %arg7[%swap3A_545, %swap3A_546] {strides = array<i32>} : memref<32x512xf32, #tpu.memory_space<vmem>>, vector<1x16xf32>,
        %swap3A_548 = vector.shape_cast %swap3A_547 : vector<1x16xf32> to vector<16xf32>
        %swap3A_549 = vector.shape_cast %mul3A_544 : vector<16xf32> to vector<1x16xf32>
        tpu.vector_store %arg7[%swap3A_545, %swap3A_546], %swap3A_549 {strides = array<i32>} : memref<32x512xf32, #tpu.memory_space<vmem>>, vector<1x16xf32>,
        %get3A_550 = arith.index_cast %scan3A_227 : i32 to index
        %get3A_551 = arith.constant 432 : index
        %get3A_552 = tpu.vector_load %arg7[%get3A_550, %get3A_551] {strides = array<i32>} : memref<32x512xf32, #tpu.memory_space<vmem>>, vector<1x16xf32>,
        %get3A_553 = vector.shape_cast %get3A_552 : vector<1x16xf32> to vector<16xf32>
        %mul3A_554 = arith.constant 22.6274166 : f32
        %mul3A_555 = vector.broadcast %mul3A_554 : f32 to vector<16xf32>
        %mul3A_556 = arith.mulf %get3A_553, %mul3A_555 : vector<16xf32>
        %swap3A_557 = arith.index_cast %scan3A_227 : i32 to index
        %swap3A_558 = arith.constant 432 : index
        %swap3A_559 = tpu.vector_load %arg7[%swap3A_557, %swap3A_558] {strides = array<i32>} : memref<32x512xf32, #tpu.memory_space<vmem>>, vector<1x16xf32>,
        %swap3A_560 = vector.shape_cast %swap3A_559 : vector<1x16xf32> to vector<16xf32>
        %swap3A_561 = vector.shape_cast %mul3A_556 : vector<16xf32> to vector<1x16xf32>
        tpu.vector_store %arg7[%swap3A_557, %swap3A_558], %swap3A_561 {strides = array<i32>} : memref<32x512xf32, #tpu.memory_space<vmem>>, vector<1x16xf32>,
        %get3A_562 = arith.index_cast %scan3A_227 : i32 to index
        %get3A_563 = arith.constant 448 : index
        %get3A_564 = tpu.vector_load %arg7[%get3A_562, %get3A_563] {strides = array<i32>} : memref<32x512xf32, #tpu.memory_space<vmem>>, vector<1x16xf32>,
        %get3A_565 = vector.shape_cast %get3A_564 : vector<1x16xf32> to vector<16xf32>
        %mul3A_566 = arith.constant 22.6274166 : f32
        %mul3A_567 = vector.broadcast %mul3A_566 : f32 to vector<16xf32>
        %mul3A_568 = arith.mulf %get3A_565, %mul3A_567 : vector<16xf32>
        %swap3A_569 = arith.index_cast %scan3A_227 : i32 to index
        %swap3A_570 = arith.constant 448 : index
        %swap3A_571 = tpu.vector_load %arg7[%swap3A_569, %swap3A_570] {strides = array<i32>} : memref<32x512xf32, #tpu.memory_space<vmem>>, vector<1x16xf32>,
        %swap3A_572 = vector.shape_cast %swap3A_571 : vector<1x16xf32> to vector<16xf32>
        %swap3A_573 = vector.shape_cast %mul3A_568 : vector<16xf32> to vector<1x16xf32>
        tpu.vector_store %arg7[%swap3A_569, %swap3A_570], %swap3A_573 {strides = array<i32>} : memref<32x512xf32, #tpu.memory_space<vmem>>, vector<1x16xf32>,
        %get3A_574 = arith.index_cast %scan3A_227 : i32 to index
        %get3A_575 = arith.constant 464 : index
        %get3A_576 = tpu.vector_load %arg7[%get3A_574, %get3A_575] {strides = array<i32>} : memref<32x512xf32, #tpu.memory_space<vmem>>, vector<1x16xf32>,
        %get3A_577 = vector.shape_cast %get3A_576 : vector<1x16xf32> to vector<16xf32>
        %mul3A_578 = arith.constant 22.6274166 : f32
        %mul3A_579 = vector.broadcast %mul3A_578 : f32 to vector<16xf32>
        %mul3A_580 = arith.mulf %get3A_577, %mul3A_579 : vector<16xf32>
        %swap3A_581 = arith.index_cast %scan3A_227 : i32 to index
        %swap3A_582 = arith.constant 464 : index
        %swap3A_583 = tpu.vector_load %arg7[%swap3A_581, %swap3A_582] {strides = array<i32>} : memref<32x512xf32, #tpu.memory_space<vmem>>, vector<1x16xf32>,
        %swap3A_584 = vector.shape_cast %swap3A_583 : vector<1x16xf32> to vector<16xf32>
        %swap3A_585 = vector.shape_cast %mul3A_580 : vector<16xf32> to vector<1x16xf32>
        tpu.vector_store %arg7[%swap3A_581, %swap3A_582], %swap3A_585 {strides = array<i32>} : memref<32x512xf32, #tpu.memory_space<vmem>>, vector<1x16xf32>,
        %get3A_586 = arith.index_cast %scan3A_227 : i32 to index
        %get3A_587 = arith.constant 480 : index
        %get3A_588 = tpu.vector_load %arg7[%get3A_586, %get3A_587] {strides = array<i32>} : memref<32x512xf32, #tpu.memory_space<vmem>>, vector<1x16xf32>,
        %get3A_589 = vector.shape_cast %get3A_588 : vector<1x16xf32> to vector<16xf32>
        %mul3A_590 = arith.constant 22.6274166 : f32
        %mul3A_591 = vector.broadcast %mul3A_590 : f32 to vector<16xf32>
        %mul3A_592 = arith.mulf %get3A_589, %mul3A_591 : vector<16xf32>
        %swap3A_593 = arith.index_cast %scan3A_227 : i32 to index
        %swap3A_594 = arith.constant 480 : index
        %swap3A_595 = tpu.vector_load %arg7[%swap3A_593, %swap3A_594] {strides = array<i32>} : memref<32x512xf32, #tpu.memory_space<vmem>>, vector<1x16xf32>,
        %swap3A_596 = vector.shape_cast %swap3A_595 : vector<1x16xf32> to vector<16xf32>
        %swap3A_597 = vector.shape_cast %mul3A_592 : vector<16xf32> to vector<1x16xf32>
        tpu.vector_store %arg7[%swap3A_593, %swap3A_594], %swap3A_597 {strides = array<i32>} : memref<32x512xf32, #tpu.memory_space<vmem>>, vector<1x16xf32>,
        %get3A_598 = arith.index_cast %scan3A_227 : i32 to index
        %get3A_599 = arith.constant 496 : index
        %get3A_600 = tpu.vector_load %arg7[%get3A_598, %get3A_599] {strides = array<i32>} : memref<32x512xf32, #tpu.memory_space<vmem>>, vector<1x16xf32>,
        %get3A_601 = vector.shape_cast %get3A_600 : vector<1x16xf32> to vector<16xf32>
        %mul3A_602 = arith.constant 22.6274166 : f32
        %mul3A_603 = vector.broadcast %mul3A_602 : f32 to vector<16xf32>
        %mul3A_604 = arith.mulf %get3A_601, %mul3A_603 : vector<16xf32>
        %swap3A_605 = arith.index_cast %scan3A_227 : i32 to index
        %swap3A_606 = arith.constant 496 : index
        %swap3A_607 = tpu.vector_load %arg7[%swap3A_605, %swap3A_606] {strides = array<i32>} : memref<32x512xf32, #tpu.memory_space<vmem>>, vector<1x16xf32>,
        %swap3A_608 = vector.shape_cast %swap3A_607 : vector<1x16xf32> to vector<16xf32>
        %swap3A_609 = vector.shape_cast %mul3A_604 : vector<16xf32> to vector<1x16xf32>
        tpu.vector_store %arg7[%swap3A_605, %swap3A_606], %swap3A_609 {strides = array<i32>} : memref<32x512xf32, #tpu.memory_space<vmem>>, vector<1x16xf32>,
      }
      %scan3A_128 = arith.constant 32 : i32
      %mul3A_129 = arith.constant 32 : i32
      %mul3A_130 = arith.muli %add3A_110, %mul3A_129 : i32
      %add3A_131 = arith.addi %mul3A_32, %mul3A_130 : i32
      %multiple_of3A_132 = tpu.assume_multiple %add3A_131, 32 : i32
      %dma_start3A_133 = arith.constant 0 : i32
      %dma_start3A_134 = tpu.memref_slice %arg4[%select_n3A, %multiple_of3A_132, %dma_start3A_133] : memref<4x8192x512xf32, #tpu.memory_space<hbm>> -> memref<1x32x512xf32, #tpu.memory_space<hbm>>
      %dma_start3A_135 = tpu.memref_squeeze %dma_start3A_134 : memref<1x32x512xf32, #tpu.memory_space<hbm>> -> memref<32x512xf32, #tpu.memory_space<hbm>>
      %dma_start3A_136 = arith.constant 0 : i32
      %dma_start3A_137 = tpu.memref_slice %arg4[%select_n3A, %multiple_of3A_132, %dma_start3A_136] : memref<4x8192x512xf32, #tpu.memory_space<hbm>> -> memref<1x32x512xf32, #tpu.memory_space<hbm>>
      %dma_start3A_138 = tpu.memref_squeeze %dma_start3A_137 : memref<1x32x512xf32, #tpu.memory_space<hbm>> -> memref<32x512xf32, #tpu.memory_space<hbm>>
      tpu.enqueue_dma source(%arg7 : memref<32x512xf32, #tpu.memory_space<vmem>>) target(%dma_start3A_138 : memref<32x512xf32, #tpu.memory_space<hbm>>) target_semaphore(%arg15 : memref<!tpu.dma_semaphore, #tpu.memory_space<semaphore_mem>>)
      %mul3A_139 = arith.constant 4 : i32
      %mul3A_140 = arith.muli %scan3A_77, %mul3A_139 : i32
      %add3A_141 = arith.constant 2 : i32
      %add3A_142 = arith.addi %mul3A_140, %add3A_141 : i32
      %sub3A_143 = arith.constant 2 : i32
      %sub3A_144 = arith.subi %add3A_142, %sub3A_143 : i32
      %mul3A_145 = arith.constant 32 : i32
      %mul3A_146 = arith.muli %sub3A_144, %mul3A_145 : i32
      %add3A_147 = arith.addi %mul3A_32, %mul3A_146 : i32
      %multiple_of3A_148 = tpu.assume_multiple %add3A_147, 32 : i32
      %dma_wait3A_149 = arith.constant 0 : i32
      %dma_wait3A_150 = tpu.memref_slice %arg4[%select_n3A, %multiple_of3A_148, %dma_wait3A_149] : memref<4x8192x512xf32, #tpu.memory_space<hbm>> -> memref<1x32x512xf32, #tpu.memory_space<hbm>>
      %dma_wait3A_151 = tpu.memref_squeeze %dma_wait3A_150 : memref<1x32x512xf32, #tpu.memory_space<hbm>> -> memref<32x512xf32, #tpu.memory_space<hbm>>
      %dma_wait3A_152 = arith.constant 0 : i32
      %dma_wait3A_153 = tpu.memref_slice %arg4[%select_n3A, %multiple_of3A_148, %dma_wait3A_152] : memref<4x8192x512xf32, #tpu.memory_space<hbm>> -> memref<1x32x512xf32, #tpu.memory_space<hbm>>
      %dma_wait3A_154 = tpu.memref_squeeze %dma_wait3A_153 : memref<1x32x512xf32, #tpu.memory_space<hbm>> -> memref<32x512xf32, #tpu.memory_space<hbm>>
      tpu.wait_dma2 semaphore(%arg14 : memref<!tpu.dma_semaphore, #tpu.memory_space<semaphore_mem>>) src(%arg6 : memref<32x512xf32, #tpu.memory_space<vmem>>) dst(%dma_wait3A_154 : memref<32x512xf32, #tpu.memory_space<hbm>>)
      %lt3A_155 = arith.constant 7 : i32
      %lt3A_156 = arith.cmpi slt, %scan3A_77, %lt3A_155 : i32
      %convert_element_type3A_157 = arith.extui %lt3A_156 : i1 to i32
      %cond3A_158 = arith.constant 0 : i32
      %cond3A_159 = arith.cmpi ne, %convert_element_type3A_157, %cond3A_158 : i32
      scf.if %cond3A_159 {
        %add3A_227 = arith.constant 2 : i32
        %add3A_228 = arith.addi %add3A_142, %add3A_227 : i32
        %mul3A_229 = arith.constant 32 : i32
        %mul3A_230 = arith.muli %add3A_228, %mul3A_229 : i32
        %multiple_of3A_231 = tpu.assume_multiple %mul3A_230, 32 : i32
        %dma_start3A_232 = tpu.memref_slice %arg5[%multiple_of3A_231] : memref<1024xi32, #tpu.memory_space<vmem>> -> memref<32xi32, #tpu.memory_space<vmem>>
        %dma_start3A_233 = arith.constant 0 : i32
        %dma_start3A_234 = arith.constant 0 : i32
        %dma_start3A_235 = tpu.memref_slice %arg3[%dma_start3A_233, %dma_start3A_234] : memref<25002x512xf32, #tpu.memory_space<hbm>> -> memref<25002x512xf32, #tpu.memory_space<hbm>>
        tpu.enqueue_indirect_dma source(%dma_start3A_235 : memref<25002x512xf32, #tpu.memory_space<hbm>>) target(%arg6 : memref<32x512xf32, #tpu.memory_space<vmem>>) offsets(%dma_start3A_232 : memref<32xi32, #tpu.memory_space<vmem>>) semaphore(%arg10 : memref<!tpu.dma_semaphore, #tpu.memory_space<semaphore_mem>>)
      } else {
      }
      %mul3A_160 = arith.constant 32 : i32
      %mul3A_161 = arith.muli %add3A_142, %mul3A_160 : i32
      %multiple_of3A_162 = tpu.assume_multiple %mul3A_161, 32 : i32
      %dma_wait3A_163 = tpu.memref_slice %arg5[%multiple_of3A_162] : memref<1024xi32, #tpu.memory_space<vmem>> -> memref<32xi32, #tpu.memory_space<vmem>>
      %dma_wait3A_164 = arith.constant 0 : i32
      %dma_wait3A_165 = arith.constant 0 : i32
      %dma_wait3A_166 = tpu.memref_slice %arg3[%dma_wait3A_164, %dma_wait3A_165] : memref<25002x512xf32, #tpu.memory_space<hbm>> -> memref<25002x512xf32, #tpu.memory_space<hbm>>
      tpu.wait_indirect_dma semaphore(%arg12 : memref<!tpu.dma_semaphore, #tpu.memory_space<semaphore_mem>>) src(%dma_wait3A_166 : memref<25002x512xf32, #tpu.memory_space<hbm>>) dst(%arg8 : memref<32x512xf32, #tpu.memory_space<vmem>>)
      %scan3A_167 = arith.constant 0 : i32
      %scan3A_168 = arith.constant 0 : i32
      %scan3A_169 = arith.constant 32 : i32
      %scan3A_170 = arith.addi %scan3A_168, %scan3A_169 : i32
      %scan3A_171 = arith.constant 1 : i32
      scf.for %scan3A_227 = %scan3A_168 to %scan3A_170 step %scan3A_171  : i32 {
        %get3A = arith.index_cast %scan3A_227 : i32 to index
        %get3A_228 = arith.constant 0 : index
        %get3A_229 = tpu.vector_load %arg8[%get3A, %get3A_228] {strides = array<i32>} : memref<32x512xf32, #tpu.memory_space<vmem>>, vector<1x16xf32>,
        %get3A_230 = vector.shape_cast %get3A_229 : vector<1x16xf32> to vector<16xf32>
        %mul3A_231 = arith.constant 22.6274166 : f32
        %mul3A_232 = vector.broadcast %mul3A_231 : f32 to vector<16xf32>
        %mul3A_233 = arith.mulf %get3A_230, %mul3A_232 : vector<16xf32>
        %swap3A = arith.index_cast %scan3A_227 : i32 to index
        %swap3A_234 = arith.constant 0 : index
        %swap3A_235 = tpu.vector_load %arg8[%swap3A, %swap3A_234] {strides = array<i32>} : memref<32x512xf32, #tpu.memory_space<vmem>>, vector<1x16xf32>,
        %swap3A_236 = vector.shape_cast %swap3A_235 : vector<1x16xf32> to vector<16xf32>
        %swap3A_237 = vector.shape_cast %mul3A_233 : vector<16xf32> to vector<1x16xf32>
        tpu.vector_store %arg8[%swap3A, %swap3A_234], %swap3A_237 {strides = array<i32>} : memref<32x512xf32, #tpu.memory_space<vmem>>, vector<1x16xf32>,
        %get3A_238 = arith.index_cast %scan3A_227 : i32 to index
        %get3A_239 = arith.constant 16 : index
        %get3A_240 = tpu.vector_load %arg8[%get3A_238, %get3A_239] {strides = array<i32>} : memref<32x512xf32, #tpu.memory_space<vmem>>, vector<1x16xf32>,
        %get3A_241 = vector.shape_cast %get3A_240 : vector<1x16xf32> to vector<16xf32>
        %mul3A_242 = arith.constant 22.6274166 : f32
        %mul3A_243 = vector.broadcast %mul3A_242 : f32 to vector<16xf32>
        %mul3A_244 = arith.mulf %get3A_241, %mul3A_243 : vector<16xf32>
        %swap3A_245 = arith.index_cast %scan3A_227 : i32 to index
        %swap3A_246 = arith.constant 16 : index
        %swap3A_247 = tpu.vector_load %arg8[%swap3A_245, %swap3A_246] {strides = array<i32>} : memref<32x512xf32, #tpu.memory_space<vmem>>, vector<1x16xf32>,
        %swap3A_248 = vector.shape_cast %swap3A_247 : vector<1x16xf32> to vector<16xf32>
        %swap3A_249 = vector.shape_cast %mul3A_244 : vector<16xf32> to vector<1x16xf32>
        tpu.vector_store %arg8[%swap3A_245, %swap3A_246], %swap3A_249 {strides = array<i32>} : memref<32x512xf32, #tpu.memory_space<vmem>>, vector<1x16xf32>,
        %get3A_250 = arith.index_cast %scan3A_227 : i32 to index
        %get3A_251 = arith.constant 32 : index
        %get3A_252 = tpu.vector_load %arg8[%get3A_250, %get3A_251] {strides = array<i32>} : memref<32x512xf32, #tpu.memory_space<vmem>>, vector<1x16xf32>,
        %get3A_253 = vector.shape_cast %get3A_252 : vector<1x16xf32> to vector<16xf32>
        %mul3A_254 = arith.constant 22.6274166 : f32
        %mul3A_255 = vector.broadcast %mul3A_254 : f32 to vector<16xf32>
        %mul3A_256 = arith.mulf %get3A_253, %mul3A_255 : vector<16xf32>
        %swap3A_257 = arith.index_cast %scan3A_227 : i32 to index
        %swap3A_258 = arith.constant 32 : index
        %swap3A_259 = tpu.vector_load %arg8[%swap3A_257, %swap3A_258] {strides = array<i32>} : memref<32x512xf32, #tpu.memory_space<vmem>>, vector<1x16xf32>,
        %swap3A_260 = vector.shape_cast %swap3A_259 : vector<1x16xf32> to vector<16xf32>
        %swap3A_261 = vector.shape_cast %mul3A_256 : vector<16xf32> to vector<1x16xf32>
        tpu.vector_store %arg8[%swap3A_257, %swap3A_258], %swap3A_261 {strides = array<i32>} : memref<32x512xf32, #tpu.memory_space<vmem>>, vector<1x16xf32>,
        %get3A_262 = arith.index_cast %scan3A_227 : i32 to index
        %get3A_263 = arith.constant 48 : index
        %get3A_264 = tpu.vector_load %arg8[%get3A_262, %get3A_263] {strides = array<i32>} : memref<32x512xf32, #tpu.memory_space<vmem>>, vector<1x16xf32>,
        %get3A_265 = vector.shape_cast %get3A_264 : vector<1x16xf32> to vector<16xf32>
        %mul3A_266 = arith.constant 22.6274166 : f32
        %mul3A_267 = vector.broadcast %mul3A_266 : f32 to vector<16xf32>
        %mul3A_268 = arith.mulf %get3A_265, %mul3A_267 : vector<16xf32>
        %swap3A_269 = arith.index_cast %scan3A_227 : i32 to index
        %swap3A_270 = arith.constant 48 : index
        %swap3A_271 = tpu.vector_load %arg8[%swap3A_269, %swap3A_270] {strides = array<i32>} : memref<32x512xf32, #tpu.memory_space<vmem>>, vector<1x16xf32>,
        %swap3A_272 = vector.shape_cast %swap3A_271 : vector<1x16xf32> to vector<16xf32>
        %swap3A_273 = vector.shape_cast %mul3A_268 : vector<16xf32> to vector<1x16xf32>
        tpu.vector_store %arg8[%swap3A_269, %swap3A_270], %swap3A_273 {strides = array<i32>} : memref<32x512xf32, #tpu.memory_space<vmem>>, vector<1x16xf32>,
        %get3A_274 = arith.index_cast %scan3A_227 : i32 to index
        %get3A_275 = arith.constant 64 : index
        %get3A_276 = tpu.vector_load %arg8[%get3A_274, %get3A_275] {strides = array<i32>} : memref<32x512xf32, #tpu.memory_space<vmem>>, vector<1x16xf32>,
        %get3A_277 = vector.shape_cast %get3A_276 : vector<1x16xf32> to vector<16xf32>
        %mul3A_278 = arith.constant 22.6274166 : f32
        %mul3A_279 = vector.broadcast %mul3A_278 : f32 to vector<16xf32>
        %mul3A_280 = arith.mulf %get3A_277, %mul3A_279 : vector<16xf32>
        %swap3A_281 = arith.index_cast %scan3A_227 : i32 to index
        %swap3A_282 = arith.constant 64 : index
        %swap3A_283 = tpu.vector_load %arg8[%swap3A_281, %swap3A_282] {strides = array<i32>} : memref<32x512xf32, #tpu.memory_space<vmem>>, vector<1x16xf32>,
        %swap3A_284 = vector.shape_cast %swap3A_283 : vector<1x16xf32> to vector<16xf32>
        %swap3A_285 = vector.shape_cast %mul3A_280 : vector<16xf32> to vector<1x16xf32>
        tpu.vector_store %arg8[%swap3A_281, %swap3A_282], %swap3A_285 {strides = array<i32>} : memref<32x512xf32, #tpu.memory_space<vmem>>, vector<1x16xf32>,
        %get3A_286 = arith.index_cast %scan3A_227 : i32 to index
        %get3A_287 = arith.constant 80 : index
        %get3A_288 = tpu.vector_load %arg8[%get3A_286, %get3A_287] {strides = array<i32>} : memref<32x512xf32, #tpu.memory_space<vmem>>, vector<1x16xf32>,
        %get3A_289 = vector.shape_cast %get3A_288 : vector<1x16xf32> to vector<16xf32>
        %mul3A_290 = arith.constant 22.6274166 : f32
        %mul3A_291 = vector.broadcast %mul3A_290 : f32 to vector<16xf32>
        %mul3A_292 = arith.mulf %get3A_289, %mul3A_291 : vector<16xf32>
        %swap3A_293 = arith.index_cast %scan3A_227 : i32 to index
        %swap3A_294 = arith.constant 80 : index
        %swap3A_295 = tpu.vector_load %arg8[%swap3A_293, %swap3A_294] {strides = array<i32>} : memref<32x512xf32, #tpu.memory_space<vmem>>, vector<1x16xf32>,
        %swap3A_296 = vector.shape_cast %swap3A_295 : vector<1x16xf32> to vector<16xf32>
        %swap3A_297 = vector.shape_cast %mul3A_292 : vector<16xf32> to vector<1x16xf32>
        tpu.vector_store %arg8[%swap3A_293, %swap3A_294], %swap3A_297 {strides = array<i32>} : memref<32x512xf32, #tpu.memory_space<vmem>>, vector<1x16xf32>,
        %get3A_298 = arith.index_cast %scan3A_227 : i32 to index
        %get3A_299 = arith.constant 96 : index
        %get3A_300 = tpu.vector_load %arg8[%get3A_298, %get3A_299] {strides = array<i32>} : memref<32x512xf32, #tpu.memory_space<vmem>>, vector<1x16xf32>,
        %get3A_301 = vector.shape_cast %get3A_300 : vector<1x16xf32> to vector<16xf32>
        %mul3A_302 = arith.constant 22.6274166 : f32
        %mul3A_303 = vector.broadcast %mul3A_302 : f32 to vector<16xf32>
        %mul3A_304 = arith.mulf %get3A_301, %mul3A_303 : vector<16xf32>
        %swap3A_305 = arith.index_cast %scan3A_227 : i32 to index
        %swap3A_306 = arith.constant 96 : index
        %swap3A_307 = tpu.vector_load %arg8[%swap3A_305, %swap3A_306] {strides = array<i32>} : memref<32x512xf32, #tpu.memory_space<vmem>>, vector<1x16xf32>,
        %swap3A_308 = vector.shape_cast %swap3A_307 : vector<1x16xf32> to vector<16xf32>
        %swap3A_309 = vector.shape_cast %mul3A_304 : vector<16xf32> to vector<1x16xf32>
        tpu.vector_store %arg8[%swap3A_305, %swap3A_306], %swap3A_309 {strides = array<i32>} : memref<32x512xf32, #tpu.memory_space<vmem>>, vector<1x16xf32>,
        %get3A_310 = arith.index_cast %scan3A_227 : i32 to index
        %get3A_311 = arith.constant 112 : index
        %get3A_312 = tpu.vector_load %arg8[%get3A_310, %get3A_311] {strides = array<i32>} : memref<32x512xf32, #tpu.memory_space<vmem>>, vector<1x16xf32>,
        %get3A_313 = vector.shape_cast %get3A_312 : vector<1x16xf32> to vector<16xf32>
        %mul3A_314 = arith.constant 22.6274166 : f32
        %mul3A_315 = vector.broadcast %mul3A_314 : f32 to vector<16xf32>
        %mul3A_316 = arith.mulf %get3A_313, %mul3A_315 : vector<16xf32>
        %swap3A_317 = arith.index_cast %scan3A_227 : i32 to index
        %swap3A_318 = arith.constant 112 : index
        %swap3A_319 = tpu.vector_load %arg8[%swap3A_317, %swap3A_318] {strides = array<i32>} : memref<32x512xf32, #tpu.memory_space<vmem>>, vector<1x16xf32>,
        %swap3A_320 = vector.shape_cast %swap3A_319 : vector<1x16xf32> to vector<16xf32>
        %swap3A_321 = vector.shape_cast %mul3A_316 : vector<16xf32> to vector<1x16xf32>
        tpu.vector_store %arg8[%swap3A_317, %swap3A_318], %swap3A_321 {strides = array<i32>} : memref<32x512xf32, #tpu.memory_space<vmem>>, vector<1x16xf32>,
        %get3A_322 = arith.index_cast %scan3A_227 : i32 to index
        %get3A_323 = arith.constant 128 : index
        %get3A_324 = tpu.vector_load %arg8[%get3A_322, %get3A_323] {strides = array<i32>} : memref<32x512xf32, #tpu.memory_space<vmem>>, vector<1x16xf32>,
        %get3A_325 = vector.shape_cast %get3A_324 : vector<1x16xf32> to vector<16xf32>
        %mul3A_326 = arith.constant 22.6274166 : f32
        %mul3A_327 = vector.broadcast %mul3A_326 : f32 to vector<16xf32>
        %mul3A_328 = arith.mulf %get3A_325, %mul3A_327 : vector<16xf32>
        %swap3A_329 = arith.index_cast %scan3A_227 : i32 to index
        %swap3A_330 = arith.constant 128 : index
        %swap3A_331 = tpu.vector_load %arg8[%swap3A_329, %swap3A_330] {strides = array<i32>} : memref<32x512xf32, #tpu.memory_space<vmem>>, vector<1x16xf32>,
        %swap3A_332 = vector.shape_cast %swap3A_331 : vector<1x16xf32> to vector<16xf32>
        %swap3A_333 = vector.shape_cast %mul3A_328 : vector<16xf32> to vector<1x16xf32>
        tpu.vector_store %arg8[%swap3A_329, %swap3A_330], %swap3A_333 {strides = array<i32>} : memref<32x512xf32, #tpu.memory_space<vmem>>, vector<1x16xf32>,
        %get3A_334 = arith.index_cast %scan3A_227 : i32 to index
        %get3A_335 = arith.constant 144 : index
        %get3A_336 = tpu.vector_load %arg8[%get3A_334, %get3A_335] {strides = array<i32>} : memref<32x512xf32, #tpu.memory_space<vmem>>, vector<1x16xf32>,
        %get3A_337 = vector.shape_cast %get3A_336 : vector<1x16xf32> to vector<16xf32>
        %mul3A_338 = arith.constant 22.6274166 : f32
        %mul3A_339 = vector.broadcast %mul3A_338 : f32 to vector<16xf32>
        %mul3A_340 = arith.mulf %get3A_337, %mul3A_339 : vector<16xf32>
        %swap3A_341 = arith.index_cast %scan3A_227 : i32 to index
        %swap3A_342 = arith.constant 144 : index
        %swap3A_343 = tpu.vector_load %arg8[%swap3A_341, %swap3A_342] {strides = array<i32>} : memref<32x512xf32, #tpu.memory_space<vmem>>, vector<1x16xf32>,
        %swap3A_344 = vector.shape_cast %swap3A_343 : vector<1x16xf32> to vector<16xf32>
        %swap3A_345 = vector.shape_cast %mul3A_340 : vector<16xf32> to vector<1x16xf32>
        tpu.vector_store %arg8[%swap3A_341, %swap3A_342], %swap3A_345 {strides = array<i32>} : memref<32x512xf32, #tpu.memory_space<vmem>>, vector<1x16xf32>,
        %get3A_346 = arith.index_cast %scan3A_227 : i32 to index
        %get3A_347 = arith.constant 160 : index
        %get3A_348 = tpu.vector_load %arg8[%get3A_346, %get3A_347] {strides = array<i32>} : memref<32x512xf32, #tpu.memory_space<vmem>>, vector<1x16xf32>,
        %get3A_349 = vector.shape_cast %get3A_348 : vector<1x16xf32> to vector<16xf32>
        %mul3A_350 = arith.constant 22.6274166 : f32
        %mul3A_351 = vector.broadcast %mul3A_350 : f32 to vector<16xf32>
        %mul3A_352 = arith.mulf %get3A_349, %mul3A_351 : vector<16xf32>
        %swap3A_353 = arith.index_cast %scan3A_227 : i32 to index
        %swap3A_354 = arith.constant 160 : index
        %swap3A_355 = tpu.vector_load %arg8[%swap3A_353, %swap3A_354] {strides = array<i32>} : memref<32x512xf32, #tpu.memory_space<vmem>>, vector<1x16xf32>,
        %swap3A_356 = vector.shape_cast %swap3A_355 : vector<1x16xf32> to vector<16xf32>
        %swap3A_357 = vector.shape_cast %mul3A_352 : vector<16xf32> to vector<1x16xf32>
        tpu.vector_store %arg8[%swap3A_353, %swap3A_354], %swap3A_357 {strides = array<i32>} : memref<32x512xf32, #tpu.memory_space<vmem>>, vector<1x16xf32>,
        %get3A_358 = arith.index_cast %scan3A_227 : i32 to index
        %get3A_359 = arith.constant 176 : index
        %get3A_360 = tpu.vector_load %arg8[%get3A_358, %get3A_359] {strides = array<i32>} : memref<32x512xf32, #tpu.memory_space<vmem>>, vector<1x16xf32>,
        %get3A_361 = vector.shape_cast %get3A_360 : vector<1x16xf32> to vector<16xf32>
        %mul3A_362 = arith.constant 22.6274166 : f32
        %mul3A_363 = vector.broadcast %mul3A_362 : f32 to vector<16xf32>
        %mul3A_364 = arith.mulf %get3A_361, %mul3A_363 : vector<16xf32>
        %swap3A_365 = arith.index_cast %scan3A_227 : i32 to index
        %swap3A_366 = arith.constant 176 : index
        %swap3A_367 = tpu.vector_load %arg8[%swap3A_365, %swap3A_366] {strides = array<i32>} : memref<32x512xf32, #tpu.memory_space<vmem>>, vector<1x16xf32>,
        %swap3A_368 = vector.shape_cast %swap3A_367 : vector<1x16xf32> to vector<16xf32>
        %swap3A_369 = vector.shape_cast %mul3A_364 : vector<16xf32> to vector<1x16xf32>
        tpu.vector_store %arg8[%swap3A_365, %swap3A_366], %swap3A_369 {strides = array<i32>} : memref<32x512xf32, #tpu.memory_space<vmem>>, vector<1x16xf32>,
        %get3A_370 = arith.index_cast %scan3A_227 : i32 to index
        %get3A_371 = arith.constant 192 : index
        %get3A_372 = tpu.vector_load %arg8[%get3A_370, %get3A_371] {strides = array<i32>} : memref<32x512xf32, #tpu.memory_space<vmem>>, vector<1x16xf32>,
        %get3A_373 = vector.shape_cast %get3A_372 : vector<1x16xf32> to vector<16xf32>
        %mul3A_374 = arith.constant 22.6274166 : f32
        %mul3A_375 = vector.broadcast %mul3A_374 : f32 to vector<16xf32>
        %mul3A_376 = arith.mulf %get3A_373, %mul3A_375 : vector<16xf32>
        %swap3A_377 = arith.index_cast %scan3A_227 : i32 to index
        %swap3A_378 = arith.constant 192 : index
        %swap3A_379 = tpu.vector_load %arg8[%swap3A_377, %swap3A_378] {strides = array<i32>} : memref<32x512xf32, #tpu.memory_space<vmem>>, vector<1x16xf32>,
        %swap3A_380 = vector.shape_cast %swap3A_379 : vector<1x16xf32> to vector<16xf32>
        %swap3A_381 = vector.shape_cast %mul3A_376 : vector<16xf32> to vector<1x16xf32>
        tpu.vector_store %arg8[%swap3A_377, %swap3A_378], %swap3A_381 {strides = array<i32>} : memref<32x512xf32, #tpu.memory_space<vmem>>, vector<1x16xf32>,
        %get3A_382 = arith.index_cast %scan3A_227 : i32 to index
        %get3A_383 = arith.constant 208 : index
        %get3A_384 = tpu.vector_load %arg8[%get3A_382, %get3A_383] {strides = array<i32>} : memref<32x512xf32, #tpu.memory_space<vmem>>, vector<1x16xf32>,
        %get3A_385 = vector.shape_cast %get3A_384 : vector<1x16xf32> to vector<16xf32>
        %mul3A_386 = arith.constant 22.6274166 : f32
        %mul3A_387 = vector.broadcast %mul3A_386 : f32 to vector<16xf32>
        %mul3A_388 = arith.mulf %get3A_385, %mul3A_387 : vector<16xf32>
        %swap3A_389 = arith.index_cast %scan3A_227 : i32 to index
        %swap3A_390 = arith.constant 208 : index
        %swap3A_391 = tpu.vector_load %arg8[%swap3A_389, %swap3A_390] {strides = array<i32>} : memref<32x512xf32, #tpu.memory_space<vmem>>, vector<1x16xf32>,
        %swap3A_392 = vector.shape_cast %swap3A_391 : vector<1x16xf32> to vector<16xf32>
        %swap3A_393 = vector.shape_cast %mul3A_388 : vector<16xf32> to vector<1x16xf32>
        tpu.vector_store %arg8[%swap3A_389, %swap3A_390], %swap3A_393 {strides = array<i32>} : memref<32x512xf32, #tpu.memory_space<vmem>>, vector<1x16xf32>,
        %get3A_394 = arith.index_cast %scan3A_227 : i32 to index
        %get3A_395 = arith.constant 224 : index
        %get3A_396 = tpu.vector_load %arg8[%get3A_394, %get3A_395] {strides = array<i32>} : memref<32x512xf32, #tpu.memory_space<vmem>>, vector<1x16xf32>,
        %get3A_397 = vector.shape_cast %get3A_396 : vector<1x16xf32> to vector<16xf32>
        %mul3A_398 = arith.constant 22.6274166 : f32
        %mul3A_399 = vector.broadcast %mul3A_398 : f32 to vector<16xf32>
        %mul3A_400 = arith.mulf %get3A_397, %mul3A_399 : vector<16xf32>
        %swap3A_401 = arith.index_cast %scan3A_227 : i32 to index
        %swap3A_402 = arith.constant 224 : index
        %swap3A_403 = tpu.vector_load %arg8[%swap3A_401, %swap3A_402] {strides = array<i32>} : memref<32x512xf32, #tpu.memory_space<vmem>>, vector<1x16xf32>,
        %swap3A_404 = vector.shape_cast %swap3A_403 : vector<1x16xf32> to vector<16xf32>
        %swap3A_405 = vector.shape_cast %mul3A_400 : vector<16xf32> to vector<1x16xf32>
        tpu.vector_store %arg8[%swap3A_401, %swap3A_402], %swap3A_405 {strides = array<i32>} : memref<32x512xf32, #tpu.memory_space<vmem>>, vector<1x16xf32>,
        %get3A_406 = arith.index_cast %scan3A_227 : i32 to index
        %get3A_407 = arith.constant 240 : index
        %get3A_408 = tpu.vector_load %arg8[%get3A_406, %get3A_407] {strides = array<i32>} : memref<32x512xf32, #tpu.memory_space<vmem>>, vector<1x16xf32>,
        %get3A_409 = vector.shape_cast %get3A_408 : vector<1x16xf32> to vector<16xf32>
        %mul3A_410 = arith.constant 22.6274166 : f32
        %mul3A_411 = vector.broadcast %mul3A_410 : f32 to vector<16xf32>
        %mul3A_412 = arith.mulf %get3A_409, %mul3A_411 : vector<16xf32>
        %swap3A_413 = arith.index_cast %scan3A_227 : i32 to index
        %swap3A_414 = arith.constant 240 : index
        %swap3A_415 = tpu.vector_load %arg8[%swap3A_413, %swap3A_414] {strides = array<i32>} : memref<32x512xf32, #tpu.memory_space<vmem>>, vector<1x16xf32>,
        %swap3A_416 = vector.shape_cast %swap3A_415 : vector<1x16xf32> to vector<16xf32>
        %swap3A_417 = vector.shape_cast %mul3A_412 : vector<16xf32> to vector<1x16xf32>
        tpu.vector_store %arg8[%swap3A_413, %swap3A_414], %swap3A_417 {strides = array<i32>} : memref<32x512xf32, #tpu.memory_space<vmem>>, vector<1x16xf32>,
        %get3A_418 = arith.index_cast %scan3A_227 : i32 to index
        %get3A_419 = arith.constant 256 : index
        %get3A_420 = tpu.vector_load %arg8[%get3A_418, %get3A_419] {strides = array<i32>} : memref<32x512xf32, #tpu.memory_space<vmem>>, vector<1x16xf32>,
        %get3A_421 = vector.shape_cast %get3A_420 : vector<1x16xf32> to vector<16xf32>
        %mul3A_422 = arith.constant 22.6274166 : f32
        %mul3A_423 = vector.broadcast %mul3A_422 : f32 to vector<16xf32>
        %mul3A_424 = arith.mulf %get3A_421, %mul3A_423 : vector<16xf32>
        %swap3A_425 = arith.index_cast %scan3A_227 : i32 to index
        %swap3A_426 = arith.constant 256 : index
        %swap3A_427 = tpu.vector_load %arg8[%swap3A_425, %swap3A_426] {strides = array<i32>} : memref<32x512xf32, #tpu.memory_space<vmem>>, vector<1x16xf32>,
        %swap3A_428 = vector.shape_cast %swap3A_427 : vector<1x16xf32> to vector<16xf32>
        %swap3A_429 = vector.shape_cast %mul3A_424 : vector<16xf32> to vector<1x16xf32>
        tpu.vector_store %arg8[%swap3A_425, %swap3A_426], %swap3A_429 {strides = array<i32>} : memref<32x512xf32, #tpu.memory_space<vmem>>, vector<1x16xf32>,
        %get3A_430 = arith.index_cast %scan3A_227 : i32 to index
        %get3A_431 = arith.constant 272 : index
        %get3A_432 = tpu.vector_load %arg8[%get3A_430, %get3A_431] {strides = array<i32>} : memref<32x512xf32, #tpu.memory_space<vmem>>, vector<1x16xf32>,
        %get3A_433 = vector.shape_cast %get3A_432 : vector<1x16xf32> to vector<16xf32>
        %mul3A_434 = arith.constant 22.6274166 : f32
        %mul3A_435 = vector.broadcast %mul3A_434 : f32 to vector<16xf32>
        %mul3A_436 = arith.mulf %get3A_433, %mul3A_435 : vector<16xf32>
        %swap3A_437 = arith.index_cast %scan3A_227 : i32 to index
        %swap3A_438 = arith.constant 272 : index
        %swap3A_439 = tpu.vector_load %arg8[%swap3A_437, %swap3A_438] {strides = array<i32>} : memref<32x512xf32, #tpu.memory_space<vmem>>, vector<1x16xf32>,
        %swap3A_440 = vector.shape_cast %swap3A_439 : vector<1x16xf32> to vector<16xf32>
        %swap3A_441 = vector.shape_cast %mul3A_436 : vector<16xf32> to vector<1x16xf32>
        tpu.vector_store %arg8[%swap3A_437, %swap3A_438], %swap3A_441 {strides = array<i32>} : memref<32x512xf32, #tpu.memory_space<vmem>>, vector<1x16xf32>,
        %get3A_442 = arith.index_cast %scan3A_227 : i32 to index
        %get3A_443 = arith.constant 288 : index
        %get3A_444 = tpu.vector_load %arg8[%get3A_442, %get3A_443] {strides = array<i32>} : memref<32x512xf32, #tpu.memory_space<vmem>>, vector<1x16xf32>,
        %get3A_445 = vector.shape_cast %get3A_444 : vector<1x16xf32> to vector<16xf32>
        %mul3A_446 = arith.constant 22.6274166 : f32
        %mul3A_447 = vector.broadcast %mul3A_446 : f32 to vector<16xf32>
        %mul3A_448 = arith.mulf %get3A_445, %mul3A_447 : vector<16xf32>
        %swap3A_449 = arith.index_cast %scan3A_227 : i32 to index
        %swap3A_450 = arith.constant 288 : index
        %swap3A_451 = tpu.vector_load %arg8[%swap3A_449, %swap3A_450] {strides = array<i32>} : memref<32x512xf32, #tpu.memory_space<vmem>>, vector<1x16xf32>,
        %swap3A_452 = vector.shape_cast %swap3A_451 : vector<1x16xf32> to vector<16xf32>
        %swap3A_453 = vector.shape_cast %mul3A_448 : vector<16xf32> to vector<1x16xf32>
        tpu.vector_store %arg8[%swap3A_449, %swap3A_450], %swap3A_453 {strides = array<i32>} : memref<32x512xf32, #tpu.memory_space<vmem>>, vector<1x16xf32>,
        %get3A_454 = arith.index_cast %scan3A_227 : i32 to index
        %get3A_455 = arith.constant 304 : index
        %get3A_456 = tpu.vector_load %arg8[%get3A_454, %get3A_455] {strides = array<i32>} : memref<32x512xf32, #tpu.memory_space<vmem>>, vector<1x16xf32>,
        %get3A_457 = vector.shape_cast %get3A_456 : vector<1x16xf32> to vector<16xf32>
        %mul3A_458 = arith.constant 22.6274166 : f32
        %mul3A_459 = vector.broadcast %mul3A_458 : f32 to vector<16xf32>
        %mul3A_460 = arith.mulf %get3A_457, %mul3A_459 : vector<16xf32>
        %swap3A_461 = arith.index_cast %scan3A_227 : i32 to index
        %swap3A_462 = arith.constant 304 : index
        %swap3A_463 = tpu.vector_load %arg8[%swap3A_461, %swap3A_462] {strides = array<i32>} : memref<32x512xf32, #tpu.memory_space<vmem>>, vector<1x16xf32>,
        %swap3A_464 = vector.shape_cast %swap3A_463 : vector<1x16xf32> to vector<16xf32>
        %swap3A_465 = vector.shape_cast %mul3A_460 : vector<16xf32> to vector<1x16xf32>
        tpu.vector_store %arg8[%swap3A_461, %swap3A_462], %swap3A_465 {strides = array<i32>} : memref<32x512xf32, #tpu.memory_space<vmem>>, vector<1x16xf32>,
        %get3A_466 = arith.index_cast %scan3A_227 : i32 to index
        %get3A_467 = arith.constant 320 : index
        %get3A_468 = tpu.vector_load %arg8[%get3A_466, %get3A_467] {strides = array<i32>} : memref<32x512xf32, #tpu.memory_space<vmem>>, vector<1x16xf32>,
        %get3A_469 = vector.shape_cast %get3A_468 : vector<1x16xf32> to vector<16xf32>
        %mul3A_470 = arith.constant 22.6274166 : f32
        %mul3A_471 = vector.broadcast %mul3A_470 : f32 to vector<16xf32>
        %mul3A_472 = arith.mulf %get3A_469, %mul3A_471 : vector<16xf32>
        %swap3A_473 = arith.index_cast %scan3A_227 : i32 to index
        %swap3A_474 = arith.constant 320 : index
        %swap3A_475 = tpu.vector_load %arg8[%swap3A_473, %swap3A_474] {strides = array<i32>} : memref<32x512xf32, #tpu.memory_space<vmem>>, vector<1x16xf32>,
        %swap3A_476 = vector.shape_cast %swap3A_475 : vector<1x16xf32> to vector<16xf32>
        %swap3A_477 = vector.shape_cast %mul3A_472 : vector<16xf32> to vector<1x16xf32>
        tpu.vector_store %arg8[%swap3A_473, %swap3A_474], %swap3A_477 {strides = array<i32>} : memref<32x512xf32, #tpu.memory_space<vmem>>, vector<1x16xf32>,
        %get3A_478 = arith.index_cast %scan3A_227 : i32 to index
        %get3A_479 = arith.constant 336 : index
        %get3A_480 = tpu.vector_load %arg8[%get3A_478, %get3A_479] {strides = array<i32>} : memref<32x512xf32, #tpu.memory_space<vmem>>, vector<1x16xf32>,
        %get3A_481 = vector.shape_cast %get3A_480 : vector<1x16xf32> to vector<16xf32>
        %mul3A_482 = arith.constant 22.6274166 : f32
        %mul3A_483 = vector.broadcast %mul3A_482 : f32 to vector<16xf32>
        %mul3A_484 = arith.mulf %get3A_481, %mul3A_483 : vector<16xf32>
        %swap3A_485 = arith.index_cast %scan3A_227 : i32 to index
        %swap3A_486 = arith.constant 336 : index
        %swap3A_487 = tpu.vector_load %arg8[%swap3A_485, %swap3A_486] {strides = array<i32>} : memref<32x512xf32, #tpu.memory_space<vmem>>, vector<1x16xf32>,
        %swap3A_488 = vector.shape_cast %swap3A_487 : vector<1x16xf32> to vector<16xf32>
        %swap3A_489 = vector.shape_cast %mul3A_484 : vector<16xf32> to vector<1x16xf32>
        tpu.vector_store %arg8[%swap3A_485, %swap3A_486], %swap3A_489 {strides = array<i32>} : memref<32x512xf32, #tpu.memory_space<vmem>>, vector<1x16xf32>,
        %get3A_490 = arith.index_cast %scan3A_227 : i32 to index
        %get3A_491 = arith.constant 352 : index
        %get3A_492 = tpu.vector_load %arg8[%get3A_490, %get3A_491] {strides = array<i32>} : memref<32x512xf32, #tpu.memory_space<vmem>>, vector<1x16xf32>,
        %get3A_493 = vector.shape_cast %get3A_492 : vector<1x16xf32> to vector<16xf32>
        %mul3A_494 = arith.constant 22.6274166 : f32
        %mul3A_495 = vector.broadcast %mul3A_494 : f32 to vector<16xf32>
        %mul3A_496 = arith.mulf %get3A_493, %mul3A_495 : vector<16xf32>
        %swap3A_497 = arith.index_cast %scan3A_227 : i32 to index
        %swap3A_498 = arith.constant 352 : index
        %swap3A_499 = tpu.vector_load %arg8[%swap3A_497, %swap3A_498] {strides = array<i32>} : memref<32x512xf32, #tpu.memory_space<vmem>>, vector<1x16xf32>,
        %swap3A_500 = vector.shape_cast %swap3A_499 : vector<1x16xf32> to vector<16xf32>
        %swap3A_501 = vector.shape_cast %mul3A_496 : vector<16xf32> to vector<1x16xf32>
        tpu.vector_store %arg8[%swap3A_497, %swap3A_498], %swap3A_501 {strides = array<i32>} : memref<32x512xf32, #tpu.memory_space<vmem>>, vector<1x16xf32>,
        %get3A_502 = arith.index_cast %scan3A_227 : i32 to index
        %get3A_503 = arith.constant 368 : index
        %get3A_504 = tpu.vector_load %arg8[%get3A_502, %get3A_503] {strides = array<i32>} : memref<32x512xf32, #tpu.memory_space<vmem>>, vector<1x16xf32>,
        %get3A_505 = vector.shape_cast %get3A_504 : vector<1x16xf32> to vector<16xf32>
        %mul3A_506 = arith.constant 22.6274166 : f32
        %mul3A_507 = vector.broadcast %mul3A_506 : f32 to vector<16xf32>
        %mul3A_508 = arith.mulf %get3A_505, %mul3A_507 : vector<16xf32>
        %swap3A_509 = arith.index_cast %scan3A_227 : i32 to index
        %swap3A_510 = arith.constant 368 : index
        %swap3A_511 = tpu.vector_load %arg8[%swap3A_509, %swap3A_510] {strides = array<i32>} : memref<32x512xf32, #tpu.memory_space<vmem>>, vector<1x16xf32>,
        %swap3A_512 = vector.shape_cast %swap3A_511 : vector<1x16xf32> to vector<16xf32>
        %swap3A_513 = vector.shape_cast %mul3A_508 : vector<16xf32> to vector<1x16xf32>
        tpu.vector_store %arg8[%swap3A_509, %swap3A_510], %swap3A_513 {strides = array<i32>} : memref<32x512xf32, #tpu.memory_space<vmem>>, vector<1x16xf32>,
        %get3A_514 = arith.index_cast %scan3A_227 : i32 to index
        %get3A_515 = arith.constant 384 : index
        %get3A_516 = tpu.vector_load %arg8[%get3A_514, %get3A_515] {strides = array<i32>} : memref<32x512xf32, #tpu.memory_space<vmem>>, vector<1x16xf32>,
        %get3A_517 = vector.shape_cast %get3A_516 : vector<1x16xf32> to vector<16xf32>
        %mul3A_518 = arith.constant 22.6274166 : f32
        %mul3A_519 = vector.broadcast %mul3A_518 : f32 to vector<16xf32>
        %mul3A_520 = arith.mulf %get3A_517, %mul3A_519 : vector<16xf32>
        %swap3A_521 = arith.index_cast %scan3A_227 : i32 to index
        %swap3A_522 = arith.constant 384 : index
        %swap3A_523 = tpu.vector_load %arg8[%swap3A_521, %swap3A_522] {strides = array<i32>} : memref<32x512xf32, #tpu.memory_space<vmem>>, vector<1x16xf32>,
        %swap3A_524 = vector.shape_cast %swap3A_523 : vector<1x16xf32> to vector<16xf32>
        %swap3A_525 = vector.shape_cast %mul3A_520 : vector<16xf32> to vector<1x16xf32>
        tpu.vector_store %arg8[%swap3A_521, %swap3A_522], %swap3A_525 {strides = array<i32>} : memref<32x512xf32, #tpu.memory_space<vmem>>, vector<1x16xf32>,
        %get3A_526 = arith.index_cast %scan3A_227 : i32 to index
        %get3A_527 = arith.constant 400 : index
        %get3A_528 = tpu.vector_load %arg8[%get3A_526, %get3A_527] {strides = array<i32>} : memref<32x512xf32, #tpu.memory_space<vmem>>, vector<1x16xf32>,
        %get3A_529 = vector.shape_cast %get3A_528 : vector<1x16xf32> to vector<16xf32>
        %mul3A_530 = arith.constant 22.6274166 : f32
        %mul3A_531 = vector.broadcast %mul3A_530 : f32 to vector<16xf32>
        %mul3A_532 = arith.mulf %get3A_529, %mul3A_531 : vector<16xf32>
        %swap3A_533 = arith.index_cast %scan3A_227 : i32 to index
        %swap3A_534 = arith.constant 400 : index
        %swap3A_535 = tpu.vector_load %arg8[%swap3A_533, %swap3A_534] {strides = array<i32>} : memref<32x512xf32, #tpu.memory_space<vmem>>, vector<1x16xf32>,
        %swap3A_536 = vector.shape_cast %swap3A_535 : vector<1x16xf32> to vector<16xf32>
        %swap3A_537 = vector.shape_cast %mul3A_532 : vector<16xf32> to vector<1x16xf32>
        tpu.vector_store %arg8[%swap3A_533, %swap3A_534], %swap3A_537 {strides = array<i32>} : memref<32x512xf32, #tpu.memory_space<vmem>>, vector<1x16xf32>,
        %get3A_538 = arith.index_cast %scan3A_227 : i32 to index
        %get3A_539 = arith.constant 416 : index
        %get3A_540 = tpu.vector_load %arg8[%get3A_538, %get3A_539] {strides = array<i32>} : memref<32x512xf32, #tpu.memory_space<vmem>>, vector<1x16xf32>,
        %get3A_541 = vector.shape_cast %get3A_540 : vector<1x16xf32> to vector<16xf32>
        %mul3A_542 = arith.constant 22.6274166 : f32
        %mul3A_543 = vector.broadcast %mul3A_542 : f32 to vector<16xf32>
        %mul3A_544 = arith.mulf %get3A_541, %mul3A_543 : vector<16xf32>
        %swap3A_545 = arith.index_cast %scan3A_227 : i32 to index
        %swap3A_546 = arith.constant 416 : index
        %swap3A_547 = tpu.vector_load %arg8[%swap3A_545, %swap3A_546] {strides = array<i32>} : memref<32x512xf32, #tpu.memory_space<vmem>>, vector<1x16xf32>,
        %swap3A_548 = vector.shape_cast %swap3A_547 : vector<1x16xf32> to vector<16xf32>
        %swap3A_549 = vector.shape_cast %mul3A_544 : vector<16xf32> to vector<1x16xf32>
        tpu.vector_store %arg8[%swap3A_545, %swap3A_546], %swap3A_549 {strides = array<i32>} : memref<32x512xf32, #tpu.memory_space<vmem>>, vector<1x16xf32>,
        %get3A_550 = arith.index_cast %scan3A_227 : i32 to index
        %get3A_551 = arith.constant 432 : index
        %get3A_552 = tpu.vector_load %arg8[%get3A_550, %get3A_551] {strides = array<i32>} : memref<32x512xf32, #tpu.memory_space<vmem>>, vector<1x16xf32>,
        %get3A_553 = vector.shape_cast %get3A_552 : vector<1x16xf32> to vector<16xf32>
        %mul3A_554 = arith.constant 22.6274166 : f32
        %mul3A_555 = vector.broadcast %mul3A_554 : f32 to vector<16xf32>
        %mul3A_556 = arith.mulf %get3A_553, %mul3A_555 : vector<16xf32>
        %swap3A_557 = arith.index_cast %scan3A_227 : i32 to index
        %swap3A_558 = arith.constant 432 : index
        %swap3A_559 = tpu.vector_load %arg8[%swap3A_557, %swap3A_558] {strides = array<i32>} : memref<32x512xf32, #tpu.memory_space<vmem>>, vector<1x16xf32>,
        %swap3A_560 = vector.shape_cast %swap3A_559 : vector<1x16xf32> to vector<16xf32>
        %swap3A_561 = vector.shape_cast %mul3A_556 : vector<16xf32> to vector<1x16xf32>
        tpu.vector_store %arg8[%swap3A_557, %swap3A_558], %swap3A_561 {strides = array<i32>} : memref<32x512xf32, #tpu.memory_space<vmem>>, vector<1x16xf32>,
        %get3A_562 = arith.index_cast %scan3A_227 : i32 to index
        %get3A_563 = arith.constant 448 : index
        %get3A_564 = tpu.vector_load %arg8[%get3A_562, %get3A_563] {strides = array<i32>} : memref<32x512xf32, #tpu.memory_space<vmem>>, vector<1x16xf32>,
        %get3A_565 = vector.shape_cast %get3A_564 : vector<1x16xf32> to vector<16xf32>
        %mul3A_566 = arith.constant 22.6274166 : f32
        %mul3A_567 = vector.broadcast %mul3A_566 : f32 to vector<16xf32>
        %mul3A_568 = arith.mulf %get3A_565, %mul3A_567 : vector<16xf32>
        %swap3A_569 = arith.index_cast %scan3A_227 : i32 to index
        %swap3A_570 = arith.constant 448 : index
        %swap3A_571 = tpu.vector_load %arg8[%swap3A_569, %swap3A_570] {strides = array<i32>} : memref<32x512xf32, #tpu.memory_space<vmem>>, vector<1x16xf32>,
        %swap3A_572 = vector.shape_cast %swap3A_571 : vector<1x16xf32> to vector<16xf32>
        %swap3A_573 = vector.shape_cast %mul3A_568 : vector<16xf32> to vector<1x16xf32>
        tpu.vector_store %arg8[%swap3A_569, %swap3A_570], %swap3A_573 {strides = array<i32>} : memref<32x512xf32, #tpu.memory_space<vmem>>, vector<1x16xf32>,
        %get3A_574 = arith.index_cast %scan3A_227 : i32 to index
        %get3A_575 = arith.constant 464 : index
        %get3A_576 = tpu.vector_load %arg8[%get3A_574, %get3A_575] {strides = array<i32>} : memref<32x512xf32, #tpu.memory_space<vmem>>, vector<1x16xf32>,
        %get3A_577 = vector.shape_cast %get3A_576 : vector<1x16xf32> to vector<16xf32>
        %mul3A_578 = arith.constant 22.6274166 : f32
        %mul3A_579 = vector.broadcast %mul3A_578 : f32 to vector<16xf32>
        %mul3A_580 = arith.mulf %get3A_577, %mul3A_579 : vector<16xf32>
        %swap3A_581 = arith.index_cast %scan3A_227 : i32 to index
        %swap3A_582 = arith.constant 464 : index
        %swap3A_583 = tpu.vector_load %arg8[%swap3A_581, %swap3A_582] {strides = array<i32>} : memref<32x512xf32, #tpu.memory_space<vmem>>, vector<1x16xf32>,
        %swap3A_584 = vector.shape_cast %swap3A_583 : vector<1x16xf32> to vector<16xf32>
        %swap3A_585 = vector.shape_cast %mul3A_580 : vector<16xf32> to vector<1x16xf32>
        tpu.vector_store %arg8[%swap3A_581, %swap3A_582], %swap3A_585 {strides = array<i32>} : memref<32x512xf32, #tpu.memory_space<vmem>>, vector<1x16xf32>,
        %get3A_586 = arith.index_cast %scan3A_227 : i32 to index
        %get3A_587 = arith.constant 480 : index
        %get3A_588 = tpu.vector_load %arg8[%get3A_586, %get3A_587] {strides = array<i32>} : memref<32x512xf32, #tpu.memory_space<vmem>>, vector<1x16xf32>,
        %get3A_589 = vector.shape_cast %get3A_588 : vector<1x16xf32> to vector<16xf32>
        %mul3A_590 = arith.constant 22.6274166 : f32
        %mul3A_591 = vector.broadcast %mul3A_590 : f32 to vector<16xf32>
        %mul3A_592 = arith.mulf %get3A_589, %mul3A_591 : vector<16xf32>
        %swap3A_593 = arith.index_cast %scan3A_227 : i32 to index
        %swap3A_594 = arith.constant 480 : index
        %swap3A_595 = tpu.vector_load %arg8[%swap3A_593, %swap3A_594] {strides = array<i32>} : memref<32x512xf32, #tpu.memory_space<vmem>>, vector<1x16xf32>,
        %swap3A_596 = vector.shape_cast %swap3A_595 : vector<1x16xf32> to vector<16xf32>
        %swap3A_597 = vector.shape_cast %mul3A_592 : vector<16xf32> to vector<1x16xf32>
        tpu.vector_store %arg8[%swap3A_593, %swap3A_594], %swap3A_597 {strides = array<i32>} : memref<32x512xf32, #tpu.memory_space<vmem>>, vector<1x16xf32>,
        %get3A_598 = arith.index_cast %scan3A_227 : i32 to index
        %get3A_599 = arith.constant 496 : index
        %get3A_600 = tpu.vector_load %arg8[%get3A_598, %get3A_599] {strides = array<i32>} : memref<32x512xf32, #tpu.memory_space<vmem>>, vector<1x16xf32>,
        %get3A_601 = vector.shape_cast %get3A_600 : vector<1x16xf32> to vector<16xf32>
        %mul3A_602 = arith.constant 22.6274166 : f32
        %mul3A_603 = vector.broadcast %mul3A_602 : f32 to vector<16xf32>
        %mul3A_604 = arith.mulf %get3A_601, %mul3A_603 : vector<16xf32>
        %swap3A_605 = arith.index_cast %scan3A_227 : i32 to index
        %swap3A_606 = arith.constant 496 : index
        %swap3A_607 = tpu.vector_load %arg8[%swap3A_605, %swap3A_606] {strides = array<i32>} : memref<32x512xf32, #tpu.memory_space<vmem>>, vector<1x16xf32>,
        %swap3A_608 = vector.shape_cast %swap3A_607 : vector<1x16xf32> to vector<16xf32>
        %swap3A_609 = vector.shape_cast %mul3A_604 : vector<16xf32> to vector<1x16xf32>
        tpu.vector_store %arg8[%swap3A_605, %swap3A_606], %swap3A_609 {strides = array<i32>} : memref<32x512xf32, #tpu.memory_space<vmem>>, vector<1x16xf32>,
      }
      %scan3A_172 = arith.constant 32 : i32
      %mul3A_173 = arith.constant 32 : i32
      %mul3A_174 = arith.muli %add3A_142, %mul3A_173 : i32
      %add3A_175 = arith.addi %mul3A_32, %mul3A_174 : i32
      %multiple_of3A_176 = tpu.assume_multiple %add3A_175, 32 : i32
      %dma_start3A_177 = arith.constant 0 : i32
      %dma_start3A_178 = tpu.memref_slice %arg4[%select_n3A, %multiple_of3A_176, %dma_start3A_177] : memref<4x8192x512xf32, #tpu.memory_space<hbm>> -> memref<1x32x512xf32, #tpu.memory_space<hbm>>
      %dma_start3A_179 = tpu.memref_squeeze %dma_start3A_178 : memref<1x32x512xf32, #tpu.memory_space<hbm>> -> memref<32x512xf32, #tpu.memory_space<hbm>>
      %dma_start3A_180 = arith.constant 0 : i32
      %dma_start3A_181 = tpu.memref_slice %arg4[%select_n3A, %multiple_of3A_176, %dma_start3A_180] : memref<4x8192x512xf32, #tpu.memory_space<hbm>> -> memref<1x32x512xf32, #tpu.memory_space<hbm>>
      %dma_start3A_182 = tpu.memref_squeeze %dma_start3A_181 : memref<1x32x512xf32, #tpu.memory_space<hbm>> -> memref<32x512xf32, #tpu.memory_space<hbm>>
      tpu.enqueue_dma source(%arg8 : memref<32x512xf32, #tpu.memory_space<vmem>>) target(%dma_start3A_182 : memref<32x512xf32, #tpu.memory_space<hbm>>) target_semaphore(%arg16 : memref<!tpu.dma_semaphore, #tpu.memory_space<semaphore_mem>>)
      %mul3A_183 = arith.constant 4 : i32
      %mul3A_184 = arith.muli %scan3A_77, %mul3A_183 : i32
      %add3A_185 = arith.constant 3 : i32
      %add3A_186 = arith.addi %mul3A_184, %add3A_185 : i32
      %sub3A_187 = arith.constant 2 : i32
      %sub3A_188 = arith.subi %add3A_186, %sub3A_187 : i32
      %mul3A_189 = arith.constant 32 : i32
      %mul3A_190 = arith.muli %sub3A_188, %mul3A_189 : i32
      %add3A_191 = arith.addi %mul3A_32, %mul3A_190 : i32
      %multiple_of3A_192 = tpu.assume_multiple %add3A_191, 32 : i32
      %dma_wait3A_193 = arith.constant 0 : i32
      %dma_wait3A_194 = tpu.memref_slice %arg4[%select_n3A, %multiple_of3A_192, %dma_wait3A_193] : memref<4x8192x512xf32, #tpu.memory_space<hbm>> -> memref<1x32x512xf32, #tpu.memory_space<hbm>>
      %dma_wait3A_195 = tpu.memref_squeeze %dma_wait3A_194 : memref<1x32x512xf32, #tpu.memory_space<hbm>> -> memref<32x512xf32, #tpu.memory_space<hbm>>
      %dma_wait3A_196 = arith.constant 0 : i32
      %dma_wait3A_197 = tpu.memref_slice %arg4[%select_n3A, %multiple_of3A_192, %dma_wait3A_196] : memref<4x8192x512xf32, #tpu.memory_space<hbm>> -> memref<1x32x512xf32, #tpu.memory_space<hbm>>
      %dma_wait3A_198 = tpu.memref_squeeze %dma_wait3A_197 : memref<1x32x512xf32, #tpu.memory_space<hbm>> -> memref<32x512xf32, #tpu.memory_space<hbm>>
      tpu.wait_dma2 semaphore(%arg15 : memref<!tpu.dma_semaphore, #tpu.memory_space<semaphore_mem>>) src(%arg7 : memref<32x512xf32, #tpu.memory_space<vmem>>) dst(%dma_wait3A_198 : memref<32x512xf32, #tpu.memory_space<hbm>>)
      %lt3A_199 = arith.constant 7 : i32
      %lt3A_200 = arith.cmpi slt, %scan3A_77, %lt3A_199 : i32
      %convert_element_type3A_201 = arith.extui %lt3A_200 : i1 to i32
      %cond3A_202 = arith.constant 0 : i32
      %cond3A_203 = arith.cmpi ne, %convert_element_type3A_201, %cond3A_202 : i32
      scf.if %cond3A_203 {
        %add3A_227 = arith.constant 2 : i32
        %add3A_228 = arith.addi %add3A_186, %add3A_227 : i32
        %mul3A_229 = arith.constant 32 : i32
        %mul3A_230 = arith.muli %add3A_228, %mul3A_229 : i32
        %multiple_of3A_231 = tpu.assume_multiple %mul3A_230, 32 : i32
        %dma_start3A_232 = tpu.memref_slice %arg5[%multiple_of3A_231] : memref<1024xi32, #tpu.memory_space<vmem>> -> memref<32xi32, #tpu.memory_space<vmem>>
        %dma_start3A_233 = arith.constant 0 : i32
        %dma_start3A_234 = arith.constant 0 : i32
        %dma_start3A_235 = tpu.memref_slice %arg3[%dma_start3A_233, %dma_start3A_234] : memref<25002x512xf32, #tpu.memory_space<hbm>> -> memref<25002x512xf32, #tpu.memory_space<hbm>>
        tpu.enqueue_indirect_dma source(%dma_start3A_235 : memref<25002x512xf32, #tpu.memory_space<hbm>>) target(%arg7 : memref<32x512xf32, #tpu.memory_space<vmem>>) offsets(%dma_start3A_232 : memref<32xi32, #tpu.memory_space<vmem>>) semaphore(%arg11 : memref<!tpu.dma_semaphore, #tpu.memory_space<semaphore_mem>>)
      } else {
      }
      %mul3A_204 = arith.constant 32 : i32
      %mul3A_205 = arith.muli %add3A_186, %mul3A_204 : i32
      %multiple_of3A_206 = tpu.assume_multiple %mul3A_205, 32 : i32
      %dma_wait3A_207 = tpu.memref_slice %arg5[%multiple_of3A_206] : memref<1024xi32, #tpu.memory_space<vmem>> -> memref<32xi32, #tpu.memory_space<vmem>>
      %dma_wait3A_208 = arith.constant 0 : i32
      %dma_wait3A_209 = arith.constant 0 : i32
      %dma_wait3A_210 = tpu.memref_slice %arg3[%dma_wait3A_208, %dma_wait3A_209] : memref<25002x512xf32, #tpu.memory_space<hbm>> -> memref<25002x512xf32, #tpu.memory_space<hbm>>
      tpu.wait_indirect_dma semaphore(%arg13 : memref<!tpu.dma_semaphore, #tpu.memory_space<semaphore_mem>>) src(%dma_wait3A_210 : memref<25002x512xf32, #tpu.memory_space<hbm>>) dst(%arg9 : memref<32x512xf32, #tpu.memory_space<vmem>>)
      %scan3A_211 = arith.constant 0 : i32
      %scan3A_212 = arith.constant 0 : i32
      %scan3A_213 = arith.constant 32 : i32
      %scan3A_214 = arith.addi %scan3A_212, %scan3A_213 : i32
      %scan3A_215 = arith.constant 1 : i32
      scf.for %scan3A_227 = %scan3A_212 to %scan3A_214 step %scan3A_215  : i32 {
        %get3A = arith.index_cast %scan3A_227 : i32 to index
        %get3A_228 = arith.constant 0 : index
        %get3A_229 = tpu.vector_load %arg9[%get3A, %get3A_228] {strides = array<i32>} : memref<32x512xf32, #tpu.memory_space<vmem>>, vector<1x16xf32>,
        %get3A_230 = vector.shape_cast %get3A_229 : vector<1x16xf32> to vector<16xf32>
        %mul3A_231 = arith.constant 22.6274166 : f32
        %mul3A_232 = vector.broadcast %mul3A_231 : f32 to vector<16xf32>
        %mul3A_233 = arith.mulf %get3A_230, %mul3A_232 : vector<16xf32>
        %swap3A = arith.index_cast %scan3A_227 : i32 to index
        %swap3A_234 = arith.constant 0 : index
        %swap3A_235 = tpu.vector_load %arg9[%swap3A, %swap3A_234] {strides = array<i32>} : memref<32x512xf32, #tpu.memory_space<vmem>>, vector<1x16xf32>,
        %swap3A_236 = vector.shape_cast %swap3A_235 : vector<1x16xf32> to vector<16xf32>
        %swap3A_237 = vector.shape_cast %mul3A_233 : vector<16xf32> to vector<1x16xf32>
        tpu.vector_store %arg9[%swap3A, %swap3A_234], %swap3A_237 {strides = array<i32>} : memref<32x512xf32, #tpu.memory_space<vmem>>, vector<1x16xf32>,
        %get3A_238 = arith.index_cast %scan3A_227 : i32 to index
        %get3A_239 = arith.constant 16 : index
        %get3A_240 = tpu.vector_load %arg9[%get3A_238, %get3A_239] {strides = array<i32>} : memref<32x512xf32, #tpu.memory_space<vmem>>, vector<1x16xf32>,
        %get3A_241 = vector.shape_cast %get3A_240 : vector<1x16xf32> to vector<16xf32>
        %mul3A_242 = arith.constant 22.6274166 : f32
        %mul3A_243 = vector.broadcast %mul3A_242 : f32 to vector<16xf32>
        %mul3A_244 = arith.mulf %get3A_241, %mul3A_243 : vector<16xf32>
        %swap3A_245 = arith.index_cast %scan3A_227 : i32 to index
        %swap3A_246 = arith.constant 16 : index
        %swap3A_247 = tpu.vector_load %arg9[%swap3A_245, %swap3A_246] {strides = array<i32>} : memref<32x512xf32, #tpu.memory_space<vmem>>, vector<1x16xf32>,
        %swap3A_248 = vector.shape_cast %swap3A_247 : vector<1x16xf32> to vector<16xf32>
        %swap3A_249 = vector.shape_cast %mul3A_244 : vector<16xf32> to vector<1x16xf32>
        tpu.vector_store %arg9[%swap3A_245, %swap3A_246], %swap3A_249 {strides = array<i32>} : memref<32x512xf32, #tpu.memory_space<vmem>>, vector<1x16xf32>,
        %get3A_250 = arith.index_cast %scan3A_227 : i32 to index
        %get3A_251 = arith.constant 32 : index
        %get3A_252 = tpu.vector_load %arg9[%get3A_250, %get3A_251] {strides = array<i32>} : memref<32x512xf32, #tpu.memory_space<vmem>>, vector<1x16xf32>,
        %get3A_253 = vector.shape_cast %get3A_252 : vector<1x16xf32> to vector<16xf32>
        %mul3A_254 = arith.constant 22.6274166 : f32
        %mul3A_255 = vector.broadcast %mul3A_254 : f32 to vector<16xf32>
        %mul3A_256 = arith.mulf %get3A_253, %mul3A_255 : vector<16xf32>
        %swap3A_257 = arith.index_cast %scan3A_227 : i32 to index
        %swap3A_258 = arith.constant 32 : index
        %swap3A_259 = tpu.vector_load %arg9[%swap3A_257, %swap3A_258] {strides = array<i32>} : memref<32x512xf32, #tpu.memory_space<vmem>>, vector<1x16xf32>,
        %swap3A_260 = vector.shape_cast %swap3A_259 : vector<1x16xf32> to vector<16xf32>
        %swap3A_261 = vector.shape_cast %mul3A_256 : vector<16xf32> to vector<1x16xf32>
        tpu.vector_store %arg9[%swap3A_257, %swap3A_258], %swap3A_261 {strides = array<i32>} : memref<32x512xf32, #tpu.memory_space<vmem>>, vector<1x16xf32>,
        %get3A_262 = arith.index_cast %scan3A_227 : i32 to index
        %get3A_263 = arith.constant 48 : index
        %get3A_264 = tpu.vector_load %arg9[%get3A_262, %get3A_263] {strides = array<i32>} : memref<32x512xf32, #tpu.memory_space<vmem>>, vector<1x16xf32>,
        %get3A_265 = vector.shape_cast %get3A_264 : vector<1x16xf32> to vector<16xf32>
        %mul3A_266 = arith.constant 22.6274166 : f32
        %mul3A_267 = vector.broadcast %mul3A_266 : f32 to vector<16xf32>
        %mul3A_268 = arith.mulf %get3A_265, %mul3A_267 : vector<16xf32>
        %swap3A_269 = arith.index_cast %scan3A_227 : i32 to index
        %swap3A_270 = arith.constant 48 : index
        %swap3A_271 = tpu.vector_load %arg9[%swap3A_269, %swap3A_270] {strides = array<i32>} : memref<32x512xf32, #tpu.memory_space<vmem>>, vector<1x16xf32>,
        %swap3A_272 = vector.shape_cast %swap3A_271 : vector<1x16xf32> to vector<16xf32>
        %swap3A_273 = vector.shape_cast %mul3A_268 : vector<16xf32> to vector<1x16xf32>
        tpu.vector_store %arg9[%swap3A_269, %swap3A_270], %swap3A_273 {strides = array<i32>} : memref<32x512xf32, #tpu.memory_space<vmem>>, vector<1x16xf32>,
        %get3A_274 = arith.index_cast %scan3A_227 : i32 to index
        %get3A_275 = arith.constant 64 : index
        %get3A_276 = tpu.vector_load %arg9[%get3A_274, %get3A_275] {strides = array<i32>} : memref<32x512xf32, #tpu.memory_space<vmem>>, vector<1x16xf32>,
        %get3A_277 = vector.shape_cast %get3A_276 : vector<1x16xf32> to vector<16xf32>
        %mul3A_278 = arith.constant 22.6274166 : f32
        %mul3A_279 = vector.broadcast %mul3A_278 : f32 to vector<16xf32>
        %mul3A_280 = arith.mulf %get3A_277, %mul3A_279 : vector<16xf32>
        %swap3A_281 = arith.index_cast %scan3A_227 : i32 to index
        %swap3A_282 = arith.constant 64 : index
        %swap3A_283 = tpu.vector_load %arg9[%swap3A_281, %swap3A_282] {strides = array<i32>} : memref<32x512xf32, #tpu.memory_space<vmem>>, vector<1x16xf32>,
        %swap3A_284 = vector.shape_cast %swap3A_283 : vector<1x16xf32> to vector<16xf32>
        %swap3A_285 = vector.shape_cast %mul3A_280 : vector<16xf32> to vector<1x16xf32>
        tpu.vector_store %arg9[%swap3A_281, %swap3A_282], %swap3A_285 {strides = array<i32>} : memref<32x512xf32, #tpu.memory_space<vmem>>, vector<1x16xf32>,
        %get3A_286 = arith.index_cast %scan3A_227 : i32 to index
        %get3A_287 = arith.constant 80 : index
        %get3A_288 = tpu.vector_load %arg9[%get3A_286, %get3A_287] {strides = array<i32>} : memref<32x512xf32, #tpu.memory_space<vmem>>, vector<1x16xf32>,
        %get3A_289 = vector.shape_cast %get3A_288 : vector<1x16xf32> to vector<16xf32>
        %mul3A_290 = arith.constant 22.6274166 : f32
        %mul3A_291 = vector.broadcast %mul3A_290 : f32 to vector<16xf32>
        %mul3A_292 = arith.mulf %get3A_289, %mul3A_291 : vector<16xf32>
        %swap3A_293 = arith.index_cast %scan3A_227 : i32 to index
        %swap3A_294 = arith.constant 80 : index
        %swap3A_295 = tpu.vector_load %arg9[%swap3A_293, %swap3A_294] {strides = array<i32>} : memref<32x512xf32, #tpu.memory_space<vmem>>, vector<1x16xf32>,
        %swap3A_296 = vector.shape_cast %swap3A_295 : vector<1x16xf32> to vector<16xf32>
        %swap3A_297 = vector.shape_cast %mul3A_292 : vector<16xf32> to vector<1x16xf32>
        tpu.vector_store %arg9[%swap3A_293, %swap3A_294], %swap3A_297 {strides = array<i32>} : memref<32x512xf32, #tpu.memory_space<vmem>>, vector<1x16xf32>,
        %get3A_298 = arith.index_cast %scan3A_227 : i32 to index
        %get3A_299 = arith.constant 96 : index
        %get3A_300 = tpu.vector_load %arg9[%get3A_298, %get3A_299] {strides = array<i32>} : memref<32x512xf32, #tpu.memory_space<vmem>>, vector<1x16xf32>,
        %get3A_301 = vector.shape_cast %get3A_300 : vector<1x16xf32> to vector<16xf32>
        %mul3A_302 = arith.constant 22.6274166 : f32
        %mul3A_303 = vector.broadcast %mul3A_302 : f32 to vector<16xf32>
        %mul3A_304 = arith.mulf %get3A_301, %mul3A_303 : vector<16xf32>
        %swap3A_305 = arith.index_cast %scan3A_227 : i32 to index
        %swap3A_306 = arith.constant 96 : index
        %swap3A_307 = tpu.vector_load %arg9[%swap3A_305, %swap3A_306] {strides = array<i32>} : memref<32x512xf32, #tpu.memory_space<vmem>>, vector<1x16xf32>,
        %swap3A_308 = vector.shape_cast %swap3A_307 : vector<1x16xf32> to vector<16xf32>
        %swap3A_309 = vector.shape_cast %mul3A_304 : vector<16xf32> to vector<1x16xf32>
        tpu.vector_store %arg9[%swap3A_305, %swap3A_306], %swap3A_309 {strides = array<i32>} : memref<32x512xf32, #tpu.memory_space<vmem>>, vector<1x16xf32>,
        %get3A_310 = arith.index_cast %scan3A_227 : i32 to index
        %get3A_311 = arith.constant 112 : index
        %get3A_312 = tpu.vector_load %arg9[%get3A_310, %get3A_311] {strides = array<i32>} : memref<32x512xf32, #tpu.memory_space<vmem>>, vector<1x16xf32>,
        %get3A_313 = vector.shape_cast %get3A_312 : vector<1x16xf32> to vector<16xf32>
        %mul3A_314 = arith.constant 22.6274166 : f32
        %mul3A_315 = vector.broadcast %mul3A_314 : f32 to vector<16xf32>
        %mul3A_316 = arith.mulf %get3A_313, %mul3A_315 : vector<16xf32>
        %swap3A_317 = arith.index_cast %scan3A_227 : i32 to index
        %swap3A_318 = arith.constant 112 : index
        %swap3A_319 = tpu.vector_load %arg9[%swap3A_317, %swap3A_318] {strides = array<i32>} : memref<32x512xf32, #tpu.memory_space<vmem>>, vector<1x16xf32>,
        %swap3A_320 = vector.shape_cast %swap3A_319 : vector<1x16xf32> to vector<16xf32>
        %swap3A_321 = vector.shape_cast %mul3A_316 : vector<16xf32> to vector<1x16xf32>
        tpu.vector_store %arg9[%swap3A_317, %swap3A_318], %swap3A_321 {strides = array<i32>} : memref<32x512xf32, #tpu.memory_space<vmem>>, vector<1x16xf32>,
        %get3A_322 = arith.index_cast %scan3A_227 : i32 to index
        %get3A_323 = arith.constant 128 : index
        %get3A_324 = tpu.vector_load %arg9[%get3A_322, %get3A_323] {strides = array<i32>} : memref<32x512xf32, #tpu.memory_space<vmem>>, vector<1x16xf32>,
        %get3A_325 = vector.shape_cast %get3A_324 : vector<1x16xf32> to vector<16xf32>
        %mul3A_326 = arith.constant 22.6274166 : f32
        %mul3A_327 = vector.broadcast %mul3A_326 : f32 to vector<16xf32>
        %mul3A_328 = arith.mulf %get3A_325, %mul3A_327 : vector<16xf32>
        %swap3A_329 = arith.index_cast %scan3A_227 : i32 to index
        %swap3A_330 = arith.constant 128 : index
        %swap3A_331 = tpu.vector_load %arg9[%swap3A_329, %swap3A_330] {strides = array<i32>} : memref<32x512xf32, #tpu.memory_space<vmem>>, vector<1x16xf32>,
        %swap3A_332 = vector.shape_cast %swap3A_331 : vector<1x16xf32> to vector<16xf32>
        %swap3A_333 = vector.shape_cast %mul3A_328 : vector<16xf32> to vector<1x16xf32>
        tpu.vector_store %arg9[%swap3A_329, %swap3A_330], %swap3A_333 {strides = array<i32>} : memref<32x512xf32, #tpu.memory_space<vmem>>, vector<1x16xf32>,
        %get3A_334 = arith.index_cast %scan3A_227 : i32 to index
        %get3A_335 = arith.constant 144 : index
        %get3A_336 = tpu.vector_load %arg9[%get3A_334, %get3A_335] {strides = array<i32>} : memref<32x512xf32, #tpu.memory_space<vmem>>, vector<1x16xf32>,
        %get3A_337 = vector.shape_cast %get3A_336 : vector<1x16xf32> to vector<16xf32>
        %mul3A_338 = arith.constant 22.6274166 : f32
        %mul3A_339 = vector.broadcast %mul3A_338 : f32 to vector<16xf32>
        %mul3A_340 = arith.mulf %get3A_337, %mul3A_339 : vector<16xf32>
        %swap3A_341 = arith.index_cast %scan3A_227 : i32 to index
        %swap3A_342 = arith.constant 144 : index
        %swap3A_343 = tpu.vector_load %arg9[%swap3A_341, %swap3A_342] {strides = array<i32>} : memref<32x512xf32, #tpu.memory_space<vmem>>, vector<1x16xf32>,
        %swap3A_344 = vector.shape_cast %swap3A_343 : vector<1x16xf32> to vector<16xf32>
        %swap3A_345 = vector.shape_cast %mul3A_340 : vector<16xf32> to vector<1x16xf32>
        tpu.vector_store %arg9[%swap3A_341, %swap3A_342], %swap3A_345 {strides = array<i32>} : memref<32x512xf32, #tpu.memory_space<vmem>>, vector<1x16xf32>,
        %get3A_346 = arith.index_cast %scan3A_227 : i32 to index
        %get3A_347 = arith.constant 160 : index
        %get3A_348 = tpu.vector_load %arg9[%get3A_346, %get3A_347] {strides = array<i32>} : memref<32x512xf32, #tpu.memory_space<vmem>>, vector<1x16xf32>,
        %get3A_349 = vector.shape_cast %get3A_348 : vector<1x16xf32> to vector<16xf32>
        %mul3A_350 = arith.constant 22.6274166 : f32
        %mul3A_351 = vector.broadcast %mul3A_350 : f32 to vector<16xf32>
        %mul3A_352 = arith.mulf %get3A_349, %mul3A_351 : vector<16xf32>
        %swap3A_353 = arith.index_cast %scan3A_227 : i32 to index
        %swap3A_354 = arith.constant 160 : index
        %swap3A_355 = tpu.vector_load %arg9[%swap3A_353, %swap3A_354] {strides = array<i32>} : memref<32x512xf32, #tpu.memory_space<vmem>>, vector<1x16xf32>,
        %swap3A_356 = vector.shape_cast %swap3A_355 : vector<1x16xf32> to vector<16xf32>
        %swap3A_357 = vector.shape_cast %mul3A_352 : vector<16xf32> to vector<1x16xf32>
        tpu.vector_store %arg9[%swap3A_353, %swap3A_354], %swap3A_357 {strides = array<i32>} : memref<32x512xf32, #tpu.memory_space<vmem>>, vector<1x16xf32>,
        %get3A_358 = arith.index_cast %scan3A_227 : i32 to index
        %get3A_359 = arith.constant 176 : index
        %get3A_360 = tpu.vector_load %arg9[%get3A_358, %get3A_359] {strides = array<i32>} : memref<32x512xf32, #tpu.memory_space<vmem>>, vector<1x16xf32>,
        %get3A_361 = vector.shape_cast %get3A_360 : vector<1x16xf32> to vector<16xf32>
        %mul3A_362 = arith.constant 22.6274166 : f32
        %mul3A_363 = vector.broadcast %mul3A_362 : f32 to vector<16xf32>
        %mul3A_364 = arith.mulf %get3A_361, %mul3A_363 : vector<16xf32>
        %swap3A_365 = arith.index_cast %scan3A_227 : i32 to index
        %swap3A_366 = arith.constant 176 : index
        %swap3A_367 = tpu.vector_load %arg9[%swap3A_365, %swap3A_366] {strides = array<i32>} : memref<32x512xf32, #tpu.memory_space<vmem>>, vector<1x16xf32>,
        %swap3A_368 = vector.shape_cast %swap3A_367 : vector<1x16xf32> to vector<16xf32>
        %swap3A_369 = vector.shape_cast %mul3A_364 : vector<16xf32> to vector<1x16xf32>
        tpu.vector_store %arg9[%swap3A_365, %swap3A_366], %swap3A_369 {strides = array<i32>} : memref<32x512xf32, #tpu.memory_space<vmem>>, vector<1x16xf32>,
        %get3A_370 = arith.index_cast %scan3A_227 : i32 to index
        %get3A_371 = arith.constant 192 : index
        %get3A_372 = tpu.vector_load %arg9[%get3A_370, %get3A_371] {strides = array<i32>} : memref<32x512xf32, #tpu.memory_space<vmem>>, vector<1x16xf32>,
        %get3A_373 = vector.shape_cast %get3A_372 : vector<1x16xf32> to vector<16xf32>
        %mul3A_374 = arith.constant 22.6274166 : f32
        %mul3A_375 = vector.broadcast %mul3A_374 : f32 to vector<16xf32>
        %mul3A_376 = arith.mulf %get3A_373, %mul3A_375 : vector<16xf32>
        %swap3A_377 = arith.index_cast %scan3A_227 : i32 to index
        %swap3A_378 = arith.constant 192 : index
        %swap3A_379 = tpu.vector_load %arg9[%swap3A_377, %swap3A_378] {strides = array<i32>} : memref<32x512xf32, #tpu.memory_space<vmem>>, vector<1x16xf32>,
        %swap3A_380 = vector.shape_cast %swap3A_379 : vector<1x16xf32> to vector<16xf32>
        %swap3A_381 = vector.shape_cast %mul3A_376 : vector<16xf32> to vector<1x16xf32>
        tpu.vector_store %arg9[%swap3A_377, %swap3A_378], %swap3A_381 {strides = array<i32>} : memref<32x512xf32, #tpu.memory_space<vmem>>, vector<1x16xf32>,
        %get3A_382 = arith.index_cast %scan3A_227 : i32 to index
        %get3A_383 = arith.constant 208 : index
        %get3A_384 = tpu.vector_load %arg9[%get3A_382, %get3A_383] {strides = array<i32>} : memref<32x512xf32, #tpu.memory_space<vmem>>, vector<1x16xf32>,
        %get3A_385 = vector.shape_cast %get3A_384 : vector<1x16xf32> to vector<16xf32>
        %mul3A_386 = arith.constant 22.6274166 : f32
        %mul3A_387 = vector.broadcast %mul3A_386 : f32 to vector<16xf32>
        %mul3A_388 = arith.mulf %get3A_385, %mul3A_387 : vector<16xf32>
        %swap3A_389 = arith.index_cast %scan3A_227 : i32 to index
        %swap3A_390 = arith.constant 208 : index
        %swap3A_391 = tpu.vector_load %arg9[%swap3A_389, %swap3A_390] {strides = array<i32>} : memref<32x512xf32, #tpu.memory_space<vmem>>, vector<1x16xf32>,
        %swap3A_392 = vector.shape_cast %swap3A_391 : vector<1x16xf32> to vector<16xf32>
        %swap3A_393 = vector.shape_cast %mul3A_388 : vector<16xf32> to vector<1x16xf32>
        tpu.vector_store %arg9[%swap3A_389, %swap3A_390], %swap3A_393 {strides = array<i32>} : memref<32x512xf32, #tpu.memory_space<vmem>>, vector<1x16xf32>,
        %get3A_394 = arith.index_cast %scan3A_227 : i32 to index
        %get3A_395 = arith.constant 224 : index
        %get3A_396 = tpu.vector_load %arg9[%get3A_394, %get3A_395] {strides = array<i32>} : memref<32x512xf32, #tpu.memory_space<vmem>>, vector<1x16xf32>,
        %get3A_397 = vector.shape_cast %get3A_396 : vector<1x16xf32> to vector<16xf32>
        %mul3A_398 = arith.constant 22.6274166 : f32
        %mul3A_399 = vector.broadcast %mul3A_398 : f32 to vector<16xf32>
        %mul3A_400 = arith.mulf %get3A_397, %mul3A_399 : vector<16xf32>
        %swap3A_401 = arith.index_cast %scan3A_227 : i32 to index
        %swap3A_402 = arith.constant 224 : index
        %swap3A_403 = tpu.vector_load %arg9[%swap3A_401, %swap3A_402] {strides = array<i32>} : memref<32x512xf32, #tpu.memory_space<vmem>>, vector<1x16xf32>,
        %swap3A_404 = vector.shape_cast %swap3A_403 : vector<1x16xf32> to vector<16xf32>
        %swap3A_405 = vector.shape_cast %mul3A_400 : vector<16xf32> to vector<1x16xf32>
        tpu.vector_store %arg9[%swap3A_401, %swap3A_402], %swap3A_405 {strides = array<i32>} : memref<32x512xf32, #tpu.memory_space<vmem>>, vector<1x16xf32>,
        %get3A_406 = arith.index_cast %scan3A_227 : i32 to index
        %get3A_407 = arith.constant 240 : index
        %get3A_408 = tpu.vector_load %arg9[%get3A_406, %get3A_407] {strides = array<i32>} : memref<32x512xf32, #tpu.memory_space<vmem>>, vector<1x16xf32>,
        %get3A_409 = vector.shape_cast %get3A_408 : vector<1x16xf32> to vector<16xf32>
        %mul3A_410 = arith.constant 22.6274166 : f32
        %mul3A_411 = vector.broadcast %mul3A_410 : f32 to vector<16xf32>
        %mul3A_412 = arith.mulf %get3A_409, %mul3A_411 : vector<16xf32>
        %swap3A_413 = arith.index_cast %scan3A_227 : i32 to index
        %swap3A_414 = arith.constant 240 : index
        %swap3A_415 = tpu.vector_load %arg9[%swap3A_413, %swap3A_414] {strides = array<i32>} : memref<32x512xf32, #tpu.memory_space<vmem>>, vector<1x16xf32>,
        %swap3A_416 = vector.shape_cast %swap3A_415 : vector<1x16xf32> to vector<16xf32>
        %swap3A_417 = vector.shape_cast %mul3A_412 : vector<16xf32> to vector<1x16xf32>
        tpu.vector_store %arg9[%swap3A_413, %swap3A_414], %swap3A_417 {strides = array<i32>} : memref<32x512xf32, #tpu.memory_space<vmem>>, vector<1x16xf32>,
        %get3A_418 = arith.index_cast %scan3A_227 : i32 to index
        %get3A_419 = arith.constant 256 : index
        %get3A_420 = tpu.vector_load %arg9[%get3A_418, %get3A_419] {strides = array<i32>} : memref<32x512xf32, #tpu.memory_space<vmem>>, vector<1x16xf32>,
        %get3A_421 = vector.shape_cast %get3A_420 : vector<1x16xf32> to vector<16xf32>
        %mul3A_422 = arith.constant 22.6274166 : f32
        %mul3A_423 = vector.broadcast %mul3A_422 : f32 to vector<16xf32>
        %mul3A_424 = arith.mulf %get3A_421, %mul3A_423 : vector<16xf32>
        %swap3A_425 = arith.index_cast %scan3A_227 : i32 to index
        %swap3A_426 = arith.constant 256 : index
        %swap3A_427 = tpu.vector_load %arg9[%swap3A_425, %swap3A_426] {strides = array<i32>} : memref<32x512xf32, #tpu.memory_space<vmem>>, vector<1x16xf32>,
        %swap3A_428 = vector.shape_cast %swap3A_427 : vector<1x16xf32> to vector<16xf32>
        %swap3A_429 = vector.shape_cast %mul3A_424 : vector<16xf32> to vector<1x16xf32>
        tpu.vector_store %arg9[%swap3A_425, %swap3A_426], %swap3A_429 {strides = array<i32>} : memref<32x512xf32, #tpu.memory_space<vmem>>, vector<1x16xf32>,
        %get3A_430 = arith.index_cast %scan3A_227 : i32 to index
        %get3A_431 = arith.constant 272 : index
        %get3A_432 = tpu.vector_load %arg9[%get3A_430, %get3A_431] {strides = array<i32>} : memref<32x512xf32, #tpu.memory_space<vmem>>, vector<1x16xf32>,
        %get3A_433 = vector.shape_cast %get3A_432 : vector<1x16xf32> to vector<16xf32>
        %mul3A_434 = arith.constant 22.6274166 : f32
        %mul3A_435 = vector.broadcast %mul3A_434 : f32 to vector<16xf32>
        %mul3A_436 = arith.mulf %get3A_433, %mul3A_435 : vector<16xf32>
        %swap3A_437 = arith.index_cast %scan3A_227 : i32 to index
        %swap3A_438 = arith.constant 272 : index
        %swap3A_439 = tpu.vector_load %arg9[%swap3A_437, %swap3A_438] {strides = array<i32>} : memref<32x512xf32, #tpu.memory_space<vmem>>, vector<1x16xf32>,
        %swap3A_440 = vector.shape_cast %swap3A_439 : vector<1x16xf32> to vector<16xf32>
        %swap3A_441 = vector.shape_cast %mul3A_436 : vector<16xf32> to vector<1x16xf32>
        tpu.vector_store %arg9[%swap3A_437, %swap3A_438], %swap3A_441 {strides = array<i32>} : memref<32x512xf32, #tpu.memory_space<vmem>>, vector<1x16xf32>,
        %get3A_442 = arith.index_cast %scan3A_227 : i32 to index
        %get3A_443 = arith.constant 288 : index
        %get3A_444 = tpu.vector_load %arg9[%get3A_442, %get3A_443] {strides = array<i32>} : memref<32x512xf32, #tpu.memory_space<vmem>>, vector<1x16xf32>,
        %get3A_445 = vector.shape_cast %get3A_444 : vector<1x16xf32> to vector<16xf32>
        %mul3A_446 = arith.constant 22.6274166 : f32
        %mul3A_447 = vector.broadcast %mul3A_446 : f32 to vector<16xf32>
        %mul3A_448 = arith.mulf %get3A_445, %mul3A_447 : vector<16xf32>
        %swap3A_449 = arith.index_cast %scan3A_227 : i32 to index
        %swap3A_450 = arith.constant 288 : index
        %swap3A_451 = tpu.vector_load %arg9[%swap3A_449, %swap3A_450] {strides = array<i32>} : memref<32x512xf32, #tpu.memory_space<vmem>>, vector<1x16xf32>,
        %swap3A_452 = vector.shape_cast %swap3A_451 : vector<1x16xf32> to vector<16xf32>
        %swap3A_453 = vector.shape_cast %mul3A_448 : vector<16xf32> to vector<1x16xf32>
        tpu.vector_store %arg9[%swap3A_449, %swap3A_450], %swap3A_453 {strides = array<i32>} : memref<32x512xf32, #tpu.memory_space<vmem>>, vector<1x16xf32>,
        %get3A_454 = arith.index_cast %scan3A_227 : i32 to index
        %get3A_455 = arith.constant 304 : index
        %get3A_456 = tpu.vector_load %arg9[%get3A_454, %get3A_455] {strides = array<i32>} : memref<32x512xf32, #tpu.memory_space<vmem>>, vector<1x16xf32>,
        %get3A_457 = vector.shape_cast %get3A_456 : vector<1x16xf32> to vector<16xf32>
        %mul3A_458 = arith.constant 22.6274166 : f32
        %mul3A_459 = vector.broadcast %mul3A_458 : f32 to vector<16xf32>
        %mul3A_460 = arith.mulf %get3A_457, %mul3A_459 : vector<16xf32>
        %swap3A_461 = arith.index_cast %scan3A_227 : i32 to index
        %swap3A_462 = arith.constant 304 : index
        %swap3A_463 = tpu.vector_load %arg9[%swap3A_461, %swap3A_462] {strides = array<i32>} : memref<32x512xf32, #tpu.memory_space<vmem>>, vector<1x16xf32>,
        %swap3A_464 = vector.shape_cast %swap3A_463 : vector<1x16xf32> to vector<16xf32>
        %swap3A_465 = vector.shape_cast %mul3A_460 : vector<16xf32> to vector<1x16xf32>
        tpu.vector_store %arg9[%swap3A_461, %swap3A_462], %swap3A_465 {strides = array<i32>} : memref<32x512xf32, #tpu.memory_space<vmem>>, vector<1x16xf32>,
        %get3A_466 = arith.index_cast %scan3A_227 : i32 to index
        %get3A_467 = arith.constant 320 : index
        %get3A_468 = tpu.vector_load %arg9[%get3A_466, %get3A_467] {strides = array<i32>} : memref<32x512xf32, #tpu.memory_space<vmem>>, vector<1x16xf32>,
        %get3A_469 = vector.shape_cast %get3A_468 : vector<1x16xf32> to vector<16xf32>
        %mul3A_470 = arith.constant 22.6274166 : f32
        %mul3A_471 = vector.broadcast %mul3A_470 : f32 to vector<16xf32>
        %mul3A_472 = arith.mulf %get3A_469, %mul3A_471 : vector<16xf32>
        %swap3A_473 = arith.index_cast %scan3A_227 : i32 to index
        %swap3A_474 = arith.constant 320 : index
        %swap3A_475 = tpu.vector_load %arg9[%swap3A_473, %swap3A_474] {strides = array<i32>} : memref<32x512xf32, #tpu.memory_space<vmem>>, vector<1x16xf32>,
        %swap3A_476 = vector.shape_cast %swap3A_475 : vector<1x16xf32> to vector<16xf32>
        %swap3A_477 = vector.shape_cast %mul3A_472 : vector<16xf32> to vector<1x16xf32>
        tpu.vector_store %arg9[%swap3A_473, %swap3A_474], %swap3A_477 {strides = array<i32>} : memref<32x512xf32, #tpu.memory_space<vmem>>, vector<1x16xf32>,
        %get3A_478 = arith.index_cast %scan3A_227 : i32 to index
        %get3A_479 = arith.constant 336 : index
        %get3A_480 = tpu.vector_load %arg9[%get3A_478, %get3A_479] {strides = array<i32>} : memref<32x512xf32, #tpu.memory_space<vmem>>, vector<1x16xf32>,
        %get3A_481 = vector.shape_cast %get3A_480 : vector<1x16xf32> to vector<16xf32>
        %mul3A_482 = arith.constant 22.6274166 : f32
        %mul3A_483 = vector.broadcast %mul3A_482 : f32 to vector<16xf32>
        %mul3A_484 = arith.mulf %get3A_481, %mul3A_483 : vector<16xf32>
        %swap3A_485 = arith.index_cast %scan3A_227 : i32 to index
        %swap3A_486 = arith.constant 336 : index
        %swap3A_487 = tpu.vector_load %arg9[%swap3A_485, %swap3A_486] {strides = array<i32>} : memref<32x512xf32, #tpu.memory_space<vmem>>, vector<1x16xf32>,
        %swap3A_488 = vector.shape_cast %swap3A_487 : vector<1x16xf32> to vector<16xf32>
        %swap3A_489 = vector.shape_cast %mul3A_484 : vector<16xf32> to vector<1x16xf32>
        tpu.vector_store %arg9[%swap3A_485, %swap3A_486], %swap3A_489 {strides = array<i32>} : memref<32x512xf32, #tpu.memory_space<vmem>>, vector<1x16xf32>,
        %get3A_490 = arith.index_cast %scan3A_227 : i32 to index
        %get3A_491 = arith.constant 352 : index
        %get3A_492 = tpu.vector_load %arg9[%get3A_490, %get3A_491] {strides = array<i32>} : memref<32x512xf32, #tpu.memory_space<vmem>>, vector<1x16xf32>,
        %get3A_493 = vector.shape_cast %get3A_492 : vector<1x16xf32> to vector<16xf32>
        %mul3A_494 = arith.constant 22.6274166 : f32
        %mul3A_495 = vector.broadcast %mul3A_494 : f32 to vector<16xf32>
        %mul3A_496 = arith.mulf %get3A_493, %mul3A_495 : vector<16xf32>
        %swap3A_497 = arith.index_cast %scan3A_227 : i32 to index
        %swap3A_498 = arith.constant 352 : index
        %swap3A_499 = tpu.vector_load %arg9[%swap3A_497, %swap3A_498] {strides = array<i32>} : memref<32x512xf32, #tpu.memory_space<vmem>>, vector<1x16xf32>,
        %swap3A_500 = vector.shape_cast %swap3A_499 : vector<1x16xf32> to vector<16xf32>
        %swap3A_501 = vector.shape_cast %mul3A_496 : vector<16xf32> to vector<1x16xf32>
        tpu.vector_store %arg9[%swap3A_497, %swap3A_498], %swap3A_501 {strides = array<i32>} : memref<32x512xf32, #tpu.memory_space<vmem>>, vector<1x16xf32>,
        %get3A_502 = arith.index_cast %scan3A_227 : i32 to index
        %get3A_503 = arith.constant 368 : index
        %get3A_504 = tpu.vector_load %arg9[%get3A_502, %get3A_503] {strides = array<i32>} : memref<32x512xf32, #tpu.memory_space<vmem>>, vector<1x16xf32>,
        %get3A_505 = vector.shape_cast %get3A_504 : vector<1x16xf32> to vector<16xf32>
        %mul3A_506 = arith.constant 22.6274166 : f32
        %mul3A_507 = vector.broadcast %mul3A_506 : f32 to vector<16xf32>
        %mul3A_508 = arith.mulf %get3A_505, %mul3A_507 : vector<16xf32>
        %swap3A_509 = arith.index_cast %scan3A_227 : i32 to index
        %swap3A_510 = arith.constant 368 : index
        %swap3A_511 = tpu.vector_load %arg9[%swap3A_509, %swap3A_510] {strides = array<i32>} : memref<32x512xf32, #tpu.memory_space<vmem>>, vector<1x16xf32>,
        %swap3A_512 = vector.shape_cast %swap3A_511 : vector<1x16xf32> to vector<16xf32>
        %swap3A_513 = vector.shape_cast %mul3A_508 : vector<16xf32> to vector<1x16xf32>
        tpu.vector_store %arg9[%swap3A_509, %swap3A_510], %swap3A_513 {strides = array<i32>} : memref<32x512xf32, #tpu.memory_space<vmem>>, vector<1x16xf32>,
        %get3A_514 = arith.index_cast %scan3A_227 : i32 to index
        %get3A_515 = arith.constant 384 : index
        %get3A_516 = tpu.vector_load %arg9[%get3A_514, %get3A_515] {strides = array<i32>} : memref<32x512xf32, #tpu.memory_space<vmem>>, vector<1x16xf32>,
        %get3A_517 = vector.shape_cast %get3A_516 : vector<1x16xf32> to vector<16xf32>
        %mul3A_518 = arith.constant 22.6274166 : f32
        %mul3A_519 = vector.broadcast %mul3A_518 : f32 to vector<16xf32>
        %mul3A_520 = arith.mulf %get3A_517, %mul3A_519 : vector<16xf32>
        %swap3A_521 = arith.index_cast %scan3A_227 : i32 to index
        %swap3A_522 = arith.constant 384 : index
        %swap3A_523 = tpu.vector_load %arg9[%swap3A_521, %swap3A_522] {strides = array<i32>} : memref<32x512xf32, #tpu.memory_space<vmem>>, vector<1x16xf32>,
        %swap3A_524 = vector.shape_cast %swap3A_523 : vector<1x16xf32> to vector<16xf32>
        %swap3A_525 = vector.shape_cast %mul3A_520 : vector<16xf32> to vector<1x16xf32>
        tpu.vector_store %arg9[%swap3A_521, %swap3A_522], %swap3A_525 {strides = array<i32>} : memref<32x512xf32, #tpu.memory_space<vmem>>, vector<1x16xf32>,
        %get3A_526 = arith.index_cast %scan3A_227 : i32 to index
        %get3A_527 = arith.constant 400 : index
        %get3A_528 = tpu.vector_load %arg9[%get3A_526, %get3A_527] {strides = array<i32>} : memref<32x512xf32, #tpu.memory_space<vmem>>, vector<1x16xf32>,
        %get3A_529 = vector.shape_cast %get3A_528 : vector<1x16xf32> to vector<16xf32>
        %mul3A_530 = arith.constant 22.6274166 : f32
        %mul3A_531 = vector.broadcast %mul3A_530 : f32 to vector<16xf32>
        %mul3A_532 = arith.mulf %get3A_529, %mul3A_531 : vector<16xf32>
        %swap3A_533 = arith.index_cast %scan3A_227 : i32 to index
        %swap3A_534 = arith.constant 400 : index
        %swap3A_535 = tpu.vector_load %arg9[%swap3A_533, %swap3A_534] {strides = array<i32>} : memref<32x512xf32, #tpu.memory_space<vmem>>, vector<1x16xf32>,
        %swap3A_536 = vector.shape_cast %swap3A_535 : vector<1x16xf32> to vector<16xf32>
        %swap3A_537 = vector.shape_cast %mul3A_532 : vector<16xf32> to vector<1x16xf32>
        tpu.vector_store %arg9[%swap3A_533, %swap3A_534], %swap3A_537 {strides = array<i32>} : memref<32x512xf32, #tpu.memory_space<vmem>>, vector<1x16xf32>,
        %get3A_538 = arith.index_cast %scan3A_227 : i32 to index
        %get3A_539 = arith.constant 416 : index
        %get3A_540 = tpu.vector_load %arg9[%get3A_538, %get3A_539] {strides = array<i32>} : memref<32x512xf32, #tpu.memory_space<vmem>>, vector<1x16xf32>,
        %get3A_541 = vector.shape_cast %get3A_540 : vector<1x16xf32> to vector<16xf32>
        %mul3A_542 = arith.constant 22.6274166 : f32
        %mul3A_543 = vector.broadcast %mul3A_542 : f32 to vector<16xf32>
        %mul3A_544 = arith.mulf %get3A_541, %mul3A_543 : vector<16xf32>
        %swap3A_545 = arith.index_cast %scan3A_227 : i32 to index
        %swap3A_546 = arith.constant 416 : index
        %swap3A_547 = tpu.vector_load %arg9[%swap3A_545, %swap3A_546] {strides = array<i32>} : memref<32x512xf32, #tpu.memory_space<vmem>>, vector<1x16xf32>,
        %swap3A_548 = vector.shape_cast %swap3A_547 : vector<1x16xf32> to vector<16xf32>
        %swap3A_549 = vector.shape_cast %mul3A_544 : vector<16xf32> to vector<1x16xf32>
        tpu.vector_store %arg9[%swap3A_545, %swap3A_546], %swap3A_549 {strides = array<i32>} : memref<32x512xf32, #tpu.memory_space<vmem>>, vector<1x16xf32>,
        %get3A_550 = arith.index_cast %scan3A_227 : i32 to index
        %get3A_551 = arith.constant 432 : index
        %get3A_552 = tpu.vector_load %arg9[%get3A_550, %get3A_551] {strides = array<i32>} : memref<32x512xf32, #tpu.memory_space<vmem>>, vector<1x16xf32>,
        %get3A_553 = vector.shape_cast %get3A_552 : vector<1x16xf32> to vector<16xf32>
        %mul3A_554 = arith.constant 22.6274166 : f32
        %mul3A_555 = vector.broadcast %mul3A_554 : f32 to vector<16xf32>
        %mul3A_556 = arith.mulf %get3A_553, %mul3A_555 : vector<16xf32>
        %swap3A_557 = arith.index_cast %scan3A_227 : i32 to index
        %swap3A_558 = arith.constant 432 : index
        %swap3A_559 = tpu.vector_load %arg9[%swap3A_557, %swap3A_558] {strides = array<i32>} : memref<32x512xf32, #tpu.memory_space<vmem>>, vector<1x16xf32>,
        %swap3A_560 = vector.shape_cast %swap3A_559 : vector<1x16xf32> to vector<16xf32>
        %swap3A_561 = vector.shape_cast %mul3A_556 : vector<16xf32> to vector<1x16xf32>
        tpu.vector_store %arg9[%swap3A_557, %swap3A_558], %swap3A_561 {strides = array<i32>} : memref<32x512xf32, #tpu.memory_space<vmem>>, vector<1x16xf32>,
        %get3A_562 = arith.index_cast %scan3A_227 : i32 to index
        %get3A_563 = arith.constant 448 : index
        %get3A_564 = tpu.vector_load %arg9[%get3A_562, %get3A_563] {strides = array<i32>} : memref<32x512xf32, #tpu.memory_space<vmem>>, vector<1x16xf32>,
        %get3A_565 = vector.shape_cast %get3A_564 : vector<1x16xf32> to vector<16xf32>
        %mul3A_566 = arith.constant 22.6274166 : f32
        %mul3A_567 = vector.broadcast %mul3A_566 : f32 to vector<16xf32>
        %mul3A_568 = arith.mulf %get3A_565, %mul3A_567 : vector<16xf32>
        %swap3A_569 = arith.index_cast %scan3A_227 : i32 to index
        %swap3A_570 = arith.constant 448 : index
        %swap3A_571 = tpu.vector_load %arg9[%swap3A_569, %swap3A_570] {strides = array<i32>} : memref<32x512xf32, #tpu.memory_space<vmem>>, vector<1x16xf32>,
        %swap3A_572 = vector.shape_cast %swap3A_571 : vector<1x16xf32> to vector<16xf32>
        %swap3A_573 = vector.shape_cast %mul3A_568 : vector<16xf32> to vector<1x16xf32>
        tpu.vector_store %arg9[%swap3A_569, %swap3A_570], %swap3A_573 {strides = array<i32>} : memref<32x512xf32, #tpu.memory_space<vmem>>, vector<1x16xf32>,
        %get3A_574 = arith.index_cast %scan3A_227 : i32 to index
        %get3A_575 = arith.constant 464 : index
        %get3A_576 = tpu.vector_load %arg9[%get3A_574, %get3A_575] {strides = array<i32>} : memref<32x512xf32, #tpu.memory_space<vmem>>, vector<1x16xf32>,
        %get3A_577 = vector.shape_cast %get3A_576 : vector<1x16xf32> to vector<16xf32>
        %mul3A_578 = arith.constant 22.6274166 : f32
        %mul3A_579 = vector.broadcast %mul3A_578 : f32 to vector<16xf32>
        %mul3A_580 = arith.mulf %get3A_577, %mul3A_579 : vector<16xf32>
        %swap3A_581 = arith.index_cast %scan3A_227 : i32 to index
        %swap3A_582 = arith.constant 464 : index
        %swap3A_583 = tpu.vector_load %arg9[%swap3A_581, %swap3A_582] {strides = array<i32>} : memref<32x512xf32, #tpu.memory_space<vmem>>, vector<1x16xf32>,
        %swap3A_584 = vector.shape_cast %swap3A_583 : vector<1x16xf32> to vector<16xf32>
        %swap3A_585 = vector.shape_cast %mul3A_580 : vector<16xf32> to vector<1x16xf32>
        tpu.vector_store %arg9[%swap3A_581, %swap3A_582], %swap3A_585 {strides = array<i32>} : memref<32x512xf32, #tpu.memory_space<vmem>>, vector<1x16xf32>,
        %get3A_586 = arith.index_cast %scan3A_227 : i32 to index
        %get3A_587 = arith.constant 480 : index
        %get3A_588 = tpu.vector_load %arg9[%get3A_586, %get3A_587] {strides = array<i32>} : memref<32x512xf32, #tpu.memory_space<vmem>>, vector<1x16xf32>,
        %get3A_589 = vector.shape_cast %get3A_588 : vector<1x16xf32> to vector<16xf32>
        %mul3A_590 = arith.constant 22.6274166 : f32
        %mul3A_591 = vector.broadcast %mul3A_590 : f32 to vector<16xf32>
        %mul3A_592 = arith.mulf %get3A_589, %mul3A_591 : vector<16xf32>
        %swap3A_593 = arith.index_cast %scan3A_227 : i32 to index
        %swap3A_594 = arith.constant 480 : index
        %swap3A_595 = tpu.vector_load %arg9[%swap3A_593, %swap3A_594] {strides = array<i32>} : memref<32x512xf32, #tpu.memory_space<vmem>>, vector<1x16xf32>,
        %swap3A_596 = vector.shape_cast %swap3A_595 : vector<1x16xf32> to vector<16xf32>
        %swap3A_597 = vector.shape_cast %mul3A_592 : vector<16xf32> to vector<1x16xf32>
        tpu.vector_store %arg9[%swap3A_593, %swap3A_594], %swap3A_597 {strides = array<i32>} : memref<32x512xf32, #tpu.memory_space<vmem>>, vector<1x16xf32>,
        %get3A_598 = arith.index_cast %scan3A_227 : i32 to index
        %get3A_599 = arith.constant 496 : index
        %get3A_600 = tpu.vector_load %arg9[%get3A_598, %get3A_599] {strides = array<i32>} : memref<32x512xf32, #tpu.memory_space<vmem>>, vector<1x16xf32>,
        %get3A_601 = vector.shape_cast %get3A_600 : vector<1x16xf32> to vector<16xf32>
        %mul3A_602 = arith.constant 22.6274166 : f32
        %mul3A_603 = vector.broadcast %mul3A_602 : f32 to vector<16xf32>
        %mul3A_604 = arith.mulf %get3A_601, %mul3A_603 : vector<16xf32>
        %swap3A_605 = arith.index_cast %scan3A_227 : i32 to index
        %swap3A_606 = arith.constant 496 : index
        %swap3A_607 = tpu.vector_load %arg9[%swap3A_605, %swap3A_606] {strides = array<i32>} : memref<32x512xf32, #tpu.memory_space<vmem>>, vector<1x16xf32>,
        %swap3A_608 = vector.shape_cast %swap3A_607 : vector<1x16xf32> to vector<16xf32>
        %swap3A_609 = vector.shape_cast %mul3A_604 : vector<16xf32> to vector<1x16xf32>
        tpu.vector_store %arg9[%swap3A_605, %swap3A_606], %swap3A_609 {strides = array<i32>} : memref<32x512xf32, #tpu.memory_space<vmem>>, vector<1x16xf32>,
      }
      %scan3A_216 = arith.constant 32 : i32
      %mul3A_217 = arith.constant 32 : i32
      %mul3A_218 = arith.muli %add3A_186, %mul3A_217 : i32
      %add3A_219 = arith.addi %mul3A_32, %mul3A_218 : i32
      %multiple_of3A_220 = tpu.assume_multiple %add3A_219, 32 : i32
      %dma_start3A_221 = arith.constant 0 : i32
      %dma_start3A_222 = tpu.memref_slice %arg4[%select_n3A, %multiple_of3A_220, %dma_start3A_221] : memref<4x8192x512xf32, #tpu.memory_space<hbm>> -> memref<1x32x512xf32, #tpu.memory_space<hbm>>
      %dma_start3A_223 = tpu.memref_squeeze %dma_start3A_222 : memref<1x32x512xf32, #tpu.memory_space<hbm>> -> memref<32x512xf32, #tpu.memory_space<hbm>>
      %dma_start3A_224 = arith.constant 0 : i32
      %dma_start3A_225 = tpu.memref_slice %arg4[%select_n3A, %multiple_of3A_220, %dma_start3A_224] : memref<4x8192x512xf32, #tpu.memory_space<hbm>> -> memref<1x32x512xf32, #tpu.memory_space<hbm>>
      %dma_start3A_226 = tpu.memref_squeeze %dma_start3A_225 : memref<1x32x512xf32, #tpu.memory_space<hbm>> -> memref<32x512xf32, #tpu.memory_space<hbm>>
      tpu.enqueue_dma source(%arg9 : memref<32x512xf32, #tpu.memory_space<vmem>>) target(%dma_start3A_226 : memref<32x512xf32, #tpu.memory_space<hbm>>) target_semaphore(%arg17 : memref<!tpu.dma_semaphore, #tpu.memory_space<semaphore_mem>>)
    }
    %scan3A_59 = arith.constant 8 : i32
    %add3A_60 = arith.constant 960 : i32
    %add3A_61 = arith.addi %mul3A_32, %add3A_60 : i32
    %multiple_of3A_62 = tpu.assume_multiple %add3A_61, 32 : i32
    %dma_wait3A = arith.constant 0 : i32
    %dma_wait3A_63 = tpu.memref_slice %arg4[%select_n3A, %multiple_of3A_62, %dma_wait3A] : memref<4x8192x512xf32, #tpu.memory_space<hbm>> -> memref<1x32x512xf32, #tpu.memory_space<hbm>>
    %dma_wait3A_64 = tpu.memref_squeeze %dma_wait3A_63 : memref<1x32x512xf32, #tpu.memory_space<hbm>> -> memref<32x512xf32, #tpu.memory_space<hbm>>
    %dma_wait3A_65 = arith.constant 0 : i32
    %dma_wait3A_66 = tpu.memref_slice %arg4[%select_n3A, %multiple_of3A_62, %dma_wait3A_65] : memref<4x8192x512xf32, #tpu.memory_space<hbm>> -> memref<1x32x512xf32, #tpu.memory_space<hbm>>
    %dma_wait3A_67 = tpu.memref_squeeze %dma_wait3A_66 : memref<1x32x512xf32, #tpu.memory_space<hbm>> -> memref<32x512xf32, #tpu.memory_space<hbm>>
    tpu.wait_dma2 semaphore(%arg16 : memref<!tpu.dma_semaphore, #tpu.memory_space<semaphore_mem>>) src(%arg8 : memref<32x512xf32, #tpu.memory_space<vmem>>) dst(%dma_wait3A_67 : memref<32x512xf32, #tpu.memory_space<hbm>>)
    %add3A_68 = arith.constant 992 : i32
    %add3A_69 = arith.addi %mul3A_32, %add3A_68 : i32
    %multiple_of3A_70 = tpu.assume_multiple %add3A_69, 32 : i32
    %dma_wait3A_71 = arith.constant 0 : i32
    %dma_wait3A_72 = tpu.memref_slice %arg4[%select_n3A, %multiple_of3A_70, %dma_wait3A_71] : memref<4x8192x512xf32, #tpu.memory_space<hbm>> -> memref<1x32x512xf32, #tpu.memory_space<hbm>>
    %dma_wait3A_73 = tpu.memref_squeeze %dma_wait3A_72 : memref<1x32x512xf32, #tpu.memory_space<hbm>> -> memref<32x512xf32, #tpu.memory_space<hbm>>
    %dma_wait3A_74 = arith.constant 0 : i32
    %dma_wait3A_75 = tpu.memref_slice %arg4[%select_n3A, %multiple_of3A_70, %dma_wait3A_74] : memref<4x8192x512xf32, #tpu.memory_space<hbm>> -> memref<1x32x512xf32, #tpu.memory_space<hbm>>
    %dma_wait3A_76 = tpu.memref_squeeze %dma_wait3A_75 : memref<1x32x512xf32, #tpu.memory_space<hbm>> -> memref<32x512xf32, #tpu.memory_space<hbm>>
    tpu.wait_dma2 semaphore(%arg17 : memref<!tpu.dma_semaphore, #tpu.memory_space<semaphore_mem>>) src(%arg9 : memref<32x512xf32, #tpu.memory_space<vmem>>) dst(%dma_wait3A_76 : memref<32x512xf32, #tpu.memory_space<hbm>>)
    return
  }
}

</mosaic_0001>

<sc_bundles>
// kernel: kernel.3.cloned.1.call-start
scs
__scs_entry_jumppad:
0x0: {  	(pc) =	sbr.rel $0x88, $3  }
0x1: {  	(tag) =	ssettag $0x0;
	lr =	simm.s32 $0x1  }
0x2: {  	[smem:$0x3F9F] =	sst lr;
	_ =	strace $0xD0000000  }
0x3: {  	_ = 	snop  }
0x4: {  	_ = 	snop  }
0x5: {  	_ = 	snop  }
0x6: {  	_ = 	snop  }
0x7: {  	_ = 	snop  }
__scs_overlays_trampoline_lowered:
0x8: {  	[smem:$0x3FAE] =	sst s0  }
0x9: {  	[smem:$0x3FAF] =	sst s1  }
0xa: {  	[smem:$0x3FB0] =	sst s2  }
0xb: {  	[smem:$0x3FB1] =	sst s3  }
0xc: {  	[smem:$0x3FB2] =	sst s4  }
0xd: {  	[smem:$0x3FB3] =	sst s5  }
0xe: {  	[smem:$0x3FB4] =	sst s6  }
0xf: {  	[smem:$0x3FB5] =	sst s7  }
0x10: {  	[smem:$0x3FB6] =	sst s8  }
0x11: {  	[smem:$0x3FB7] =	sst s9;
	s0 =	simm.s32 @!p0 $0x0  }
0x12: {  	s1 =	sld [smem:$0x3F9D];
	s0 =	simm.s32 @p0 $0x1  }
0x13: {  	[smem:$0x3FB8] =	sst s0;
	s0 =	simm.s32 @!p1 $0x0  }
0x14: {  	s2 =	sld [smem:$0x3F9C];
	s0 =	simm.s32 @p1 $0x1  }
0x15: {  	[smem:$0x3FB9] =	sst s0;
	s0 =	simm.s32 @!p2 $0x0  }
0x16: {  	s3 =	sld [smem:$0x3FDB];
	s0 =	simm.s32 @p2 $0x1  }
0x17: {  	s4 =	simm.s32 $0x1BF5;
	[smem:$0x3FBB] =	sst s0  }
0x18: {  	s0 =	sld [smem:$0x3F9E];
	_ =	swait.ge [sflag:s4], $0x0  }
0x19: {  	s7 =	sld [smem:$0x3F9F]  }
0x1a: {  	s8 =	sadd.s32 $0xFFFFE003, lr  }
0x1b: {  	s9 =	sadd.s32 $0xFFFFFEF7, lr;
	s5 =	simm.s32 $0xFFFFFFFF;
	p2 =	slt.u32 s8, $0xFFFFF086  }
0x1c: {  	p1 =	slt.u32 s9, $0xF7A;
	s5 =	simm.s32 @!p2 $0x0  }
0x1d: {  	s5 =	simm.s32 @p1 $0x1;
	p0 =	seq.s32 s7, s2  }
0x1e: {  	s7 =	smul.u32 @!p0 $0xF7A, s2;
	p2 =	seq.s32 @!p0 s5, $0x0  }
0x1f: {  	s9 =	smul.u32 $0xF7A, s1;
	s8 =	simm.s32 @!p0 $0x1BF5;
	p2 =	por !p2, p0  }
0x20: {  	[sflag:s8] =	ssyncset.s32 @!p0 $0xFFFFF086;
	s6 =	sadd.s32 @!p0 s3, s7;
	s7 =	simm.s32 @!p0 $0x108  }
0x21: {  	s3 =	sadd.s32 s3, s9;
	s6 =	sadd.s32 @!p0 $0x88, s6;
	s7 =	simm.s32 @p2 $0x1082  }
0x22: {  	[simem:s7], [sflag:s8] =	dma.local @!p0 [hbm:s6], $0xF7A  }
0x23: {  	s9 =	sor.u32 $0xD0000000, s2;
	s6 =	simm.s32 $0x108;
	_ =	swait.ge @!p0 [sflag:s8], $0x0  }
0x24: {  	s3 =	sadd.s32 $0x88, s3;
	s6 =	simm.s32 @!p1 $0x1082;
	[sflag:s4] =	ssyncset.s32 $0xFFFFF086  }
0x25: {  	[simem:s6], [sflag:s4] =	dma.local [hbm:s3], $0xF7A  }
0x26: {  	[smem:$0x3F9F] =	sst s1;
	(tag) =	ssettag s2;
	_ =	strace s9  }
0x27: {  	s1 =	sld [smem:$0x3FAF]  }
0x28: {  	s2 =	sld [smem:$0x3FB0]  }
0x29: {  	s4 =	sld [smem:$0x3FB2]  }
0x2a: {  	p0 =	seq.s32 s5, $0x0;
	s5 =	sld [smem:$0x3FB3]  }
0x2b: {  	s6 =	sld [smem:$0x3FB4]  }
0x2c: {  	s7 =	sld [smem:$0x3FB5]  }
0x2d: {  	s3 =	simm.s32 $0x108;
	s8 =	sld [smem:$0x3FB6]  }
0x2e: {  	s3 =	simm.s32 @!p0 $0x1082;
	s9 =	sld [smem:$0x3FB7]  }
0x2f: {  	lr =	sadd.s32 s0, s3;
	s0 =	sld [smem:$0x3FAE]  }
0x30: {  	s3 =	sld [smem:$0x3FB1]  }
0x31: {  	[smem:$0x3FBA] =	sst s10  }
0x32: {  	s10 =	sld [smem:$0x3FB8];
	_ =	sdelay $0x3  }
0x33: {  	p0 =	seq.s32 s10, $0x1;
	s10 =	sld [smem:$0x3FBA];
	_ =	sdelay $0x3  }
0x34: {  	[smem:$0x3FBA] =	sst s10  }
0x35: {  	s10 =	sld [smem:$0x3FB9];
	_ =	sdelay $0x3  }
0x36: {  	p1 =	seq.s32 s10, $0x1;
	s10 =	sld [smem:$0x3FBA];
	_ =	sdelay $0x3  }
0x37: {  	[smem:$0x3FBA] =	sst s10  }
0x38: {  	s10 =	sld [smem:$0x3FBB]  }
0x39: {  	_ = 	snop;
	(pc) =	sbr.ind lr, $3  }
0x3a: {  	_ = 	snop  }
0x3b: {  	_ = 	snop  }
0x3c: {  	p2 =	seq.s32 s10, $0x1;
	s10 =	sld [smem:$0x3FBA]  }
0x3d: {  	_ =	shalt  }
0x3e: {  	_ =	shalt  }
0x3f: {  	_ =	shalt  }
0x40: {  	_ =	shalt  }
0x41: {  	_ =	shalt  }
0x42: {  	_ =	shalt  }
0x43: {  	_ =	shalt  }
0x44: {  	_ =	shalt  }
0x45: {  	_ =	shalt  }
0x46: {  	_ =	shalt  }
0x47: {  	_ =	shalt  }
0x48: {  	_ =	shalt  }
0x49: {  	_ =	shalt  }
0x4a: {  	_ =	shalt  }
0x4b: {  	_ =	shalt  }
0x4c: {  	_ =	shalt  }
0x4d: {  	_ =	shalt  }
0x4e: {  	_ =	shalt  }
0x4f: {  	_ =	shalt  }
0x50: {  	_ =	shalt  }
0x51: {  	_ =	shalt  }
0x52: {  	_ =	shalt  }
0x53: {  	_ =	shalt  }
0x54: {  	_ =	shalt  }
0x55: {  	_ =	shalt  }
0x56: {  	_ =	shalt  }
0x57: {  	_ =	shalt  }
0x58: {  	_ =	shalt  }
0x59: {  	_ =	shalt  }
0x5a: {  	_ =	shalt  }
0x5b: {  	_ =	shalt  }
0x5c: {  	_ =	shalt  }
0x5d: {  	_ =	shalt  }
0x5e: {  	_ =	shalt  }
0x5f: {  	_ =	shalt  }
0x60: {  	_ =	shalt  }
0x61: {  	_ =	shalt  }
0x62: {  	_ =	shalt  }
0x63: {  	_ =	shalt  }
0x64: {  	_ =	shalt  }
0x65: {  	_ =	shalt  }
0x66: {  	_ =	shalt  }
0x67: {  	_ =	shalt  }
0x68: {  	_ =	shalt  }
0x69: {  	_ =	shalt  }
0x6a: {  	_ =	shalt  }
0x6b: {  	_ =	shalt  }
0x6c: {  	_ =	shalt  }
0x6d: {  	_ =	shalt  }
0x6e: {  	_ =	shalt  }
0x6f: {  	_ =	shalt  }
0x70: {  	_ =	shalt  }
0x71: {  	_ =	shalt  }
0x72: {  	_ =	shalt  }
0x73: {  	_ =	shalt  }
0x74: {  	_ =	shalt  }
0x75: {  	_ =	shalt  }
0x76: {  	_ =	shalt  }
0x77: {  	_ =	shalt  }
0x78: {  	_ =	shalt  }
0x79: {  	_ =	shalt  }
0x7a: {  	_ =	shalt  }
0x7b: {  	_ =	shalt  }
0x7c: {  	_ =	shalt  }
0x7d: {  	_ =	shalt  }
0x7e: {  	_ =	shalt  }
0x7f: {  	_ =	shalt  }
0x80: {  	_ =	shalt  }
0x81: {  	_ =	shalt  }
0x82: {  	_ =	shalt  }
0x83: {  	_ =	shalt  }
0x84: {  	_ =	shalt  }
0x85: {  	_ =	shalt  }
0x86: {  	_ =	shalt  }
0x87: {  	_ =	shalt  }
.Lfunc_end0:
.L_simem_size_0:
called_computation_lowered:
.L_overlay_start_0:
0x88: {  	s2 =	sld [smem:$0x3FD9]  }
0x89: {  	s3 =	sld [smem:$0x3FFE];
	_ =	sdelay $0x1  }
0x8a: {  	s1 =	srdreg.scid  }
0x8b: {  	s0 =	sand.u32 $0x1, s1  }
0x8c: {  	s18 =	sshll.u32 s0, $0xA;
	s2 =	sadd.s32 s3, s2  }
0x8d: {  	s2 =	sadd.s32 s2, s18  }
0x8e: {  	[smem:$0x3FC6] =	sst s2  }
0x8f: {  	_ = 	snop  }
0x90: {  	s2 =	sld [smem:$0x3FC9]  }
0x91: {  	s19 =	sld [smem:$0x3FC8]  }
0x92: {  	s4 =	sld [smem:$0x3FD0];
	(tm) =	ssettm $0x1  }
0x93: {  	s5 =	sld [smem:$0x3FFB];
	_ =	sdelay $0x3  }
0x94: {  	_ =	strace s5  }
0x95: {  	s5 =	sld [smem:$0x3FFC];
	_ =	sdelay $0x3  }
0x96: {  	_ =	strace s5  }
0x97: {  	s5 =	sld [smem:$0x3FFD];
	_ =	sdelay $0x3  }
0x98: {  	_ =	strace s5  }
0x99: {  	_ =	strace $0x8FFFFFFF  }
0x9a: {  	s20 =	sld [smem:$0x3FDB];
	_ =	sdelay $0x1  }
0x9b: {  	s6 =	simm.s32 $_scs_section_size  }
0x9c: {  	s7 =	simm.s32 $_size__tile_overlayer_lowered;
	s8 =	simm.s32 $_tile_overlayer_lowered  }
0x9d: {  	s23 =	simm.s32 $0x1BFF;
	s22 =	sshll.u32 s8, $0x1;
	s5 =	sadd.s32 s6, s20  }
0x9e: {  	s9 =	simm.s32 $0x0;
	s21 =	sshll.u32 s7, $0x1;
	s7 =	sadd.s32 s22, s5  }
0x9f: {  	[timem:s9], [sflag:s23] =	dma.local [hbm:s7], s21  }
0xa0: {  	_ =	swait.ge [sflag:s23], s21  }
0xa1: {  	s6 =	ssub.s32 $0x0, s21;
	[sflag:s23] =	ssyncset.done $0x0  }
0xa2: {  	[sflag:s23] =	ssyncadd.s32 s6;
	_ =	sdelay $0x1  }
0xa3: {  	s24 =	simm.s32 $0x1B8B  }
0xa4: {  	_ =	swait.ge [sflag:s24], $0x1  }
0xa5: {  	[sflag:s24] =	ssyncset.done $0x0  }
0xa6: {  	s25 =	simm.s32 $0x1B8E;
	[sflag:s24] =	ssyncadd.s32 $0xFFFFFFFF  }
0xa7: {  	s26 =	simm.s32 $execute0_lowered;
	[smem:$0x3FD2] =	sst s25  }
0xa8: {  	s6 =	sshll.u32 s26, $0x1;
	_ =	strace $0x80000046;
	[dreg:$0x1] =	wrdreg $0xFFFFFFFF  }
0xa9: {  	s28 =	simm.s32 $_size_execute0_lowered;
	s5 =	sadd.s32 s5, s6;
	[dreg:$0x0] =	wrdreg $0x0  }
0xaa: {  	s6 =	sshll.u32 s28, $0x1;
	[dreg:$0x2] =	wrdreg s5  }
0xab: {  	[dreg:$0x3] =	wrdreg s6  }
0xac: {  	[dreg:$0x4] =	wrdreg $0xC0  }
0xad: {  	_ =	task [dreg:s9], $0x5FFFF  }
0xae: {  	[dreg:$0x1] =	wrdreg $0xFFFFFFFF  }
0xaf: {  	[dreg:$0x0] =	wrdreg $0x60  }
0xb0: {  	[dreg:$0x2] =	wrdreg s2  }
0xb1: {  	[dreg:$0x3] =	wrdreg s19  }
0xb2: {  	[dreg:$0x4] =	wrdreg s4  }
0xb3: {  	[dreg:$0x5] =	wrdreg $0x9  }
0xb4: {  	_ =	task.clear_ibuf [dreg:s9], $0x6FFFF;
	_ =	strace $0x90000046  }
0xb5: {  	s29 =	simm.s32 $0x9;
	_ =	strace $0x80000048  }
0xb6: {  	_ =	swait.ge [sflag:s29], $0x1  }
0xb7: {  	[sflag:s29] =	ssyncadd.s32 $0xFFFFFFFF  }
0xb8: {  	_ =	strace $0x90000048  }
0xb9: {  	_ =	sfence  }
0xba: {  	s30 =	sld [smem:$0x0];
	_ =	sdelay $0x2  }
0xbb: {  	s31 =	sshll.u32 s1, $0xD;
	s1 =	sshrl.u32 s1, $0x2  }
0xbc: {  	s3 =	sand.u32 $0x4000, s31;
	s1 =	sadd.s32 s1, s30  }
0xbd: {  	s0 =	sor.u32 s3, s0;
	s1 =	sshll.u32 s1, $0x11  }
0xbe: {  	s0 =	sor.u32 s1, s0  }
0xbf: {  	s0 =	sadd.s32 $0x8F2B, s0  }
0xc0: {  	[sflag:s0] =	ssyncadd.remote.s32 $0x1  }
0xc1: {  	_ =	sfence.sel $0xFFFF  }
0xc2: {  	[dreg:$0x0] =	wrdreg $0xFFFFFFFF;
	(pc) =	sbr.abs _section_cstart, $3  }
0xc3: {  	[dreg:$0x1] =	wrdreg $0xFFFFFFFF  }
0xc4: {  	_ =	task.clear_ibuf [dreg:s9], $0x2FFFF;
	_ =	strace $0x9FFFFFFF  }
0xc5: {  	(tm) =	ssettm $0x7FFFFFFF  }
tec
execute0_lowered:
.L_overlay_start_1:
0x0: {  	(tag) =	ssettag $0x1  }
0x1: {  	s0 =	rddreg [dreg:$0x0]  }
0x2: {  	s1 =	rddreg [dreg:$0x1]  }
0x3: {  	s3 =	rddreg [dreg:$0x2];
	s2 =	srdreg.scid;
	s4 =	simm.s32 $0x0  }
0x4: {  	s8 =	stileid.u32;
	s13 =	simm.s32 $0x9;
	s14 =	simm.s32 $0x400  }
0x5: {  	s22 =	simm.s32 $0x4400;
	s31 =	simm.s32 $0x8400;
	s18 =	simm.s32 $0xC400  }
0x6: {  	s28 =	simm.s32 $0x1;
	s29 =	simm.s32 $0x2;
	s30 =	simm.s32 $0x5  }
0x7: {  	s11 =	simm.s32 $0x4;
	s12 =	simm.s32 $0x7;
	s15 =	simm.s32 $0x8  }
0x8: {  	s16 =	simm.s32 $0x0;
	s2 =	sand.u32 $0x1, s2;
	[smem:$0x7FF] =	sst s4  }
0x9: {  	s6 =	sshll.u32 s8, $0x1;
	s24 =	sshrl.u32 s8, $0x2;
	s8 =	sadd.s32 $0x100, s1  }
0xa: {  	s5 =	ssub.s32 $0x2, s2;
	_ =	strace $0x80000047;
	s6 =	sand.u32 $0x6, s6  }
0xb: {  	s26 =	sshll.u32 s24, $0x4;
	s7 =	sshrl.u32 s5, $0x1;
	s2 =	sor.u32 s2, s6  }
0xc: {  	s0 =	sadd.s32 s0, s26;
	s6 =	sshll.u32 s24, $0x16;
	s10 =	ssub.s32 s5, s7  }
0xd: {  	v2 =	vlaneseq.u32;
	s5 =	sshll.u32 s2, $0xA;
	s25 =	sshll.u32 s2, $0x9;
	s2 =	sshll.u32 s2, $0x13  }
0xe: {  	vm0 =	vmmov $0xffff;
	v1 =	vshrl.u32 v2, $0x3;
	s0 =	sadd.s32 s25, s0;
	s9 =	sor.u32 s6, s2;
	s10 =	smax.u32 s10, $0x1  }
0xf: {  	v0 =	vand.u32 $0x7, v2;
	v2 =	vor.u32 $0x8, v2;
	v1 =	vmul.u32 $0x8, v1;
	s2 =	simm.s32 $0x6;
	[dreg:$0x4] =	wrdreg s0;
	s0 =	simm.s32 $0x3  }
.LBB2_1:
0x10: {  	s7 =	rddreg [dreg:$0x4];
	s17 =	simm.s32 $0x80;
	s19 =	simm.s32 $0x200  }
0x11: {  	[tilespmem:s4], [sflag:$0x9] =	stream.strided.gather [hbm4b:s7+s17], $0x400, s19, s17, $0x38;
	[tilespmem:$0x10400] =	vst v63  }
0x12: {  	_ =	swait.ge [sflag:s13], $0x400  }
0x13: {  	[sflag:s13] =	ssyncset.done $0x0  }
0x14: {  	[sflag:s13] =	ssyncadd.s32 $0xFFFFFC00  }
0x15: {  	v3 =	vld [tilespmem:$0x0];
	_ =	sdelay $0x4  }
0x16: {  	v4 =	vshll.u32 v3, $0x2  }
0x17: {  	v3 =	vand.u32 $0x7, v3;
	v4 =	vand.u32 $0xFFFFFFE0, v4  }
0x18: {  	v3 =	vor.u32 v3, v4  }
0x19: {  	v4 =	vperm.xlane v3, v0;
	_ =	sdelay $0x1  }
0x1a: {  	v4 =	vadd.s32 v1, v4;
	_ =	sdelay $0x1  }
0x1b: {  	v3 =	vperm.xlane v3, v2;
	_ =	sdelay $0x1  }
0x1c: {  	v3 =	vadd.s32 v1, v3  }
0x1d: {  	[tilespmem:s14], [sflag:$0x1] =	stream.indirect_vreg.gather [hbm4b:s1+s4], $0x80, v4, vm0, $0xb8;
	[tilespmem:$0x10400] =	vst v63  }
0x1e: {  	s23 =	simm.s32 $0xC00  }
0x1f: {  	[tilespmem:s23], [sflag:$0x1] =	stream.indirect_vreg.gather [hbm4b:s8+s4], $0x80, v4, vm0, $0xb8;
	[tilespmem:$0x10400] =	vst v63  }
0x20: {  	s24 =	simm.s32 $0x1400  }
0x21: {  	[tilespmem:s24], [sflag:$0x1] =	stream.indirect_vreg.gather [hbm4b:s1+s4], $0x80, v3, vm0, $0xb8;
	[tilespmem:$0x10400] =	vst v63  }
0x22: {  	s25 =	simm.s32 $0x1C00  }
0x23: {  	[tilespmem:s25], [sflag:$0x1] =	stream.indirect_vreg.gather [hbm4b:s8+s4], $0x80, v3, vm0, $0xb8;
	[tilespmem:$0x10400] =	vst v63  }
0x24: {  	v3 =	vld [tilespmem:$0x10];
	_ =	sdelay $0x4  }
0x25: {  	v57 =	vshll.u32 v3, $0x2  }
0x26: {  	v3 =	vand.u32 $0x7, v3;
	v4 =	vand.u32 $0xFFFFFFE0, v57  }
0x27: {  	v3 =	vor.u32 v3, v4  }
0x28: {  	v4 =	vperm.xlane v3, v0;
	_ =	sdelay $0x1  }
0x29: {  	v4 =	vadd.s32 v1, v4;
	_ =	sdelay $0x1  }
0x2a: {  	v3 =	vperm.xlane v3, v2;
	_ =	sdelay $0x1  }
0x2b: {  	s26 =	simm.s32 $0x2400;
	v3 =	vadd.s32 v1, v3  }
0x2c: {  	[tilespmem:s26], [sflag:$0x1] =	stream.indirect_vreg.gather [hbm4b:s1+s4], $0x80, v4, vm0, $0xb8;
	[tilespmem:$0x10400] =	vst v63  }
0x2d: {  	s17 =	simm.s32 $0x2C00  }
0x2e: {  	[tilespmem:s17], [sflag:$0x1] =	stream.indirect_vreg.gather [hbm4b:s8+s4], $0x80, v4, vm0, $0xb8;
	[tilespmem:$0x10400] =	vst v63  }
0x2f: {  	s19 =	simm.s32 $0x3400  }
0x30: {  	[tilespmem:s19], [sflag:$0x1] =	stream.indirect_vreg.gather [hbm4b:s1+s4], $0x80, v3, vm0, $0xb8;
	[tilespmem:$0x10400] =	vst v63  }
0x31: {  	s20 =	simm.s32 $0x3C00  }
0x32: {  	[tilespmem:s20], [sflag:$0x1] =	stream.indirect_vreg.gather [hbm4b:s8+s4], $0x80, v3, vm0, $0xb8;
	[tilespmem:$0x10400] =	vst v63  }
0x33: {  	v3 =	vld [tilespmem:$0x20];
	_ =	sdelay $0x4  }
0x34: {  	v58 =	vshll.u32 v3, $0x2  }
0x35: {  	v3 =	vand.u32 $0x7, v3;
	v4 =	vand.u32 $0xFFFFFFE0, v58  }
0x36: {  	v3 =	vor.u32 v3, v4  }
0x37: {  	v4 =	vperm.xlane v3, v0;
	_ =	sdelay $0x1  }
0x38: {  	v4 =	vadd.s32 v1, v4;
	_ =	sdelay $0x1  }
0x39: {  	v3 =	vperm.xlane v3, v2;
	_ =	sdelay $0x1  }
0x3a: {  	v3 =	vadd.s32 v1, v3  }
0x3b: {  	[tilespmem:s22], [sflag:$0x2] =	stream.indirect_vreg.gather [hbm4b:s1+s4], $0x80, v4, vm0, $0xb8;
	[tilespmem:$0x10400] =	vst v63  }
0x3c: {  	s21 =	simm.s32 $0x4C00  }
0x3d: {  	[tilespmem:s21], [sflag:$0x2] =	stream.indirect_vreg.gather [hbm4b:s8+s4], $0x80, v4, vm0, $0xb8;
	[tilespmem:$0x10400] =	vst v63  }
0x3e: {  	s23 =	simm.s32 $0x5400  }
0x3f: {  	[tilespmem:s23], [sflag:$0x2] =	stream.indirect_vreg.gather [hbm4b:s1+s4], $0x80, v3, vm0, $0xb8;
	[tilespmem:$0x10400] =	vst v63  }
0x40: {  	s24 =	simm.s32 $0x5C00  }
0x41: {  	[tilespmem:s24], [sflag:$0x2] =	stream.indirect_vreg.gather [hbm4b:s8+s4], $0x80, v3, vm0, $0xb8;
	[tilespmem:$0x10400] =	vst v63  }
0x42: {  	v3 =	vld [tilespmem:$0x30];
	_ =	sdelay $0x4  }
0x43: {  	v59 =	vshll.u32 v3, $0x2  }
0x44: {  	v3 =	vand.u32 $0x7, v3;
	v4 =	vand.u32 $0xFFFFFFE0, v59  }
0x45: {  	v3 =	vor.u32 v3, v4  }
0x46: {  	v4 =	vperm.xlane v3, v0;
	_ =	sdelay $0x1  }
0x47: {  	v4 =	vadd.s32 v1, v4;
	_ =	sdelay $0x1  }
0x48: {  	v3 =	vperm.xlane v3, v2;
	_ =	sdelay $0x1  }
0x49: {  	s25 =	simm.s32 $0x6400;
	v3 =	vadd.s32 v1, v3  }
0x4a: {  	[tilespmem:s25], [sflag:$0x2] =	stream.indirect_vreg.gather [hbm4b:s1+s4], $0x80, v4, vm0, $0xb8;
	[tilespmem:$0x10400] =	vst v63  }
0x4b: {  	s26 =	simm.s32 $0x6C00  }
0x4c: {  	[tilespmem:s26], [sflag:$0x2] =	stream.indirect_vreg.gather [hbm4b:s8+s4], $0x80, v4, vm0, $0xb8;
	[tilespmem:$0x10400] =	vst v63  }
0x4d: {  	s17 =	simm.s32 $0x7400  }
0x4e: {  	[tilespmem:s17], [sflag:$0x2] =	stream.indirect_vreg.gather [hbm4b:s1+s4], $0x80, v3, vm0, $0xb8;
	[tilespmem:$0x10400] =	vst v63  }
0x4f: {  	s19 =	simm.s32 $0x7C00  }
0x50: {  	[tilespmem:s19], [sflag:$0x2] =	stream.indirect_vreg.gather [hbm4b:s8+s4], $0x80, v3, vm0, $0xb8;
	[tilespmem:$0x10400] =	vst v63  }
0x51: {  	v3 =	vld [tilespmem:$0x40];
	_ =	sdelay $0x4  }
0x52: {  	v60 =	vshll.u32 v3, $0x2  }
0x53: {  	v3 =	vand.u32 $0x7, v3;
	v4 =	vand.u32 $0xFFFFFFE0, v60  }
0x54: {  	v3 =	vor.u32 v3, v4  }
0x55: {  	v4 =	vperm.xlane v3, v0;
	_ =	sdelay $0x1  }
0x56: {  	v4 =	vadd.s32 v1, v4;
	_ =	sdelay $0x1  }
0x57: {  	v3 =	vperm.xlane v3, v2;
	_ =	sdelay $0x1  }
0x58: {  	v3 =	vadd.s32 v1, v3  }
0x59: {  	[tilespmem:s31], [sflag:$0x3] =	stream.indirect_vreg.gather [hbm4b:s1+s4], $0x80, v4, vm0, $0xb8;
	[tilespmem:$0x10400] =	vst v63  }
0x5a: {  	s20 =	simm.s32 $0x8C00  }
0x5b: {  	[tilespmem:s20], [sflag:$0x3] =	stream.indirect_vreg.gather [hbm4b:s8+s4], $0x80, v4, vm0, $0xb8;
	[tilespmem:$0x10400] =	vst v63  }
0x5c: {  	s21 =	simm.s32 $0x9400  }
0x5d: {  	[tilespmem:s21], [sflag:$0x3] =	stream.indirect_vreg.gather [hbm4b:s1+s4], $0x80, v3, vm0, $0xb8;
	[tilespmem:$0x10400] =	vst v63  }
0x5e: {  	s23 =	simm.s32 $0x9C00  }
0x5f: {  	[tilespmem:s23], [sflag:$0x3] =	stream.indirect_vreg.gather [hbm4b:s8+s4], $0x80, v3, vm0, $0xb8;
	[tilespmem:$0x10400] =	vst v63  }
0x60: {  	v3 =	vld [tilespmem:$0x50];
	_ =	sdelay $0x4  }
0x61: {  	v61 =	vshll.u32 v3, $0x2  }
0x62: {  	v3 =	vand.u32 $0x7, v3;
	v4 =	vand.u32 $0xFFFFFFE0, v61  }
0x63: {  	v3 =	vor.u32 v3, v4  }
0x64: {  	v4 =	vperm.xlane v3, v0;
	_ =	sdelay $0x1  }
0x65: {  	v4 =	vadd.s32 v1, v4;
	_ =	sdelay $0x1  }
0x66: {  	v3 =	vperm.xlane v3, v2;
	_ =	sdelay $0x1  }
0x67: {  	s24 =	simm.s32 $0xA400;
	v3 =	vadd.s32 v1, v3  }
0x68: {  	[tilespmem:s24], [sflag:$0x3] =	stream.indirect_vreg.gather [hbm4b:s1+s4], $0x80, v4, vm0, $0xb8;
	[tilespmem:$0x10400] =	vst v63  }
0x69: {  	s25 =	simm.s32 $0xAC00  }
0x6a: {  	[tilespmem:s25], [sflag:$0x3] =	stream.indirect_vreg.gather [hbm4b:s8+s4], $0x80, v4, vm0, $0xb8;
	[tilespmem:$0x10400] =	vst v63  }
0x6b: {  	s26 =	simm.s32 $0xB400  }
0x6c: {  	[tilespmem:s26], [sflag:$0x3] =	stream.indirect_vreg.gather [hbm4b:s1+s4], $0x80, v3, vm0, $0xb8;
	[tilespmem:$0x10400] =	vst v63  }
0x6d: {  	s17 =	simm.s32 $0xBC00  }
0x6e: {  	[tilespmem:s17], [sflag:$0x3] =	stream.indirect_vreg.gather [hbm4b:s8+s4], $0x80, v3, vm0, $0xb8;
	[tilespmem:$0x10400] =	vst v63  }
0x6f: {  	v3 =	vld [tilespmem:$0x60];
	_ =	sdelay $0x4  }
0x70: {  	v62 =	vshll.u32 v3, $0x2  }
0x71: {  	v3 =	vand.u32 $0x7, v3;
	v4 =	vand.u32 $0xFFFFFFE0, v62  }
0x72: {  	v3 =	vor.u32 v3, v4  }
0x73: {  	v4 =	vperm.xlane v3, v0;
	_ =	sdelay $0x1  }
0x74: {  	v4 =	vadd.s32 v1, v4;
	_ =	sdelay $0x1  }
0x75: {  	v3 =	vperm.xlane v3, v2;
	_ =	sdelay $0x1  }
0x76: {  	v3 =	vadd.s32 v1, v3  }
0x77: {  	[tilespmem:s18], [sflag:$0x4] =	stream.indirect_vreg.gather [hbm4b:s1+s4], $0x80, v4, vm0, $0xb8;
	[tilespmem:$0x10400] =	vst v63  }
0x78: {  	s19 =	simm.s32 $0xCC00  }
0x79: {  	[tilespmem:s19], [sflag:$0x4] =	stream.indirect_vreg.gather [hbm4b:s8+s4], $0x80, v4, vm0, $0xb8;
	[tilespmem:$0x10400] =	vst v63  }
0x7a: {  	s20 =	simm.s32 $0xD400  }
0x7b: {  	[tilespmem:s20], [sflag:$0x4] =	stream.indirect_vreg.gather [hbm4b:s1+s4], $0x80, v3, vm0, $0xb8;
	[tilespmem:$0x10400] =	vst v63  }
0x7c: {  	s21 =	simm.s32 $0xDC00  }
0x7d: {  	[tilespmem:s21], [sflag:$0x4] =	stream.indirect_vreg.gather [hbm4b:s8+s4], $0x80, v3, vm0, $0xb8;
	[tilespmem:$0x10400] =	vst v63  }
0x7e: {  	v3 =	vld [tilespmem:$0x70];
	_ =	sdelay $0x4  }
0x7f: {  	v63 =	vshll.u32 v3, $0x2  }
0x80: {  	v3 =	vand.u32 $0x7, v3;
	v4 =	vand.u32 $0xFFFFFFE0, v63  }
0x81: {  	v3 =	vor.u32 v3, v4  }
0x82: {  	v4 =	vperm.xlane v3, v0;
	_ =	sdelay $0x1  }
0x83: {  	v4 =	vadd.s32 v1, v4;
	_ =	sdelay $0x1  }
0x84: {  	v3 =	vperm.xlane v3, v2;
	_ =	sdelay $0x1  }
0x85: {  	s23 =	simm.s32 $0xE400;
	v3 =	vadd.s32 v1, v3  }
0x86: {  	[tilespmem:s23], [sflag:$0x4] =	stream.indirect_vreg.gather [hbm4b:s1+s4], $0x80, v4, vm0, $0xb8;
	[tilespmem:$0x10400] =	vst v63  }
0x87: {  	s24 =	simm.s32 $0xEC00  }
0x88: {  	[tilespmem:s24], [sflag:$0x4] =	stream.indirect_vreg.gather [hbm4b:s8+s4], $0x80, v4, vm0, $0xb8;
	[tilespmem:$0x10400] =	vst v63  }
0x89: {  	s25 =	simm.s32 $0xF400  }
0x8a: {  	[tilespmem:s25], [sflag:$0x4] =	stream.indirect_vreg.gather [hbm4b:s1+s4], $0x80, v3, vm0, $0xb8;
	[tilespmem:$0x10400] =	vst v63  }
0x8b: {  	s26 =	simm.s32 $0xFC00;
	s17 =	simm.s32 $0x0  }
0x8c: {  	[tilespmem:s26], [sflag:$0x4] =	stream.indirect_vreg.gather [hbm4b:s8+s4], $0x80, v3, vm0, $0xb8;
	[tilespmem:$0x10400] =	vst v63  }
.LBB2_2:
0x8d: {  	p0 =	seq.s32 s17, $0x0  }
0x8e: {  	s19 =	simm.s32 @!p0 $0x7  }
0x8f: {  	_ =	swait.ge @!p0 [sflag:s19], $0x4000  }
0x90: {  	s20 =	sshll.u32 @!p0 s17, $0x7;
	[sflag:s19] =	ssyncset.done @!p0 $0x0  }
0x91: {  	s20 =	sand.u32 @!p0 $0x3FFFFF80, s20;
	[sflag:s19] =	ssyncadd.s32 @!p0 $0xFFFFC000  }
0x92: {  	v3 =	vld @!p0 [tilespmem:s20+$0x40];
	_ =	sdelay $0x4  }
0x93: {  	v4 =	vshll.u32 @!p0 v3, $0x2  }
0x94: {  	v5 =	vlaneseq.u32 @!p0;
	v3 =	vand.u32 @!p0 $0x7, v3;
	v4 =	vand.u32 @!p0 $0xFFFFFFE0, v4  }
0x95: {  	v6 =	vshrl.u32 @!p0 v5, $0x3;
	v3 =	vor.u32 @!p0 v3, v4;
	v4 =	vand.u32 @!p0 $0x7, v5  }
0x96: {  	v6 =	vmul.u32 @!p0 $0x8, v6;
	v7 =	vperm.xlane @!p0 v3, v4;
	_ =	sdelay $0x1  }
0x97: {  	v7 =	vadd.s32 @!p0 v6, v7  }
0x98: {  	v5 =	vor.u32 @!p0 $0x8, v5  }
0x99: {  	v3 =	vperm.xlane @!p0 v3, v5;
	_ =	sdelay $0x1  }
0x9a: {  	vm1 =	vmmov @!p0 $0xffff;
	s21 =	simm.s32 @!p0 $0x8400;
	s19 =	simm.s32 @!p0 $0x0;
	v3 =	vadd.s32 @!p0 v6, v3  }
0x9b: {  	[tilespmem:s21], [sflag:$0x3] =	stream.indirect_vreg.gather @!p0 [hbm4b:s1+s19], $0x80, v7, vm1, $0xb8;
	[tilespmem:$0x10400] =	vst v63  }
0x9c: {  	s21 =	simm.s32 @!p0 $0x8C00  }
0x9d: {  	[tilespmem:s21], [sflag:$0x3] =	stream.indirect_vreg.gather @!p0 [hbm4b:s8+s19], $0x80, v7, vm1, $0xb8;
	[tilespmem:$0x10400] =	vst v63  }
0x9e: {  	s21 =	simm.s32 @!p0 $0x9400  }
0x9f: {  	[tilespmem:s21], [sflag:$0x3] =	stream.indirect_vreg.gather @!p0 [hbm4b:s1+s19], $0x80, v3, vm1, $0xb8;
	[tilespmem:$0x10400] =	vst v63  }
0xa0: {  	s21 =	simm.s32 @!p0 $0x9C00  }
0xa1: {  	[tilespmem:s21], [sflag:$0x3] =	stream.indirect_vreg.gather @!p0 [hbm4b:s8+s19], $0x80, v3, vm1, $0xb8;
	[tilespmem:$0x10400] =	vst v63  }
0xa2: {  	v3 =	vld @!p0 [tilespmem:s20+$0x50];
	_ =	sdelay $0x4  }
0xa3: {  	v7 =	vshll.u32 @!p0 v3, $0x2  }
0xa4: {  	v3 =	vand.u32 @!p0 $0x7, v3;
	v7 =	vand.u32 @!p0 $0xFFFFFFE0, v7  }
0xa5: {  	v3 =	vor.u32 @!p0 v3, v7  }
0xa6: {  	v4 =	vperm.xlane @!p0 v3, v4;
	_ =	sdelay $0x1  }
0xa7: {  	v4 =	vadd.s32 @!p0 v6, v4;
	_ =	sdelay $0x1  }
0xa8: {  	v3 =	vperm.xlane @!p0 v3, v5;
	_ =	sdelay $0x1  }
0xa9: {  	s21 =	simm.s32 @!p0 $0xA400;
	v3 =	vadd.s32 @!p0 v6, v3  }
0xaa: {  	[tilespmem:s21], [sflag:$0x3] =	stream.indirect_vreg.gather @!p0 [hbm4b:s1+s19], $0x80, v4, vm1, $0xb8;
	[tilespmem:$0x10400] =	vst v63  }
0xab: {  	s21 =	simm.s32 @!p0 $0xAC00  }
0xac: {  	[tilespmem:s21], [sflag:$0x3] =	stream.indirect_vreg.gather @!p0 [hbm4b:s8+s19], $0x80, v4, vm1, $0xb8;
	[tilespmem:$0x10400] =	vst v63  }
0xad: {  	s21 =	simm.s32 @!p0 $0xB400  }
0xae: {  	[tilespmem:s21], [sflag:$0x3] =	stream.indirect_vreg.gather @!p0 [hbm4b:s1+s19], $0x80, v3, vm1, $0xb8;
	[tilespmem:$0x10400] =	vst v63  }
0xaf: {  	s21 =	simm.s32 @!p0 $0xBC00  }
0xb0: {  	[tilespmem:s21], [sflag:$0x3] =	stream.indirect_vreg.gather @!p0 [hbm4b:s8+s19], $0x80, v3, vm1, $0xb8;
	[tilespmem:$0x10400] =	vst v63  }
0xb1: {  	s25 =	simm.s32 $0x0;
	_ =	swait.ge [sflag:s28], $0x4000  }
0xb2: {  	s26 =	sand.u32 $0x3000, s25;
	s19 =	sand.u32 $0x380, s25;
	[sflag:s28] =	ssyncset.done $0x0  }
0xb3: {  	s21 =	sor.u32 s19, s26;
	[sflag:s28] =	ssyncadd.s32 $0xFFFFC000  }
0xb4: {  	v3 =	vld [tilespmem:s21+$0x870]  }
0xb5: {  	v4 =	vld [tilespmem:s21+$0xC00]  }
0xb6: {  	v5 =	vld [tilespmem:s21+$0xC10]  }
0xb7: {  	v6 =	vld [tilespmem:s21+$0x860]  }
0xb8: {  	v7 =	vld [tilespmem:s21+$0x850]  }
0xb9: {  	v8 =	vld [tilespmem:s21+$0xC20]  }
0xba: {  	v9 =	vld [tilespmem:s21+$0x840]  }
0xbb: {  	v10 =	vld [tilespmem:s21+$0x1070]  }
0xbc: {  	v11 =	vld [tilespmem:s21+$0x1010]  }
0xbd: {  	v12 =	vld [tilespmem:s21+$0x1050]  }
0xbe: {  	v16 =	vld [tilespmem:s21+$0xC30]  }
0xbf: {  	v17 =	vld [tilespmem:s21+$0xC40]  }
0xc0: {  	v14 =	vld [tilespmem:s21+$0x1000]  }
0xc1: {  	v13 =	vld [tilespmem:s21+$0x1040]  }
0xc2: {  	v15 =	vld [tilespmem:s21+$0x830];
	v11 =	vmul.f32 $2.262741660e+01, v11  }
0xc3: {  	v18 =	vld [tilespmem:s21+$0x820];
	v10 =	vmul.f32 $2.262741660e+01, v10  }
0xc4: {  	v19 =	vld [tilespmem:s21+$0x810];
	v12 =	vmul.f32 $2.262741660e+01, v12;
	[tilespmem:s21+$0x1010] =	vst v11  }
0xc5: {  	v20 =	vld [tilespmem:s21+$0x460];
	v14 =	vmul.f32 $2.262741660e+01, v14;
	[tilespmem:s21+$0x1070] =	vst v10  }
0xc6: {  	v24 =	vld [tilespmem:s21+$0x400];
	v11 =	vmul.f32 $2.262741660e+01, v13;
	[tilespmem:s21+$0x1050] =	vst v12  }
0xc7: {  	v15 =	vmul.f32 $2.262741660e+01, v15;
	v10 =	vld [tilespmem:s21+$0x1020];
	[tilespmem:s21+$0x1000] =	vst v14  }
0xc8: {  	v13 =	vld [tilespmem:s21+$0x800];
	[tilespmem:s21+$0x1040] =	vst v11;
	v11 =	vmul.f32 $2.262741660e+01, v18  }
0xc9: {  	v12 =	vld [tilespmem:s21+$0x470];
	[tilespmem:s21+$0x830] =	vst v15;
	v18 =	vmul.f32 $2.262741660e+01, v9;
	v9 =	vmul.f32 $2.262741660e+01, v19  }
0xca: {  	v22 =	vld [tilespmem:s21+$0xC60];
	v21 =	vmul.f32 $2.262741660e+01, v7;
	v20 =	vmul.f32 $2.262741660e+01, v20;
	[tilespmem:s21+$0x820] =	vst v11  }
0xcb: {  	v23 =	vld [tilespmem:s21+$0xC70];
	v11 =	vmul.f32 $2.262741660e+01, v6;
	[tilespmem:s21+$0x810] =	vst v9;
	v9 =	vmul.f32 $2.262741660e+01, v8  }
0xcc: {  	[tilespmem:s21+$0x460] =	vst v20;
	v19 =	vld [tilespmem:s21+$0xC50];
	v8 =	vmul.f32 $2.262741660e+01, v24;
	v7 =	vmul.f32 $2.262741660e+01, v10  }
0xcd: {  	v14 =	vld [tilespmem:s21+$0x410];
	[tilespmem:s21+$0x850] =	vst v21;
	v6 =	vmul.f32 $2.262741660e+01, v13;
	v10 =	vmul.f32 $2.262741660e+01, v3  }
0xce: {  	v15 =	vld [tilespmem:s21+$0x440];
	[tilespmem:s21+$0x840] =	vst v18;
	v3 =	vmul.f32 $2.262741660e+01, v12;
	v12 =	vmul.f32 $2.262741660e+01, v4  }
0xcf: {  	v13 =	vmul.f32 $2.262741660e+01, v5;
	v4 =	vmul.f32 $2.262741660e+01, v16;
	v16 =	vld [tilespmem:s21+$0x420];
	[tilespmem:s21+$0x1020] =	vst v7  }
0xd0: {  	v5 =	vmul.f32 $2.262741660e+01, v22;
	[tilespmem:s21+$0x800] =	vst v6;
	v7 =	vmul.f32 $2.262741660e+01, v17;
	v17 =	vld [tilespmem:s21+$0x430]  }
0xd1: {  	s23 =	simm.s32 $0x200;
	s24 =	simm.s32 $0x80;
	s19 =	sshll.u32 s17, $0x7;
	v18 =	vld [tilespmem:s21+$0x1030];
	[tilespmem:s21+$0x470] =	vst v3;
	v6 =	vmul.f32 $2.262741660e+01, v19;
	v3 =	vmul.f32 $2.262741660e+01, v23  }
.LBB2_3:
0xd2: {  	s25 =	sand.u32 $0x3000, s23;
	s26 =	sand.u32 $0x380, s24;
	v14 =	vmul.f32 $2.262741660e+01, v14;
	[tilespmem:s21+$0x860] =	vst v11;
	v11 =	vld [tilespmem:s21+$0x1060]  }
0xd3: {  	p1 =	sne.s32 s23, $0x3E00;
	s23 =	sadd.s32 $0x200, s23;
	s25 =	sor.u32 s26, s25;
	v15 =	vmul.f32 $2.262741660e+01, v15;
	v19 =	vld [tilespmem:s21+$0x450];
	[tilespmem:s21+$0x870] =	vst v10  }
0xd4: {  	v10 =	vld [tilespmem:s25+$0x870];
	v16 =	vmul.f32 $2.262741660e+01, v16;
	[tilespmem:s21+$0xC00] =	vst v12  }
0xd5: {  	v12 =	vld [tilespmem:s25+$0xC00];
	v17 =	vmul.f32 $2.262741660e+01, v17;
	[tilespmem:s21+$0xC10] =	vst v13  }
0xd6: {  	v13 =	vld [tilespmem:s25+$0xC10];
	[tilespmem:s21+$0x420] =	vst v16;
	v16 =	vmul.f32 $2.262741660e+01, v18  }
0xd7: {  	v18 =	vld [tilespmem:s25+$0x860];
	[tilespmem:s21+$0x430] =	vst v17;
	v11 =	vmul.f32 $2.262741660e+01, v11  }
0xd8: {  	v17 =	vld [tilespmem:s25+$0x850];
	v19 =	vmul.f32 $2.262741660e+01, v19;
	[tilespmem:s21+$0xC20] =	vst v9  }
0xd9: {  	v9 =	vld [tilespmem:s25+$0xC20];
	[tilespmem:s21+$0x1030] =	vst v16  }
0xda: {  	v16 =	vld [tilespmem:s25+$0x840];
	[tilespmem:s21+$0x450] =	vst v19  }
0xdb: {  	v19 =	vld [tilespmem:s25+$0x1070];
	[tilespmem:s21+$0x440] =	vst v15  }
0xdc: {  	v15 =	vld [tilespmem:s25+$0x1010];
	[tilespmem:s21+$0x1060] =	vst v11  }
0xdd: {  	v11 =	vld [tilespmem:s25+$0x1050];
	[tilespmem:s21+$0xC30] =	vst v4  }
0xde: {  	v4 =	vld [tilespmem:s25+$0xC30];
	[tilespmem:s21+$0xC40] =	vst v7  }
0xdf: {  	v7 =	vld [tilespmem:s25+$0xC40];
	[tilespmem:s21+$0x410] =	vst v14  }
0xe0: {  	v14 =	vld [tilespmem:s25+$0x1040];
	[tilespmem:s21+$0xC50] =	vst v6  }
0xe1: {  	v19 =	vmul.f32 $2.262741660e+01, v19;
	v6 =	vld [tilespmem:s25+$0x1000];
	[tilespmem:s21+$0xC60] =	vst v5  }
0xe2: {  	v5 =	vld [tilespmem:s25+$0x830];
	[tilespmem:s21+$0x400] =	vst v8  }
0xe3: {  	v15 =	vmul.f32 $2.262741660e+01, v15;
	v8 =	vld [tilespmem:s25+$0x820];
	[tilespmem:s21+$0xC70] =	vst v3;
	s21 =	smov.u32 s25  }
0xe4: {  	v11 =	vmul.f32 $2.262741660e+01, v11;
	v3 =	vld [tilespmem:s21+$0x810];
	[tilespmem:s21+$0x1070] =	vst v19  }
0xe5: {  	v19 =	vmul.f32 $2.262741660e+01, v16;
	[tilespmem:s21+$0x1010] =	vst v15;
	v15 =	vld [tilespmem:s21+$0x1020];
	v14 =	vmul.f32 $2.262741660e+01, v14  }
0xe6: {  	v20 =	vmul.f32 $2.262741660e+01, v17;
	v16 =	vld [tilespmem:s21+$0x800];
	v6 =	vmul.f32 $2.262741660e+01, v6;
	[tilespmem:s21+$0x1050] =	vst v11  }
0xe7: {  	v11 =	vmul.f32 $2.262741660e+01, v18;
	v17 =	vld [tilespmem:s21+$0x470];
	v5 =	vmul.f32 $2.262741660e+01, v5;
	[tilespmem:s21+$0x1040] =	vst v14  }
0xe8: {  	v10 =	vmul.f32 $2.262741660e+01, v10;
	v18 =	vld [tilespmem:s21+$0x460];
	v8 =	vmul.f32 $2.262741660e+01, v8;
	[tilespmem:s21+$0x1000] =	vst v6  }
0xe9: {  	v12 =	vmul.f32 $2.262741660e+01, v12;
	v3 =	vmul.f32 $2.262741660e+01, v3;
	[tilespmem:s21+$0x830] =	vst v5;
	v5 =	vld [tilespmem:s21+$0xC50]  }
0xea: {  	v13 =	vmul.f32 $2.262741660e+01, v13;
	[tilespmem:s21+$0x820] =	vst v8;
	v8 =	vld [tilespmem:s21+$0xC60];
	v6 =	vmul.f32 $2.262741660e+01, v15  }
0xeb: {  	v9 =	vmul.f32 $2.262741660e+01, v9;
	v15 =	vmul.f32 $2.262741660e+01, v16;
	[tilespmem:s21+$0x810] =	vst v3;
	v3 =	vld [tilespmem:s21+$0xC70]  }
0xec: {  	v4 =	vmul.f32 $2.262741660e+01, v4;
	v21 =	vld [tilespmem:s21+$0x400];
	v16 =	vmul.f32 $2.262741660e+01, v17;
	[tilespmem:s21+$0x1020] =	vst v6  }
.Ltmp0:
0xed: {  	v7 =	vmul.f32 $2.262741660e+01, v7;
	v14 =	vld [tilespmem:s21+$0x410];
	v17 =	vmul.f32 $2.262741660e+01, v18;
	[tilespmem:s21+$0x800] =	vst v15;
	(pc) =	sbr.rel @p1 .LBB2_3-.Ltmp0, $4  }
0xee: {  	v15 =	vld [tilespmem:s21+$0x440];
	[tilespmem:s21+$0x470] =	vst v16;
	v6 =	vmul.f32 $2.262741660e+01, v5  }
0xef: {  	v16 =	vld [tilespmem:s21+$0x420];
	[tilespmem:s21+$0x460] =	vst v17;
	v5 =	vmul.f32 $2.262741660e+01, v8  }
0xf0: {  	v17 =	vld [tilespmem:s21+$0x430];
	[tilespmem:s21+$0x840] =	vst v19;
	v3 =	vmul.f32 $2.262741660e+01, v3  }
0xf1: {  	s24 =	sadd.s32 $0x80, s24;
	v8 =	vmul.f32 $2.262741660e+01, v21;
	[tilespmem:s21+$0x850] =	vst v20;
	v18 =	vld [tilespmem:s21+$0x1030]  }
0xf2: {  	[tilespmem:s21+$0x860] =	vst v11  }
0xf3: {  	[tilespmem:s21+$0x870] =	vst v10  }
0xf4: {  	[tilespmem:s21+$0xC00] =	vst v12  }
0xf5: {  	[tilespmem:s21+$0xC10] =	vst v13  }
0xf6: {  	[tilespmem:s21+$0xC20] =	vst v9  }
0xf7: {  	[tilespmem:s21+$0xC30] =	vst v4  }
0xf8: {  	[tilespmem:s21+$0xC40] =	vst v7  }
0xf9: {  	[tilespmem:s21+$0xC50] =	vst v6  }
0xfa: {  	[tilespmem:s21+$0xC60] =	vst v5  }
0xfb: {  	v11 =	vld [tilespmem:s21+$0x450];
	[tilespmem:s21+$0xC70] =	vst v3;
	v9 =	vmul.f32 $2.262741660e+01, v15  }
0xfc: {  	v12 =	vld [tilespmem:s21+$0x1060];
	[tilespmem:s21+$0x400] =	vst v8;
	v10 =	vmul.f32 $2.262741660e+01, v16  }
0xfd: {  	v16 =	vmul.f32 $2.262741660e+01, v17;
	[tilespmem:s21+$0x440] =	vst v9  }
0xfe: {  	v9 =	vmul.f32 $2.262741660e+01, v14;
	[tilespmem:s21+$0x420] =	vst v10  }
0xff: {  	v10 =	vmul.f32 $2.262741660e+01, v18;
	[tilespmem:s21+$0x430] =	vst v16  }
0x100: {  	s23 =	sshll.u32 s17, $0x10;
	v11 =	vmul.f32 $2.262741660e+01, v11;
	[tilespmem:s21+$0x410] =	vst v9  }
0x101: {  	s23 =	sadd.s32 s9, s23;
	[tilespmem:s21+$0x1030] =	vst v10;
	v10 =	vmul.f32 $2.262741660e+01, v12  }
0x102: {  	s23 =	sshrl.u32 s23, $0x3;
	[tilespmem:s21+$0x450] =	vst v11  }
0x103: {  	s24 =	sadd.s32 s3, s23;
	[tilespmem:s21+$0x1060] =	vst v10;
	s21 =	simm.s32 @!p0 $0x8  }
0x104: {  	[hbm4b:s24+s4] =	stream.linear.scatter [tilespmem:s14], [sflag:$0x5], $0x4000, $0x38;
	[tilespmem:$0x10400] =	vst v63  }
0x105: {  	_ =	swait.ge @!p0 [sflag:s21], $0x4000  }
0x106: {  	[sflag:s21] =	ssyncset.done @!p0 $0x0  }
0x107: {  	[sflag:s21] =	ssyncadd.s32 @!p0 $0xFFFFC000  }
0x108: {  	v3 =	vld @!p0 [tilespmem:s20+$0x60];
	_ =	sdelay $0x4  }
0x109: {  	v4 =	vshll.u32 @!p0 v3, $0x2  }
0x10a: {  	v5 =	vlaneseq.u32 @!p0;
	v3 =	vand.u32 @!p0 $0x7, v3;
	v4 =	vand.u32 @!p0 $0xFFFFFFE0, v4  }
0x10b: {  	v6 =	vshrl.u32 @!p0 v5, $0x3;
	v3 =	vor.u32 @!p0 v3, v4;
	v4 =	vand.u32 @!p0 $0x7, v5  }
0x10c: {  	v6 =	vmul.u32 @!p0 $0x8, v6;
	v7 =	vperm.xlane @!p0 v3, v4;
	_ =	sdelay $0x1  }
0x10d: {  	v7 =	vadd.s32 @!p0 v6, v7  }
0x10e: {  	v5 =	vor.u32 @!p0 $0x8, v5  }
0x10f: {  	v3 =	vperm.xlane @!p0 v3, v5;
	_ =	sdelay $0x1  }
0x110: {  	s23 =	simm.s32 @!p0 $0xC400;
	s21 =	simm.s32 @!p0 $0x0;
	v3 =	vadd.s32 @!p0 v6, v3  }
0x111: {  	[tilespmem:s23], [sflag:$0x4] =	stream.indirect_vreg.gather @!p0 [hbm4b:s1+s21], $0x80, v7, vm1, $0xb8;
	[tilespmem:$0x10400] =	vst v63  }
0x112: {  	s23 =	simm.s32 @!p0 $0xCC00  }
0x113: {  	[tilespmem:s23], [sflag:$0x4] =	stream.indirect_vreg.gather @!p0 [hbm4b:s8+s21], $0x80, v7, vm1, $0xb8;
	[tilespmem:$0x10400] =	vst v63  }
0x114: {  	s23 =	simm.s32 @!p0 $0xD400  }
0x115: {  	[tilespmem:s23], [sflag:$0x4] =	stream.indirect_vreg.gather @!p0 [hbm4b:s1+s21], $0x80, v3, vm1, $0xb8;
	[tilespmem:$0x10400] =	vst v63  }
0x116: {  	s23 =	simm.s32 @!p0 $0xDC00  }
0x117: {  	[tilespmem:s23], [sflag:$0x4] =	stream.indirect_vreg.gather @!p0 [hbm4b:s8+s21], $0x80, v3, vm1, $0xb8;
	[tilespmem:$0x10400] =	vst v63  }
0x118: {  	v3 =	vld @!p0 [tilespmem:s20+$0x70];
	_ =	sdelay $0x4  }
0x119: {  	v7 =	vshll.u32 @!p0 v3, $0x2  }
0x11a: {  	v3 =	vand.u32 @!p0 $0x7, v3;
	v7 =	vand.u32 @!p0 $0xFFFFFFE0, v7  }
0x11b: {  	v3 =	vor.u32 @!p0 v3, v7  }
0x11c: {  	v4 =	vperm.xlane @!p0 v3, v4;
	_ =	sdelay $0x1  }
0x11d: {  	v4 =	vadd.s32 @!p0 v6, v4;
	_ =	sdelay $0x1  }
0x11e: {  	v3 =	vperm.xlane @!p0 v3, v5;
	_ =	sdelay $0x1  }
0x11f: {  	s20 =	simm.s32 @!p0 $0xE400;
	v3 =	vadd.s32 @!p0 v6, v3  }
0x120: {  	[tilespmem:s20], [sflag:$0x4] =	stream.indirect_vreg.gather @!p0 [hbm4b:s1+s21], $0x80, v4, vm1, $0xb8;
	[tilespmem:$0x10400] =	vst v63  }
0x121: {  	s20 =	simm.s32 @!p0 $0xEC00  }
0x122: {  	[tilespmem:s20], [sflag:$0x4] =	stream.indirect_vreg.gather @!p0 [hbm4b:s8+s21], $0x80, v4, vm1, $0xb8;
	[tilespmem:$0x10400] =	vst v63  }
0x123: {  	s20 =	simm.s32 @!p0 $0xF400  }
0x124: {  	[tilespmem:s20], [sflag:$0x4] =	stream.indirect_vreg.gather @!p0 [hbm4b:s1+s21], $0x80, v3, vm1, $0xb8;
	[tilespmem:$0x10400] =	vst v63  }
0x125: {  	s20 =	simm.s32 @!p0 $0xFC00  }
0x126: {  	[tilespmem:s20], [sflag:$0x4] =	stream.indirect_vreg.gather @!p0 [hbm4b:s8+s21], $0x80, v3, vm1, $0xb8;
	[tilespmem:$0x10400] =	vst v63  }
0x127: {  	s25 =	simm.s32 $0x0;
	_ =	swait.ge [sflag:s29], $0x4000  }
0x128: {  	s26 =	sand.u32 $0x3000, s25;
	s20 =	sand.u32 $0x380, s25;
	[sflag:s29] =	ssyncset.done $0x0  }
0x129: {  	s20 =	sor.u32 s20, s26;
	[sflag:s29] =	ssyncadd.s32 $0xFFFFC000  }
0x12a: {  	v3 =	vld [tilespmem:s20+$0x4870]  }
0x12b: {  	v4 =	vld [tilespmem:s20+$0x4C00]  }
0x12c: {  	v5 =	vld [tilespmem:s20+$0x4C10]  }
0x12d: {  	v6 =	vld [tilespmem:s20+$0x4860]  }
0x12e: {  	v7 =	vld [tilespmem:s20+$0x4850]  }
0x12f: {  	v8 =	vld [tilespmem:s20+$0x4C20]  }
0x130: {  	v9 =	vld [tilespmem:s20+$0x4840]  }
0x131: {  	v10 =	vld [tilespmem:s20+$0x5070]  }
0x132: {  	v11 =	vld [tilespmem:s20+$0x5010]  }
0x133: {  	v12 =	vld [tilespmem:s20+$0x5050]  }
0x134: {  	v16 =	vld [tilespmem:s20+$0x4C30]  }
0x135: {  	v17 =	vld [tilespmem:s20+$0x4C40]  }
0x136: {  	v14 =	vld [tilespmem:s20+$0x5000]  }
0x137: {  	v13 =	vld [tilespmem:s20+$0x5040]  }
0x138: {  	v15 =	vld [tilespmem:s20+$0x4830];
	v11 =	vmul.f32 $2.262741660e+01, v11  }
0x139: {  	v18 =	vld [tilespmem:s20+$0x4820];
	v10 =	vmul.f32 $2.262741660e+01, v10  }
0x13a: {  	v19 =	vld [tilespmem:s20+$0x4810];
	v12 =	vmul.f32 $2.262741660e+01, v12;
	[tilespmem:s20+$0x5010] =	vst v11  }
0x13b: {  	v24 =	vld [tilespmem:s20+$0x4400];
	v14 =	vmul.f32 $2.262741660e+01, v14;
	[tilespmem:s20+$0x5070] =	vst v10  }
0x13c: {  	v10 =	vld [tilespmem:s20+$0x5020];
	v11 =	vmul.f32 $2.262741660e+01, v13;
	[tilespmem:s20+$0x5050] =	vst v12  }
0x13d: {  	v15 =	vmul.f32 $2.262741660e+01, v15;
	v13 =	vld [tilespmem:s20+$0x4800];
	[tilespmem:s20+$0x5000] =	vst v14  }
0x13e: {  	v12 =	vld [tilespmem:s20+$0x4470];
	[tilespmem:s20+$0x5040] =	vst v11;
	v11 =	vmul.f32 $2.262741660e+01, v18  }
0x13f: {  	v20 =	vld [tilespmem:s20+$0x4460];
	[tilespmem:s20+$0x4830] =	vst v15;
	v18 =	vmul.f32 $2.262741660e+01, v9;
	v9 =	vmul.f32 $2.262741660e+01, v19  }
0x140: {  	v22 =	vld [tilespmem:s20+$0x4C60];
	v21 =	vmul.f32 $2.262741660e+01, v7;
	[tilespmem:s20+$0x4820] =	vst v11;
	v11 =	vmul.f32 $2.262741660e+01, v6  }
0x141: {  	v19 =	vld [tilespmem:s20+$0x4C50];
	[tilespmem:s20+$0x4810] =	vst v9;
	v9 =	vmul.f32 $2.262741660e+01, v8;
	v8 =	vmul.f32 $2.262741660e+01, v24  }
0x142: {  	v23 =	vld [tilespmem:s20+$0x4C70];
	[tilespmem:s20+$0x4850] =	vst v21;
	v7 =	vmul.f32 $2.262741660e+01, v10;
	v6 =	vmul.f32 $2.262741660e+01, v13  }
0x143: {  	v14 =	vld [tilespmem:s20+$0x4410];
	[tilespmem:s20+$0x4840] =	vst v18;
	v10 =	vmul.f32 $2.262741660e+01, v3;
	v3 =	vmul.f32 $2.262741660e+01, v12  }
0x144: {  	v15 =	vld [tilespmem:s20+$0x4440];
	v12 =	vmul.f32 $2.262741660e+01, v4;
	v4 =	vmul.f32 $2.262741660e+01, v20;
	[tilespmem:s20+$0x5020] =	vst v7  }
0x145: {  	v13 =	vmul.f32 $2.262741660e+01, v5;
	v5 =	vmul.f32 $2.262741660e+01, v16;
	v16 =	vld [tilespmem:s20+$0x4420];
	[tilespmem:s20+$0x4800] =	vst v6  }
0x146: {  	[tilespmem:s20+$0x4470] =	vst v3;
	v7 =	vmul.f32 $2.262741660e+01, v17;
	v6 =	vmul.f32 $2.262741660e+01, v19;
	v17 =	vld [tilespmem:s20+$0x4430]  }
0x147: {  	s23 =	simm.s32 $0x80;
	s21 =	simm.s32 $0x200;
	v18 =	vld [tilespmem:s20+$0x5030];
	[tilespmem:s20+$0x4460] =	vst v4;
	v4 =	vmul.f32 $2.262741660e+01, v22;
	v3 =	vmul.f32 $2.262741660e+01, v23  }
.LBB2_5:
0x148: {  	s24 =	sand.u32 $0x3000, s21;
	s25 =	sand.u32 $0x380, s23;
	v14 =	vmul.f32 $2.262741660e+01, v14;
	[tilespmem:s20+$0x4860] =	vst v11;
	v11 =	vld [tilespmem:s20+$0x5060]  }
0x149: {  	p0 =	sne.s32 s21, $0x3E00;
	s21 =	sadd.s32 $0x200, s21;
	s24 =	sor.u32 s25, s24;
	v15 =	vmul.f32 $2.262741660e+01, v15;
	v19 =	vld [tilespmem:s20+$0x4450];
	[tilespmem:s20+$0x4870] =	vst v10  }
0x14a: {  	v10 =	vld [tilespmem:s24+$0x4870];
	v16 =	vmul.f32 $2.262741660e+01, v16;
	[tilespmem:s20+$0x4C00] =	vst v12  }
0x14b: {  	v12 =	vld [tilespmem:s24+$0x4C00];
	v17 =	vmul.f32 $2.262741660e+01, v17;
	[tilespmem:s20+$0x4C10] =	vst v13  }
0x14c: {  	v13 =	vld [tilespmem:s24+$0x4C10];
	[tilespmem:s20+$0x4420] =	vst v16;
	v16 =	vmul.f32 $2.262741660e+01, v18  }
0x14d: {  	v18 =	vld [tilespmem:s24+$0x4860];
	[tilespmem:s20+$0x4430] =	vst v17;
	v11 =	vmul.f32 $2.262741660e+01, v11  }
0x14e: {  	v17 =	vld [tilespmem:s24+$0x4850];
	v19 =	vmul.f32 $2.262741660e+01, v19;
	[tilespmem:s20+$0x4C20] =	vst v9  }
0x14f: {  	v9 =	vld [tilespmem:s24+$0x4C20];
	[tilespmem:s20+$0x5030] =	vst v16  }
0x150: {  	v16 =	vld [tilespmem:s24+$0x4840];
	[tilespmem:s20+$0x4450] =	vst v19  }
0x151: {  	v19 =	vld [tilespmem:s24+$0x5070];
	[tilespmem:s20+$0x4440] =	vst v15  }
0x152: {  	v15 =	vld [tilespmem:s24+$0x5010];
	[tilespmem:s20+$0x5060] =	vst v11  }
0x153: {  	v11 =	vld [tilespmem:s24+$0x5050];
	[tilespmem:s20+$0x4C30] =	vst v5  }
0x154: {  	v5 =	vld [tilespmem:s24+$0x4C30];
	[tilespmem:s20+$0x4C40] =	vst v7  }
0x155: {  	v7 =	vld [tilespmem:s24+$0x4C40];
	[tilespmem:s20+$0x4410] =	vst v14  }
0x156: {  	v14 =	vld [tilespmem:s24+$0x5040];
	[tilespmem:s20+$0x4C50] =	vst v6  }
0x157: {  	v19 =	vmul.f32 $2.262741660e+01, v19;
	v6 =	vld [tilespmem:s24+$0x5000];
	[tilespmem:s20+$0x4C60] =	vst v4  }
0x158: {  	v4 =	vld [tilespmem:s24+$0x4830];
	[tilespmem:s20+$0x4400] =	vst v8  }
0x159: {  	v15 =	vmul.f32 $2.262741660e+01, v15;
	v8 =	vld [tilespmem:s24+$0x4820];
	[tilespmem:s20+$0x4C70] =	vst v3;
	s20 =	smov.u32 s24  }
0x15a: {  	v11 =	vmul.f32 $2.262741660e+01, v11;
	v3 =	vld [tilespmem:s20+$0x4810];
	[tilespmem:s20+$0x5070] =	vst v19  }
0x15b: {  	v19 =	vmul.f32 $2.262741660e+01, v16;
	[tilespmem:s20+$0x5010] =	vst v15;
	v15 =	vld [tilespmem:s20+$0x5020];
	v14 =	vmul.f32 $2.262741660e+01, v14  }
0x15c: {  	v20 =	vmul.f32 $2.262741660e+01, v17;
	v16 =	vld [tilespmem:s20+$0x4800];
	v6 =	vmul.f32 $2.262741660e+01, v6;
	[tilespmem:s20+$0x5050] =	vst v11  }
0x15d: {  	v11 =	vmul.f32 $2.262741660e+01, v18;
	v17 =	vld [tilespmem:s20+$0x4470];
	v4 =	vmul.f32 $2.262741660e+01, v4;
	[tilespmem:s20+$0x5040] =	vst v14  }
0x15e: {  	v10 =	vmul.f32 $2.262741660e+01, v10;
	v18 =	vld [tilespmem:s20+$0x4460];
	v8 =	vmul.f32 $2.262741660e+01, v8;
	[tilespmem:s20+$0x5000] =	vst v6  }
0x15f: {  	v12 =	vmul.f32 $2.262741660e+01, v12;
	v3 =	vmul.f32 $2.262741660e+01, v3;
	[tilespmem:s20+$0x4830] =	vst v4;
	v4 =	vld [tilespmem:s20+$0x4C50]  }
0x160: {  	v13 =	vmul.f32 $2.262741660e+01, v13;
	[tilespmem:s20+$0x4820] =	vst v8;
	v8 =	vld [tilespmem:s20+$0x4C60];
	v6 =	vmul.f32 $2.262741660e+01, v15  }
0x161: {  	v9 =	vmul.f32 $2.262741660e+01, v9;
	v15 =	vmul.f32 $2.262741660e+01, v16;
	[tilespmem:s20+$0x4810] =	vst v3;
	v3 =	vld [tilespmem:s20+$0x4C70]  }
0x162: {  	v5 =	vmul.f32 $2.262741660e+01, v5;
	v21 =	vld [tilespmem:s20+$0x4400];
	v16 =	vmul.f32 $2.262741660e+01, v17;
	[tilespmem:s20+$0x5020] =	vst v6  }
.Ltmp1:
0x163: {  	v7 =	vmul.f32 $2.262741660e+01, v7;
	v14 =	vld [tilespmem:s20+$0x4410];
	v17 =	vmul.f32 $2.262741660e+01, v18;
	[tilespmem:s20+$0x4800] =	vst v15;
	(pc) =	sbr.rel @p0 .LBB2_5-.Ltmp1, $4  }
0x164: {  	v15 =	vld [tilespmem:s20+$0x4440];
	[tilespmem:s20+$0x4470] =	vst v16;
	v6 =	vmul.f32 $2.262741660e+01, v4  }
0x165: {  	v16 =	vld [tilespmem:s20+$0x4420];
	[tilespmem:s20+$0x4460] =	vst v17;
	v4 =	vmul.f32 $2.262741660e+01, v8  }
0x166: {  	v17 =	vld [tilespmem:s20+$0x4430];
	[tilespmem:s20+$0x4840] =	vst v19;
	v3 =	vmul.f32 $2.262741660e+01, v3  }
0x167: {  	s23 =	sadd.s32 $0x80, s23;
	v8 =	vmul.f32 $2.262741660e+01, v21;
	[tilespmem:s20+$0x4850] =	vst v20;
	v18 =	vld [tilespmem:s20+$0x5030]  }
0x168: {  	[tilespmem:s20+$0x4860] =	vst v11  }
0x169: {  	[tilespmem:s20+$0x4870] =	vst v10  }
0x16a: {  	[tilespmem:s20+$0x4C00] =	vst v12  }
0x16b: {  	[tilespmem:s20+$0x4C10] =	vst v13  }
0x16c: {  	[tilespmem:s20+$0x4C20] =	vst v9  }
0x16d: {  	[tilespmem:s20+$0x4C30] =	vst v5  }
0x16e: {  	[tilespmem:s20+$0x4C40] =	vst v7  }
0x16f: {  	[tilespmem:s20+$0x4C50] =	vst v6  }
0x170: {  	[tilespmem:s20+$0x4C60] =	vst v4  }
0x171: {  	v11 =	vld [tilespmem:s20+$0x4450];
	[tilespmem:s20+$0x4C70] =	vst v3;
	v9 =	vmul.f32 $2.262741660e+01, v15  }
0x172: {  	v12 =	vld [tilespmem:s20+$0x5060];
	[tilespmem:s20+$0x4400] =	vst v8;
	v10 =	vmul.f32 $2.262741660e+01, v16  }
0x173: {  	v16 =	vmul.f32 $2.262741660e+01, v17;
	[tilespmem:s20+$0x4440] =	vst v9  }
0x174: {  	s21 =	sadd.s32 s19, s5;
	v9 =	vmul.f32 $2.262741660e+01, v14;
	[tilespmem:s20+$0x4420] =	vst v10  }
0x175: {  	s21 =	sshll.u32 s21, $0x9;
	v10 =	vmul.f32 $2.262741660e+01, v18;
	[tilespmem:s20+$0x4430] =	vst v16  }
0x176: {  	s21 =	sadd.s32 s6, s21;
	v11 =	vmul.f32 $2.262741660e+01, v11;
	[tilespmem:s20+$0x4410] =	vst v9  }
0x177: {  	s23 =	sadd.s32 $0x4000, s21;
	[tilespmem:s20+$0x5030] =	vst v10;
	v10 =	vmul.f32 $2.262741660e+01, v12  }
0x178: {  	s23 =	sshrl.u32 s23, $0x3;
	[tilespmem:s20+$0x4450] =	vst v11  }
0x179: {  	s24 =	sadd.s32 s3, s23;
	[tilespmem:s20+$0x5060] =	vst v10  }
0x17a: {  	[hbm4b:s24+s4] =	stream.linear.scatter [tilespmem:s22], [sflag:$0x6], $0x4000, $0x38;
	[tilespmem:$0x10400] =	vst v63  }
0x17b: {  	p0 =	seq.s32 s17, $0x7;
	_ =	swait.ge [sflag:s30], $0x4000  }
0x17c: {  	s20 =	sshll.u32 @!p0 s17, $0x7;
	[sflag:s30] =	ssyncset.done $0x0  }
0x17d: {  	s20 =	sand.u32 @!p0 $0x3FFFFF80, s20;
	[sflag:s30] =	ssyncadd.s32 $0xFFFFC000  }
0x17e: {  	v3 =	vld @!p0 [tilespmem:s20+$0x80];
	_ =	sdelay $0x4  }
0x17f: {  	v4 =	vshll.u32 @!p0 v3, $0x2  }
0x180: {  	v5 =	vlaneseq.u32 @!p0;
	v3 =	vand.u32 @!p0 $0x7, v3;
	v4 =	vand.u32 @!p0 $0xFFFFFFE0, v4  }
0x181: {  	v6 =	vshrl.u32 @!p0 v5, $0x3;
	v3 =	vor.u32 @!p0 v3, v4;
	v4 =	vand.u32 @!p0 $0x7, v5  }
0x182: {  	v6 =	vmul.u32 @!p0 $0x8, v6;
	v7 =	vperm.xlane @!p0 v3, v4;
	_ =	sdelay $0x1  }
0x183: {  	v7 =	vadd.s32 @!p0 v6, v7  }
0x184: {  	v5 =	vor.u32 @!p0 $0x8, v5  }
0x185: {  	v3 =	vperm.xlane @!p0 v3, v5;
	_ =	sdelay $0x1  }
0x186: {  	vm1 =	vmmov @!p0 $0xffff;
	s23 =	simm.s32 @!p0 $0x0;
	s24 =	simm.s32 @!p0 $0x400;
	v3 =	vadd.s32 @!p0 v6, v3  }
0x187: {  	[tilespmem:s24], [sflag:$0x1] =	stream.indirect_vreg.gather @!p0 [hbm4b:s1+s23], $0x80, v7, vm1, $0xb8;
	[tilespmem:$0x10400] =	vst v63  }
0x188: {  	s24 =	simm.s32 @!p0 $0xC00  }
0x189: {  	[tilespmem:s24], [sflag:$0x1] =	stream.indirect_vreg.gather @!p0 [hbm4b:s8+s23], $0x80, v7, vm1, $0xb8;
	[tilespmem:$0x10400] =	vst v63  }
0x18a: {  	s24 =	simm.s32 @!p0 $0x1400  }
0x18b: {  	[tilespmem:s24], [sflag:$0x1] =	stream.indirect_vreg.gather @!p0 [hbm4b:s1+s23], $0x80, v3, vm1, $0xb8;
	[tilespmem:$0x10400] =	vst v63  }
0x18c: {  	s24 =	simm.s32 @!p0 $0x1C00  }
0x18d: {  	[tilespmem:s24], [sflag:$0x1] =	stream.indirect_vreg.gather @!p0 [hbm4b:s8+s23], $0x80, v3, vm1, $0xb8;
	[tilespmem:$0x10400] =	vst v63  }
0x18e: {  	v3 =	vld @!p0 [tilespmem:s20+$0x90];
	_ =	sdelay $0x4  }
0x18f: {  	v7 =	vshll.u32 @!p0 v3, $0x2  }
0x190: {  	v3 =	vand.u32 @!p0 $0x7, v3;
	v7 =	vand.u32 @!p0 $0xFFFFFFE0, v7  }
0x191: {  	v3 =	vor.u32 @!p0 v3, v7  }
0x192: {  	v4 =	vperm.xlane @!p0 v3, v4;
	_ =	sdelay $0x1  }
0x193: {  	v4 =	vadd.s32 @!p0 v6, v4;
	_ =	sdelay $0x1  }
0x194: {  	v3 =	vperm.xlane @!p0 v3, v5;
	_ =	sdelay $0x1  }
0x195: {  	s24 =	simm.s32 @!p0 $0x2400;
	v3 =	vadd.s32 @!p0 v6, v3  }
0x196: {  	[tilespmem:s24], [sflag:$0x1] =	stream.indirect_vreg.gather @!p0 [hbm4b:s1+s23], $0x80, v4, vm1, $0xb8;
	[tilespmem:$0x10400] =	vst v63  }
0x197: {  	s24 =	simm.s32 @!p0 $0x2C00  }
0x198: {  	[tilespmem:s24], [sflag:$0x1] =	stream.indirect_vreg.gather @!p0 [hbm4b:s8+s23], $0x80, v4, vm1, $0xb8;
	[tilespmem:$0x10400] =	vst v63  }
0x199: {  	s24 =	simm.s32 @!p0 $0x3400  }
0x19a: {  	[tilespmem:s24], [sflag:$0x1] =	stream.indirect_vreg.gather @!p0 [hbm4b:s1+s23], $0x80, v3, vm1, $0xb8;
	[tilespmem:$0x10400] =	vst v63  }
0x19b: {  	s24 =	simm.s32 @!p0 $0x3C00  }
0x19c: {  	[tilespmem:s24], [sflag:$0x1] =	stream.indirect_vreg.gather @!p0 [hbm4b:s8+s23], $0x80, v3, vm1, $0xb8;
	[tilespmem:$0x10400] =	vst v63  }
0x19d: {  	s25 =	simm.s32 $0x0;
	_ =	swait.ge [sflag:s0], $0x4000  }
0x19e: {  	s26 =	sand.u32 $0x3000, s25;
	s23 =	sand.u32 $0x380, s25;
	[sflag:s0] =	ssyncset.done $0x0  }
0x19f: {  	s23 =	sor.u32 s23, s26;
	[sflag:s0] =	ssyncadd.s32 $0xFFFFC000  }
0x1a0: {  	v3 =	vld [tilespmem:s23+$0x8870]  }
0x1a1: {  	v4 =	vld [tilespmem:s23+$0x8C00]  }
0x1a2: {  	v5 =	vld [tilespmem:s23+$0x8C10]  }
0x1a3: {  	v6 =	vld [tilespmem:s23+$0x8860]  }
0x1a4: {  	v7 =	vld [tilespmem:s23+$0x8850]  }
0x1a5: {  	v8 =	vld [tilespmem:s23+$0x8C20]  }
0x1a6: {  	v9 =	vld [tilespmem:s23+$0x8840]  }
0x1a7: {  	v10 =	vld [tilespmem:s23+$0x9070]  }
0x1a8: {  	v11 =	vld [tilespmem:s23+$0x9010]  }
0x1a9: {  	v12 =	vld [tilespmem:s23+$0x9050]  }
0x1aa: {  	v16 =	vld [tilespmem:s23+$0x8C30]  }
0x1ab: {  	v17 =	vld [tilespmem:s23+$0x8C40]  }
0x1ac: {  	v14 =	vld [tilespmem:s23+$0x9000]  }
0x1ad: {  	v13 =	vld [tilespmem:s23+$0x9040]  }
0x1ae: {  	v15 =	vld [tilespmem:s23+$0x8830];
	v11 =	vmul.f32 $2.262741660e+01, v11  }
0x1af: {  	v18 =	vld [tilespmem:s23+$0x8820];
	v10 =	vmul.f32 $2.262741660e+01, v10  }
0x1b0: {  	v19 =	vld [tilespmem:s23+$0x8810];
	v12 =	vmul.f32 $2.262741660e+01, v12;
	[tilespmem:s23+$0x9010] =	vst v11  }
0x1b1: {  	v20 =	vld [tilespmem:s23+$0x8460];
	v14 =	vmul.f32 $2.262741660e+01, v14;
	[tilespmem:s23+$0x9070] =	vst v10  }
0x1b2: {  	v24 =	vld [tilespmem:s23+$0x8400];
	v11 =	vmul.f32 $2.262741660e+01, v13;
	[tilespmem:s23+$0x9050] =	vst v12  }
0x1b3: {  	v15 =	vmul.f32 $2.262741660e+01, v15;
	v10 =	vld [tilespmem:s23+$0x9020];
	[tilespmem:s23+$0x9000] =	vst v14  }
0x1b4: {  	v13 =	vld [tilespmem:s23+$0x8800];
	[tilespmem:s23+$0x9040] =	vst v11;
	v11 =	vmul.f32 $2.262741660e+01, v18  }
0x1b5: {  	v12 =	vld [tilespmem:s23+$0x8470];
	[tilespmem:s23+$0x8830] =	vst v15;
	v18 =	vmul.f32 $2.262741660e+01, v9;
	v9 =	vmul.f32 $2.262741660e+01, v19  }
0x1b6: {  	v22 =	vld [tilespmem:s23+$0x8C60];
	v21 =	vmul.f32 $2.262741660e+01, v7;
	v20 =	vmul.f32 $2.262741660e+01, v20;
	[tilespmem:s23+$0x8820] =	vst v11  }
0x1b7: {  	v19 =	vld [tilespmem:s23+$0x8C50];
	v11 =	vmul.f32 $2.262741660e+01, v6;
	[tilespmem:s23+$0x8810] =	vst v9;
	v9 =	vmul.f32 $2.262741660e+01, v8  }
0x1b8: {  	v23 =	vld [tilespmem:s23+$0x8C70];
	[tilespmem:s23+$0x8460] =	vst v20;
	v8 =	vmul.f32 $2.262741660e+01, v24;
	v7 =	vmul.f32 $2.262741660e+01, v10  }
0x1b9: {  	v14 =	vld [tilespmem:s23+$0x8410];
	[tilespmem:s23+$0x8850] =	vst v21;
	v6 =	vmul.f32 $2.262741660e+01, v13;
	v10 =	vmul.f32 $2.262741660e+01, v3  }
0x1ba: {  	v15 =	vld [tilespmem:s23+$0x8440];
	[tilespmem:s23+$0x8840] =	vst v18;
	v3 =	vmul.f32 $2.262741660e+01, v12;
	v12 =	vmul.f32 $2.262741660e+01, v4  }
0x1bb: {  	v13 =	vmul.f32 $2.262741660e+01, v5;
	v4 =	vmul.f32 $2.262741660e+01, v16;
	v16 =	vld [tilespmem:s23+$0x8420];
	[tilespmem:s23+$0x9020] =	vst v7  }
0x1bc: {  	[tilespmem:s23+$0x8800] =	vst v6;
	v7 =	vmul.f32 $2.262741660e+01, v17;
	v5 =	vmul.f32 $2.262741660e+01, v19;
	v17 =	vld [tilespmem:s23+$0x8430]  }
0x1bd: {  	s24 =	simm.s32 $0x200;
	s25 =	simm.s32 $0x80;
	v18 =	vld [tilespmem:s23+$0x9030];
	[tilespmem:s23+$0x8470] =	vst v3;
	v6 =	vmul.f32 $2.262741660e+01, v22;
	v3 =	vmul.f32 $2.262741660e+01, v23  }
.LBB2_7:
0x1be: {  	s26 =	sand.u32 $0x3000, s24;
	s7 =	sand.u32 $0x380, s25;
	v14 =	vmul.f32 $2.262741660e+01, v14;
	[tilespmem:s23+$0x8860] =	vst v11;
	v11 =	vld [tilespmem:s23+$0x9060]  }
0x1bf: {  	p1 =	sne.s32 s24, $0x3E00;
	s24 =	sadd.s32 $0x200, s24;
	s7 =	sor.u32 s7, s26;
	v15 =	vmul.f32 $2.262741660e+01, v15;
	v19 =	vld [tilespmem:s23+$0x8450];
	[tilespmem:s23+$0x8870] =	vst v10  }
0x1c0: {  	v10 =	vld [tilespmem:s7+$0x8870];
	v16 =	vmul.f32 $2.262741660e+01, v16;
	[tilespmem:s23+$0x8C00] =	vst v12  }
0x1c1: {  	v12 =	vld [tilespmem:s7+$0x8C00];
	v17 =	vmul.f32 $2.262741660e+01, v17;
	[tilespmem:s23+$0x8C10] =	vst v13  }
0x1c2: {  	v13 =	vld [tilespmem:s7+$0x8C10];
	[tilespmem:s23+$0x8420] =	vst v16;
	v16 =	vmul.f32 $2.262741660e+01, v18  }
0x1c3: {  	v18 =	vld [tilespmem:s7+$0x8860];
	[tilespmem:s23+$0x8430] =	vst v17;
	v11 =	vmul.f32 $2.262741660e+01, v11  }
0x1c4: {  	v17 =	vld [tilespmem:s7+$0x8850];
	v19 =	vmul.f32 $2.262741660e+01, v19;
	[tilespmem:s23+$0x8C20] =	vst v9  }
0x1c5: {  	v9 =	vld [tilespmem:s7+$0x8C20];
	[tilespmem:s23+$0x9030] =	vst v16  }
0x1c6: {  	v16 =	vld [tilespmem:s7+$0x8840];
	[tilespmem:s23+$0x8450] =	vst v19  }
0x1c7: {  	v19 =	vld [tilespmem:s7+$0x9070];
	[tilespmem:s23+$0x8440] =	vst v15  }
0x1c8: {  	v15 =	vld [tilespmem:s7+$0x9010];
	[tilespmem:s23+$0x9060] =	vst v11  }
0x1c9: {  	v11 =	vld [tilespmem:s7+$0x9050];
	[tilespmem:s23+$0x8C30] =	vst v4  }
0x1ca: {  	v4 =	vld [tilespmem:s7+$0x8C30];
	[tilespmem:s23+$0x8C40] =	vst v7  }
0x1cb: {  	v7 =	vld [tilespmem:s7+$0x8C40];
	[tilespmem:s23+$0x8410] =	vst v14  }
0x1cc: {  	v14 =	vld [tilespmem:s7+$0x9040];
	[tilespmem:s23+$0x8C50] =	vst v5  }
0x1cd: {  	v19 =	vmul.f32 $2.262741660e+01, v19;
	v5 =	vld [tilespmem:s7+$0x9000];
	[tilespmem:s23+$0x8C60] =	vst v6  }
0x1ce: {  	v6 =	vld [tilespmem:s7+$0x8830];
	[tilespmem:s23+$0x8400] =	vst v8  }
0x1cf: {  	v15 =	vmul.f32 $2.262741660e+01, v15;
	v8 =	vld [tilespmem:s7+$0x8820];
	[tilespmem:s23+$0x8C70] =	vst v3;
	s23 =	smov.u32 s7  }
0x1d0: {  	v11 =	vmul.f32 $2.262741660e+01, v11;
	v3 =	vld [tilespmem:s23+$0x8810];
	[tilespmem:s23+$0x9070] =	vst v19  }
0x1d1: {  	v19 =	vmul.f32 $2.262741660e+01, v16;
	[tilespmem:s23+$0x9010] =	vst v15;
	v15 =	vld [tilespmem:s23+$0x9020];
	v14 =	vmul.f32 $2.262741660e+01, v14  }
0x1d2: {  	v20 =	vmul.f32 $2.262741660e+01, v17;
	v16 =	vld [tilespmem:s23+$0x8800];
	v5 =	vmul.f32 $2.262741660e+01, v5;
	[tilespmem:s23+$0x9050] =	vst v11  }
0x1d3: {  	v11 =	vmul.f32 $2.262741660e+01, v18;
	v17 =	vld [tilespmem:s23+$0x8470];
	v6 =	vmul.f32 $2.262741660e+01, v6;
	[tilespmem:s23+$0x9040] =	vst v14  }
0x1d4: {  	v10 =	vmul.f32 $2.262741660e+01, v10;
	v18 =	vld [tilespmem:s23+$0x8460];
	v8 =	vmul.f32 $2.262741660e+01, v8;
	[tilespmem:s23+$0x9000] =	vst v5  }
0x1d5: {  	v12 =	vmul.f32 $2.262741660e+01, v12;
	v3 =	vmul.f32 $2.262741660e+01, v3;
	[tilespmem:s23+$0x8830] =	vst v6;
	v5 =	vld [tilespmem:s23+$0x8C50]  }
0x1d6: {  	v13 =	vmul.f32 $2.262741660e+01, v13;
	[tilespmem:s23+$0x8820] =	vst v8;
	v6 =	vld [tilespmem:s23+$0x8C60];
	v8 =	vmul.f32 $2.262741660e+01, v15  }
0x1d7: {  	v9 =	vmul.f32 $2.262741660e+01, v9;
	v15 =	vmul.f32 $2.262741660e+01, v16;
	[tilespmem:s23+$0x8810] =	vst v3;
	v3 =	vld [tilespmem:s23+$0x8C70]  }
0x1d8: {  	v4 =	vmul.f32 $2.262741660e+01, v4;
	v21 =	vld [tilespmem:s23+$0x8400];
	v16 =	vmul.f32 $2.262741660e+01, v17;
	[tilespmem:s23+$0x9020] =	vst v8  }
.Ltmp2:
0x1d9: {  	v7 =	vmul.f32 $2.262741660e+01, v7;
	v14 =	vld [tilespmem:s23+$0x8410];
	v8 =	vmul.f32 $2.262741660e+01, v18;
	[tilespmem:s23+$0x8800] =	vst v15;
	(pc) =	sbr.rel @p1 .LBB2_7-.Ltmp2, $4  }
0x1da: {  	v15 =	vld [tilespmem:s23+$0x8440];
	[tilespmem:s23+$0x8470] =	vst v16;
	v5 =	vmul.f32 $2.262741660e+01, v5  }
0x1db: {  	v16 =	vld [tilespmem:s23+$0x8420];
	[tilespmem:s23+$0x8460] =	vst v8;
	v6 =	vmul.f32 $2.262741660e+01, v6  }
0x1dc: {  	v17 =	vld [tilespmem:s23+$0x8430];
	[tilespmem:s23+$0x8840] =	vst v19;
	v3 =	vmul.f32 $2.262741660e+01, v3  }
0x1dd: {  	s25 =	sadd.s32 $0x80, s25;
	v8 =	vmul.f32 $2.262741660e+01, v21;
	[tilespmem:s23+$0x8850] =	vst v20;
	v18 =	vld [tilespmem:s23+$0x9030]  }
0x1de: {  	[tilespmem:s23+$0x8860] =	vst v11  }
0x1df: {  	[tilespmem:s23+$0x8870] =	vst v10  }
0x1e0: {  	[tilespmem:s23+$0x8C00] =	vst v12  }
0x1e1: {  	[tilespmem:s23+$0x8C10] =	vst v13  }
0x1e2: {  	[tilespmem:s23+$0x8C20] =	vst v9  }
0x1e3: {  	[tilespmem:s23+$0x8C30] =	vst v4  }
0x1e4: {  	[tilespmem:s23+$0x8C40] =	vst v7  }
0x1e5: {  	[tilespmem:s23+$0x8C50] =	vst v5  }
0x1e6: {  	[tilespmem:s23+$0x8C60] =	vst v6  }
0x1e7: {  	v11 =	vld [tilespmem:s23+$0x8450];
	[tilespmem:s23+$0x8C70] =	vst v3;
	v9 =	vmul.f32 $2.262741660e+01, v15  }
0x1e8: {  	v12 =	vld [tilespmem:s23+$0x9060];
	[tilespmem:s23+$0x8400] =	vst v8;
	v10 =	vmul.f32 $2.262741660e+01, v16  }
0x1e9: {  	v16 =	vmul.f32 $2.262741660e+01, v17;
	[tilespmem:s23+$0x8440] =	vst v9  }
0x1ea: {  	v9 =	vmul.f32 $2.262741660e+01, v14;
	[tilespmem:s23+$0x8420] =	vst v10  }
0x1eb: {  	v10 =	vmul.f32 $2.262741660e+01, v18;
	[tilespmem:s23+$0x8430] =	vst v16  }
0x1ec: {  	v11 =	vmul.f32 $2.262741660e+01, v11;
	[tilespmem:s23+$0x8410] =	vst v9  }
0x1ed: {  	s7 =	sadd.s32 $0x8000, s21;
	[tilespmem:s23+$0x9030] =	vst v10;
	v10 =	vmul.f32 $2.262741660e+01, v12  }
0x1ee: {  	s7 =	sshrl.u32 s7, $0x3;
	[tilespmem:s23+$0x8450] =	vst v11  }
0x1ef: {  	s7 =	sadd.s32 s3, s7;
	[tilespmem:s23+$0x9060] =	vst v10  }
0x1f0: {  	[hbm4b:s7+s4] =	stream.linear.scatter [tilespmem:s31], [sflag:$0x7], $0x4000, $0x38;
	[tilespmem:$0x10400] =	vst v63  }
0x1f1: {  	_ =	swait.ge [sflag:s2], $0x4000  }
0x1f2: {  	[sflag:s2] =	ssyncset.done $0x0  }
0x1f3: {  	[sflag:s2] =	ssyncadd.s32 $0xFFFFC000  }
0x1f4: {  	v3 =	vld @!p0 [tilespmem:s20+$0xA0];
	_ =	sdelay $0x4  }
0x1f5: {  	v4 =	vshll.u32 @!p0 v3, $0x2  }
0x1f6: {  	v5 =	vlaneseq.u32 @!p0;
	v3 =	vand.u32 @!p0 $0x7, v3;
	v4 =	vand.u32 @!p0 $0xFFFFFFE0, v4  }
0x1f7: {  	v6 =	vshrl.u32 @!p0 v5, $0x3;
	v3 =	vor.u32 @!p0 v3, v4;
	v4 =	vand.u32 @!p0 $0x7, v5  }
0x1f8: {  	v6 =	vmul.u32 @!p0 $0x8, v6;
	v7 =	vperm.xlane @!p0 v3, v4;
	_ =	sdelay $0x1  }
0x1f9: {  	v7 =	vadd.s32 @!p0 v6, v7  }
0x1fa: {  	v5 =	vor.u32 @!p0 $0x8, v5  }
0x1fb: {  	v3 =	vperm.xlane @!p0 v3, v5;
	_ =	sdelay $0x1  }
0x1fc: {  	s21 =	simm.s32 @!p0 $0x4400;
	s7 =	simm.s32 @!p0 $0x0;
	v3 =	vadd.s32 @!p0 v6, v3  }
0x1fd: {  	[tilespmem:s21], [sflag:$0x2] =	stream.indirect_vreg.gather @!p0 [hbm4b:s1+s7], $0x80, v7, vm1, $0xb8;
	[tilespmem:$0x10400] =	vst v63  }
0x1fe: {  	s21 =	simm.s32 @!p0 $0x4C00  }
0x1ff: {  	[tilespmem:s21], [sflag:$0x2] =	stream.indirect_vreg.gather @!p0 [hbm4b:s8+s7], $0x80, v7, vm1, $0xb8;
	[tilespmem:$0x10400] =	vst v63  }
0x200: {  	s21 =	simm.s32 @!p0 $0x5400  }
0x201: {  	[tilespmem:s21], [sflag:$0x2] =	stream.indirect_vreg.gather @!p0 [hbm4b:s1+s7], $0x80, v3, vm1, $0xb8;
	[tilespmem:$0x10400] =	vst v63  }
0x202: {  	s21 =	simm.s32 @!p0 $0x5C00  }
0x203: {  	[tilespmem:s21], [sflag:$0x2] =	stream.indirect_vreg.gather @!p0 [hbm4b:s8+s7], $0x80, v3, vm1, $0xb8;
	[tilespmem:$0x10400] =	vst v63  }
0x204: {  	v3 =	vld @!p0 [tilespmem:s20+$0xB0];
	_ =	sdelay $0x4  }
0x205: {  	v7 =	vshll.u32 @!p0 v3, $0x2  }
0x206: {  	v3 =	vand.u32 @!p0 $0x7, v3;
	v7 =	vand.u32 @!p0 $0xFFFFFFE0, v7  }
0x207: {  	v3 =	vor.u32 @!p0 v3, v7  }
0x208: {  	v4 =	vperm.xlane @!p0 v3, v4;
	_ =	sdelay $0x1  }
0x209: {  	v4 =	vadd.s32 @!p0 v6, v4;
	_ =	sdelay $0x1  }
0x20a: {  	v3 =	vperm.xlane @!p0 v3, v5;
	_ =	sdelay $0x1  }
0x20b: {  	s20 =	simm.s32 @!p0 $0x6400;
	v3 =	vadd.s32 @!p0 v6, v3  }
0x20c: {  	[tilespmem:s20], [sflag:$0x2] =	stream.indirect_vreg.gather @!p0 [hbm4b:s1+s7], $0x80, v4, vm1, $0xb8;
	[tilespmem:$0x10400] =	vst v63  }
0x20d: {  	s20 =	simm.s32 @!p0 $0x6C00  }
0x20e: {  	[tilespmem:s20], [sflag:$0x2] =	stream.indirect_vreg.gather @!p0 [hbm4b:s8+s7], $0x80, v4, vm1, $0xb8;
	[tilespmem:$0x10400] =	vst v63  }
0x20f: {  	s20 =	simm.s32 @!p0 $0x7400  }
0x210: {  	[tilespmem:s20], [sflag:$0x2] =	stream.indirect_vreg.gather @!p0 [hbm4b:s1+s7], $0x80, v3, vm1, $0xb8;
	[tilespmem:$0x10400] =	vst v63  }
0x211: {  	s20 =	simm.s32 @!p0 $0x7C00  }
0x212: {  	[tilespmem:s20], [sflag:$0x2] =	stream.indirect_vreg.gather @!p0 [hbm4b:s8+s7], $0x80, v3, vm1, $0xb8;
	[tilespmem:$0x10400] =	vst v63  }
0x213: {  	s25 =	simm.s32 $0x0;
	_ =	swait.ge [sflag:s11], $0x4000  }
0x214: {  	s26 =	sand.u32 $0x3000, s25;
	s7 =	sand.u32 $0x380, s25;
	[sflag:s11] =	ssyncset.done $0x0  }
0x215: {  	s20 =	sor.u32 s7, s26;
	[sflag:s11] =	ssyncadd.s32 $0xFFFFC000  }
0x216: {  	v3 =	vld [tilespmem:s20+$0xC870]  }
0x217: {  	v4 =	vld [tilespmem:s20+$0xCC00]  }
0x218: {  	v5 =	vld [tilespmem:s20+$0xCC10]  }
0x219: {  	v6 =	vld [tilespmem:s20+$0xC860]  }
0x21a: {  	v7 =	vld [tilespmem:s20+$0xC850]  }
0x21b: {  	v8 =	vld [tilespmem:s20+$0xCC20]  }
0x21c: {  	v9 =	vld [tilespmem:s20+$0xC840]  }
0x21d: {  	v10 =	vld [tilespmem:s20+$0xD070]  }
0x21e: {  	v11 =	vld [tilespmem:s20+$0xD010]  }
0x21f: {  	v12 =	vld [tilespmem:s20+$0xD050]  }
0x220: {  	v16 =	vld [tilespmem:s20+$0xCC30]  }
0x221: {  	v17 =	vld [tilespmem:s20+$0xCC40]  }
0x222: {  	v14 =	vld [tilespmem:s20+$0xD000]  }
0x223: {  	v13 =	vld [tilespmem:s20+$0xD040]  }
0x224: {  	v15 =	vld [tilespmem:s20+$0xC830];
	v11 =	vmul.f32 $2.262741660e+01, v11  }
0x225: {  	v18 =	vld [tilespmem:s20+$0xC820];
	v10 =	vmul.f32 $2.262741660e+01, v10  }
0x226: {  	v19 =	vld [tilespmem:s20+$0xC810];
	v12 =	vmul.f32 $2.262741660e+01, v12;
	[tilespmem:s20+$0xD010] =	vst v11  }
0x227: {  	v20 =	vld [tilespmem:s20+$0xC460];
	v14 =	vmul.f32 $2.262741660e+01, v14;
	[tilespmem:s20+$0xD070] =	vst v10  }
0x228: {  	v24 =	vld [tilespmem:s20+$0xC400];
	v11 =	vmul.f32 $2.262741660e+01, v13;
	[tilespmem:s20+$0xD050] =	vst v12  }
0x229: {  	v15 =	vmul.f32 $2.262741660e+01, v15;
	v10 =	vld [tilespmem:s20+$0xD020];
	[tilespmem:s20+$0xD000] =	vst v14  }
0x22a: {  	v13 =	vld [tilespmem:s20+$0xC800];
	[tilespmem:s20+$0xD040] =	vst v11;
	v11 =	vmul.f32 $2.262741660e+01, v18  }
0x22b: {  	v12 =	vld [tilespmem:s20+$0xC470];
	[tilespmem:s20+$0xC830] =	vst v15;
	v18 =	vmul.f32 $2.262741660e+01, v9;
	v9 =	vmul.f32 $2.262741660e+01, v19  }
0x22c: {  	v22 =	vld [tilespmem:s20+$0xCC60];
	v21 =	vmul.f32 $2.262741660e+01, v7;
	v20 =	vmul.f32 $2.262741660e+01, v20;
	[tilespmem:s20+$0xC820] =	vst v11  }
0x22d: {  	v23 =	vld [tilespmem:s20+$0xCC70];
	v11 =	vmul.f32 $2.262741660e+01, v6;
	[tilespmem:s20+$0xC810] =	vst v9;
	v9 =	vmul.f32 $2.262741660e+01, v8  }
0x22e: {  	[tilespmem:s20+$0xC460] =	vst v20;
	v19 =	vld [tilespmem:s20+$0xCC50];
	v8 =	vmul.f32 $2.262741660e+01, v24;
	v7 =	vmul.f32 $2.262741660e+01, v10  }
0x22f: {  	v14 =	vld [tilespmem:s20+$0xC410];
	[tilespmem:s20+$0xC850] =	vst v21;
	v6 =	vmul.f32 $2.262741660e+01, v13;
	v10 =	vmul.f32 $2.262741660e+01, v3  }
0x230: {  	v15 =	vld [tilespmem:s20+$0xC440];
	[tilespmem:s20+$0xC840] =	vst v18;
	v3 =	vmul.f32 $2.262741660e+01, v12;
	v12 =	vmul.f32 $2.262741660e+01, v4  }
0x231: {  	v13 =	vmul.f32 $2.262741660e+01, v5;
	v4 =	vmul.f32 $2.262741660e+01, v16;
	v16 =	vld [tilespmem:s20+$0xC420];
	[tilespmem:s20+$0xD020] =	vst v7  }
0x232: {  	v5 =	vmul.f32 $2.262741660e+01, v22;
	[tilespmem:s20+$0xC800] =	vst v6;
	v7 =	vmul.f32 $2.262741660e+01, v17;
	v17 =	vld [tilespmem:s20+$0xC430]  }
0x233: {  	s19 =	sor.u32 $0x60, s19;
	s23 =	simm.s32 $0x80;
	s21 =	simm.s32 $0x200;
	v18 =	vld [tilespmem:s20+$0xD030];
	[tilespmem:s20+$0xC470] =	vst v3;
	v6 =	vmul.f32 $2.262741660e+01, v19;
	v3 =	vmul.f32 $2.262741660e+01, v23  }
.LBB2_9:
0x234: {  	s7 =	sand.u32 $0x3000, s21;
	s24 =	sand.u32 $0x380, s23;
	v14 =	vmul.f32 $2.262741660e+01, v14;
	[tilespmem:s20+$0xC860] =	vst v11;
	v11 =	vld [tilespmem:s20+$0xD060]  }
0x235: {  	p0 =	sne.s32 s21, $0x3E00;
	s21 =	sadd.s32 $0x200, s21;
	s7 =	sor.u32 s24, s7;
	v15 =	vmul.f32 $2.262741660e+01, v15;
	v19 =	vld [tilespmem:s20+$0xC450];
	[tilespmem:s20+$0xC870] =	vst v10  }
0x236: {  	v10 =	vld [tilespmem:s7+$0xC870];
	v16 =	vmul.f32 $2.262741660e+01, v16;
	[tilespmem:s20+$0xCC00] =	vst v12  }
0x237: {  	v12 =	vld [tilespmem:s7+$0xCC00];
	v17 =	vmul.f32 $2.262741660e+01, v17;
	[tilespmem:s20+$0xCC10] =	vst v13  }
0x238: {  	v13 =	vld [tilespmem:s7+$0xCC10];
	[tilespmem:s20+$0xC420] =	vst v16;
	v16 =	vmul.f32 $2.262741660e+01, v18  }
0x239: {  	v18 =	vld [tilespmem:s7+$0xC860];
	[tilespmem:s20+$0xC430] =	vst v17;
	v11 =	vmul.f32 $2.262741660e+01, v11  }
0x23a: {  	v17 =	vld [tilespmem:s7+$0xC850];
	v19 =	vmul.f32 $2.262741660e+01, v19;
	[tilespmem:s20+$0xCC20] =	vst v9  }
0x23b: {  	v9 =	vld [tilespmem:s7+$0xCC20];
	[tilespmem:s20+$0xD030] =	vst v16  }
0x23c: {  	v16 =	vld [tilespmem:s7+$0xC840];
	[tilespmem:s20+$0xC450] =	vst v19  }
0x23d: {  	v19 =	vld [tilespmem:s7+$0xD070];
	[tilespmem:s20+$0xC440] =	vst v15  }
0x23e: {  	v15 =	vld [tilespmem:s7+$0xD010];
	[tilespmem:s20+$0xD060] =	vst v11  }
0x23f: {  	v11 =	vld [tilespmem:s7+$0xD050];
	[tilespmem:s20+$0xCC30] =	vst v4  }
0x240: {  	v4 =	vld [tilespmem:s7+$0xCC30];
	[tilespmem:s20+$0xCC40] =	vst v7  }
0x241: {  	v7 =	vld [tilespmem:s7+$0xCC40];
	[tilespmem:s20+$0xC410] =	vst v14  }
0x242: {  	v14 =	vld [tilespmem:s7+$0xD040];
	[tilespmem:s20+$0xCC50] =	vst v6  }
0x243: {  	v19 =	vmul.f32 $2.262741660e+01, v19;
	v6 =	vld [tilespmem:s7+$0xD000];
	[tilespmem:s20+$0xCC60] =	vst v5  }
0x244: {  	v5 =	vld [tilespmem:s7+$0xC830];
	[tilespmem:s20+$0xC400] =	vst v8  }
0x245: {  	v15 =	vmul.f32 $2.262741660e+01, v15;
	v8 =	vld [tilespmem:s7+$0xC820];
	[tilespmem:s20+$0xCC70] =	vst v3;
	s20 =	smov.u32 s7  }
0x246: {  	v11 =	vmul.f32 $2.262741660e+01, v11;
	v3 =	vld [tilespmem:s20+$0xC810];
	[tilespmem:s20+$0xD070] =	vst v19  }
0x247: {  	v19 =	vmul.f32 $2.262741660e+01, v16;
	[tilespmem:s20+$0xD010] =	vst v15;
	v15 =	vld [tilespmem:s20+$0xD020];
	v14 =	vmul.f32 $2.262741660e+01, v14  }
0x248: {  	v20 =	vmul.f32 $2.262741660e+01, v17;
	v16 =	vld [tilespmem:s20+$0xC800];
	v6 =	vmul.f32 $2.262741660e+01, v6;
	[tilespmem:s20+$0xD050] =	vst v11  }
0x249: {  	v11 =	vmul.f32 $2.262741660e+01, v18;
	v17 =	vld [tilespmem:s20+$0xC470];
	v5 =	vmul.f32 $2.262741660e+01, v5;
	[tilespmem:s20+$0xD040] =	vst v14  }
0x24a: {  	v10 =	vmul.f32 $2.262741660e+01, v10;
	v18 =	vld [tilespmem:s20+$0xC460];
	v8 =	vmul.f32 $2.262741660e+01, v8;
	[tilespmem:s20+$0xD000] =	vst v6  }
0x24b: {  	v12 =	vmul.f32 $2.262741660e+01, v12;
	v3 =	vmul.f32 $2.262741660e+01, v3;
	[tilespmem:s20+$0xC830] =	vst v5;
	v5 =	vld [tilespmem:s20+$0xCC50]  }
0x24c: {  	v13 =	vmul.f32 $2.262741660e+01, v13;
	[tilespmem:s20+$0xC820] =	vst v8;
	v8 =	vld [tilespmem:s20+$0xCC60];
	v6 =	vmul.f32 $2.262741660e+01, v15  }
0x24d: {  	v9 =	vmul.f32 $2.262741660e+01, v9;
	v15 =	vmul.f32 $2.262741660e+01, v16;
	[tilespmem:s20+$0xC810] =	vst v3;
	v3 =	vld [tilespmem:s20+$0xCC70]  }
0x24e: {  	v4 =	vmul.f32 $2.262741660e+01, v4;
	v21 =	vld [tilespmem:s20+$0xC400];
	v16 =	vmul.f32 $2.262741660e+01, v17;
	[tilespmem:s20+$0xD020] =	vst v6  }
.Ltmp3:
0x24f: {  	v7 =	vmul.f32 $2.262741660e+01, v7;
	v14 =	vld [tilespmem:s20+$0xC410];
	v17 =	vmul.f32 $2.262741660e+01, v18;
	[tilespmem:s20+$0xC800] =	vst v15;
	(pc) =	sbr.rel @p0 .LBB2_9-.Ltmp3, $4  }
0x250: {  	v15 =	vld [tilespmem:s20+$0xC440];
	[tilespmem:s20+$0xC470] =	vst v16;
	v6 =	vmul.f32 $2.262741660e+01, v5  }
0x251: {  	v16 =	vld [tilespmem:s20+$0xC420];
	[tilespmem:s20+$0xC460] =	vst v17;
	v5 =	vmul.f32 $2.262741660e+01, v8  }
0x252: {  	v17 =	vld [tilespmem:s20+$0xC430];
	[tilespmem:s20+$0xC840] =	vst v19;
	v3 =	vmul.f32 $2.262741660e+01, v3  }
0x253: {  	s23 =	sadd.s32 $0x80, s23;
	v8 =	vmul.f32 $2.262741660e+01, v21;
	[tilespmem:s20+$0xC850] =	vst v20;
	v18 =	vld [tilespmem:s20+$0xD030]  }
0x254: {  	[tilespmem:s20+$0xC860] =	vst v11  }
0x255: {  	[tilespmem:s20+$0xC870] =	vst v10  }
0x256: {  	[tilespmem:s20+$0xCC00] =	vst v12  }
0x257: {  	[tilespmem:s20+$0xCC10] =	vst v13  }
0x258: {  	[tilespmem:s20+$0xCC20] =	vst v9  }
0x259: {  	[tilespmem:s20+$0xCC30] =	vst v4  }
0x25a: {  	[tilespmem:s20+$0xCC40] =	vst v7  }
0x25b: {  	[tilespmem:s20+$0xCC50] =	vst v6  }
0x25c: {  	[tilespmem:s20+$0xCC60] =	vst v5  }
0x25d: {  	v56 =	vld [tilespmem:s20+$0xC450];
	v63 =	vmul.f32 $2.262741660e+01, v14;
	[tilespmem:s20+$0xCC70] =	vst v3  }
0x25e: {  	v58 =	vld [tilespmem:s20+$0xD060];
	v61 =	vmul.f32 $2.262741660e+01, v15;
	[tilespmem:s20+$0xC400] =	vst v8  }
0x25f: {  	v57 =	vmul.f32 $2.262741660e+01, v16;
	[tilespmem:s20+$0xC410] =	vst v63  }
0x260: {  	s17 =	sadd.s32 $0x1, s17;
	v59 =	vmul.f32 $2.262741660e+01, v17;
	[tilespmem:s20+$0xC440] =	vst v61  }
0x261: {  	s7 =	sadd.s32 s5, s19;
	p0 =	sne.s32 s17, $0x8;
	[tilespmem:s20+$0xC420] =	vst v57;
	v60 =	vmul.f32 $2.262741660e+01, v18  }
.Ltmp4:
0x262: {  	s7 =	sshll.u32 s7, $0x9;
	[tilespmem:s20+$0xC430] =	vst v59;
	v11 =	vmul.f32 $2.262741660e+01, v56;
	(pc) =	sbr.rel @p0 .LBB2_2-.Ltmp4, $4  }
0x263: {  	s7 =	sadd.s32 s6, s7;
	v62 =	vmul.f32 $2.262741660e+01, v58;
	[tilespmem:s20+$0xD030] =	vst v60  }
0x264: {  	s7 =	sshrl.u32 s7, $0x3;
	[tilespmem:s20+$0xC450] =	vst v11  }
0x265: {  	s7 =	sadd.s32 s3, s7;
	[tilespmem:s20+$0xD060] =	vst v62  }
0x266: {  	[hbm4b:s7+s4] =	stream.linear.scatter [tilespmem:s18], [sflag:$0x8], $0x4000, $0x38;
	[tilespmem:$0x10400] =	vst v63  }
0x267: {  	s16 =	sadd.s32 $0x1, s16  }
0x268: {  	_ =	swait.ge [sflag:s12], $0x4000;
	p0 =	sne.s32 s16, s10  }
.Ltmp5:
0x269: {  	[sflag:s12] =	ssyncset.done $0x0;
	(pc) =	sbr.rel @p0 .LBB2_1-.Ltmp5, $4  }
0x26a: {  	[sflag:s12] =	ssyncadd.s32 $0xFFFFC000  }
0x26b: {  	_ =	swait.ge [sflag:s15], $0x4000  }
0x26c: {  	[sflag:s15] =	ssyncset.done $0x0  }
0x26d: {  	[sflag:s15] =	ssyncadd.s32 $0xFFFFC000  }
0x26e: {  	_ =	sfence.sel $0x180000  }
0x26f: {  	[bflag:$0x0] =	sbarrier.arrive $0xFFFF  }
0x270: {  	_ =	strace $0x90000047  }
0x271: {  	s0 =	stileid.u32;
	[bflag:$0x2] =	sbarrier.arrive $0xFFFF  }
0x272: {  	p0 =	sne.s32 s0, $0x0;
	s0 =	rddreg [dreg:$0x3]  }
0x273: {  	s0 =	sadd.s32 @!p0 $0x100000, s0  }
0x274: {  	[sflag:s0] =	ssyncadd.tile.s32 @!p0 $0x1;
	_ =	shalt  }
.Lfunc_end2:
_tile_overlayer_lowered:
.L_overlay_start_2:
0x275: {  	(tag) =	ssettag $0x2  }
0x276: {  	s0 =	rddreg [dreg:$0x0];
	s2 =	stileid.u32  }
0x277: {  	s1 =	rddreg [dreg:$0x1];
	p0 =	sne.s32 s2, $0x0  }
0x278: {  	s3 =	rddreg [dreg:$0x2];
	[bflag:$0x3] =	sbarrier.arrive $0xFFFF;
	s2 =	simm.s32 @!p0 $0x1C09  }
0x279: {  	[timem:s3], [sflag:s2] =	dma.local @!p0 [hbm:s0], s1  }
0x27a: {  	s0 =	simm.s32 @!p0 $0x9  }
0x27b: {  	_ =	swait.ge @!p0 [sflag:s0], s1  }
0x27c: {  	s1 =	ssub.s32 @!p0 $0x0, s1;
	[sflag:s0] =	ssyncset.done @!p0 $0x0  }
0x27d: {  	[sflag:s0] =	ssyncadd.s32 @!p0 s1  }
0x27e: {  	[bflag:$0x3] =	sbarrier.arrive $0xFFFF  }
0x27f: {  	_ =	shalt  }

</sc_bundles>
